<compile_context>
chip_gen: v7x
topology: tpu7x:2x2x1
jax: 0.10.2.dev20260603
libtpu: 0.0.44.dev20260713+nightly
codegen_flags: <defaults>
</compile_context>

<pallas_src>
import functools

import jax
import jax.numpy as jnp
import numpy as np
from jax import lax
from jax.experimental import pallas as pl
from jax.experimental.pallas import tpu as pltpu, tpu_sc as plsc

_B = 64
_N = 4096
_D = 1024
_DE = 128
_TEMP = 1.0
_MIN_TEMPERATURE = 1e-05
_INV_TEMP = 1.0 / max(float(_TEMP), _MIN_TEMPERATURE)

_NS = 256
_NTC = _N - _NS
_G = 8
_CH = 256
_NW = 32
_GPW = _B // _NW


def _proj_body(ns_ref, wp_ref, wsp_ref, bs_ref, sp_ref, stop_ref):
    sp_ref[...] = jnp.dot(ns_ref[...], wp_ref[...],
                          preferred_element_type=jnp.float32)
    stop_ref[...] = jnp.dot(ns_ref[...], wsp_ref[...],
                            preferred_element_type=jnp.float32) + bs_ref[0, 0]


def _proj(node_states, W_proj, W_stop_pad, b_stop_2d):
    return pl.pallas_call(
        _proj_body,
        in_specs=[
            pl.BlockSpec((_B, _D), lambda: (0, 0)),
            pl.BlockSpec((_D, _DE), lambda: (0, 0)),
            pl.BlockSpec((_D, 128), lambda: (0, 0)),
            pl.BlockSpec(memory_space=pltpu.SMEM),
        ],
        out_specs=[
            pl.BlockSpec((_B, _DE), lambda: (0, 0)),
            pl.BlockSpec((_B, 128), lambda: (0, 0)),
        ],
        out_shape=[
            jax.ShapeDtypeStruct((_B, _DE), jnp.float32),
            jax.ShapeDtypeStruct((_B, 128), jnp.float32),
        ],
    )(node_states, W_proj, W_stop_pad, b_stop_2d)


_sc_mesh = plsc.VectorSubcoreMesh(core_axis_name="c", subcore_axis_name="s")


@functools.partial(
    pl.kernel,
    out_type=jax.ShapeDtypeStruct((_B, _NS), jnp.float32),
    mesh=_sc_mesh,
    scratch_types=[
        pltpu.VMEM((_CH, _DE), jnp.float32),
        pltpu.VMEM((_CH, _DE), jnp.float32),
        pltpu.VMEM((_DE,), jnp.float32),
        pltpu.VMEM((_NS,), jnp.float32),
        pltpu.VMEM((16, 16), jnp.float32),
        pltpu.SemaphoreType.DMA,
        pltpu.SemaphoreType.DMA,
    ],
    compiler_params=pltpu.CompilerParams(needs_layout_passes=False),
)
def _sc_score(ef_hbm, sp_hbm, out_hbm, buf0, buf1, spv, logit, tbuf,
              sem0, sem1):
    wid = lax.axis_index("s") * 2 + lax.axis_index("c")
    lane = lax.iota(jnp.int32, 16)
    nchunks = _NS // _CH

    def _bf16_round(v):
        u = plsc.bitcast(v, jnp.uint32)
        tie = (u >> jnp.uint32(16)) & jnp.uint32(1)
        r = (u + jnp.uint32(0x7FFF) + tie) & jnp.uint32(0xFFFF0000)
        return plsc.bitcast(r, jnp.float32)

    def _bf16_round_pair(a, b):
        return _bf16_round(a), _bf16_round(b)

    def do_graph(gi, carry):
        b = wid * _GPW + gi
        pltpu.sync_copy(sp_hbm.at[b], spv)
        spk = []
        for k in range(4):
            a, bb = _bf16_round_pair(spv[pl.ds(32 * k, 16)],
                                     spv[pl.ds(32 * k + 16, 16)])
            spk += [a, bb]

        bufs = (buf0, buf1)
        sems = (sem0, sem1)

        def chunk_cp(c, buf, sem):
            return pltpu.make_async_copy(
                ef_hbm.at[b, pl.ds(_NTC + c * _CH, _CH)], buf, sem)

        chunk_cp(0, bufs[0], sems[0]).start()
        for c in range(nchunks):
            cur, csem = bufs[c % 2], sems[c % 2]
            if c + 1 < nchunks:
                chunk_cp(c + 1, bufs[(c + 1) % 2], sems[(c + 1) % 2]).start()
            chunk_cp(c, cur, csem).wait()

            def grp(g, _, cur=cur, c=c):
                base = g * 16
                for j in range(16):
                    e = base + j
                    acc = None
                    for k in range(4):
                        v0, v1 = _bf16_round_pair(cur[e, pl.ds(32 * k, 16)],
                                                  cur[e, pl.ds(32 * k + 16, 16)])
                        t = spk[2 * k] * v0 + spk[2 * k + 1] * v1
                        acc = t if acc is None else acc + t
                    tbuf[j, :] = acc
                tot = plsc.load_gather(tbuf, [lane, jnp.zeros((16,), jnp.int32)])
                for col in range(1, 16):
                    tot = tot + plsc.load_gather(
                        tbuf, [lane, jnp.full((16,), col, jnp.int32)])
                logit[pl.ds(c * _CH + base, 16)] = tot
                return 0

            lax.fori_loop(0, _CH // 16, grp, 0)
        pltpu.sync_copy(logit, out_hbm.at[b])
        return 0

    lax.fori_loop(0, _GPW, do_graph, 0)


def _tc_edge_body(sp_ref, ef_ref, ge_ref, st_ref, x_scr):
    step = pl.program_id(0)
    base = step * _G
    for g in range(_G):
        sp_g = sp_ref[pl.ds(base + g, 1), :]
        x_scr[pl.ds(g, 1), :] = jax.lax.dot_general(
            sp_g, ef_ref[g], (((1,), (1,)), ((), ())),
            preferred_element_type=jnp.float32)

    x = x_scr[...] * _INV_TEMP
    m = jnp.max(x, axis=1, keepdims=True)
    s = jnp.sum(jnp.exp(x - m), axis=1, keepdims=True)
    pert = x + ge_ref[...]
    pm = jnp.max(pert, axis=1, keepdims=True)
    cols = jax.lax.broadcasted_iota(jnp.int32, (_G, _NTC), 1)
    pidx = jnp.min(jnp.where(pert == pm, cols, _NTC), axis=1, keepdims=True)
    plg = jnp.max(jnp.where(cols == pidx, x, -jnp.inf), axis=1, keepdims=True)
    st_ref[...] = jnp.concatenate(
        [m, s, pm, plg, pidx.astype(jnp.float32),
         jnp.zeros((_G, 123), jnp.float32)], axis=1)


def _tc_edges(sp, edge_feats, g_edges_tc):
    return pl.pallas_call(
        _tc_edge_body,
        grid=(_B // _G,),
        in_specs=[
            pl.BlockSpec((_B, _DE), lambda s: (0, 0)),
            pl.BlockSpec((_G, _NTC, _DE), lambda s: (s, 0, 0)),
            pl.BlockSpec((_G, _NTC), lambda s: (s, 0)),
        ],
        out_specs=pl.BlockSpec((_G, 128), lambda s: (s, 0)),
        out_shape=jax.ShapeDtypeStruct((_B, 128), jnp.float32),
        scratch_shapes=[pltpu.VMEM((_G, _NTC), jnp.float32)],
    )(sp, edge_feats, g_edges_tc)


def _merge_body(xs_ref, st_ref, stop_ref, gs_ref, gstop_ref,
                lpf_ref, act_ref):
    xs = xs_ref[...] * _INV_TEMP
    m_tc = st_ref[:, pl.ds(0, 1)]
    s_tc = st_ref[:, pl.ds(1, 1)]
    pm_tc = st_ref[:, pl.ds(2, 1)]
    plg_tc = st_ref[:, pl.ds(3, 1)]
    pidx_tc = st_ref[:, pl.ds(4, 1)].astype(jnp.int32)
    stop_l = stop_ref[:, pl.ds(0, 1)] * _INV_TEMP

    m_sc = jnp.max(xs, axis=1, keepdims=True)
    s_sc = jnp.sum(jnp.exp(xs - m_sc), axis=1, keepdims=True)
    pert = xs + gs_ref[...]
    pm_sc = jnp.max(pert, axis=1, keepdims=True)
    cols = jax.lax.broadcasted_iota(jnp.int32, (_B, _NS), 1)
    pidx_sc = jnp.min(jnp.where(pert == pm_sc, cols, _NS),
                      axis=1, keepdims=True)
    plg_sc = jnp.max(jnp.where(cols == pidx_sc, xs, -jnp.inf),
                     axis=1, keepdims=True)

    m = jnp.maximum(jnp.maximum(m_tc, m_sc), stop_l)
    lse = m + jnp.log(s_tc * jnp.exp(m_tc - m) + s_sc * jnp.exp(m_sc - m)
                      + jnp.exp(stop_l - m))

    tc_wins = pm_tc >= pm_sc
    pm_e = jnp.maximum(pm_tc, pm_sc)
    eidx = jnp.where(tc_wins, pidx_tc, _NTC + pidx_sc)
    elg = jnp.where(tc_wins, plg_tc, plg_sc)
    pert_stop = stop_l + gstop_ref[:, pl.ds(0, 1)]
    take_stop = pert_stop > pm_e
    action = jnp.where(take_stop, _N, eidx)
    log_pf = jnp.where(take_stop, stop_l, elg) - lse

    lpf_ref[...] = jnp.broadcast_to(log_pf, (_B, 128))
    act_ref[...] = jnp.broadcast_to(action, (_B, 128))


def _merge(x_sc, stats, stop, g_edges_sc, g_stop):
    return pl.pallas_call(
        _merge_body,
        in_specs=[
            pl.BlockSpec((_B, _NS), lambda: (0, 0)),
            pl.BlockSpec((_B, 128), lambda: (0, 0)),
            pl.BlockSpec((_B, 128), lambda: (0, 0)),
            pl.BlockSpec((_B, _NS), lambda: (0, 0)),
            pl.BlockSpec((_B, 128), lambda: (0, 0)),
        ],
        out_specs=[
            pl.BlockSpec((_B, 128), lambda: (0, 0)),
            pl.BlockSpec((_B, 128), lambda: (0, 0)),
        ],
        out_shape=[
            jax.ShapeDtypeStruct((_B, 128), jnp.float32),
            jax.ShapeDtypeStruct((_B, 128), jnp.int32),
        ],
    )(x_sc, stats, stop, g_edges_sc, g_stop)


@jax.jit
def _run(node_states, edge_feats, W_proj, W_stop_pad, b_stop_2d,
         g_edges_tc, g_edges_sc, g_stop):
    sp, stop = _proj(node_states, W_proj, W_stop_pad, b_stop_2d)
    x_sc = _sc_score(edge_feats, sp)
    stats = _tc_edges(sp, edge_feats, g_edges_tc)
    lpf, act = _merge(x_sc, stats, stop, g_edges_sc, g_stop)
    return lpf[:, 0], act[:, 0]


def kernel(node_states, edge_feats, W_proj, W_stop, b_stop):
    u = jax.random.uniform(jax.random.key(1), (_B, _N + 1),
                           dtype=jnp.float32, minval=1e-9, maxval=1.0)
    gumbel = -jnp.log(-jnp.log(u))
    g_edges_tc = gumbel[:, :_NTC]
    g_edges_sc = gumbel[:, _NTC:_N]
    g_stop = jnp.broadcast_to(gumbel[:, _N:], (_B, 128))
    W_stop_pad = jnp.pad(W_stop, ((0, 0), (0, 127)))
    b_stop_2d = b_stop.reshape(1, 1)
    return _run(node_states, edge_feats, W_proj, W_stop_pad, b_stop_2d,
                g_edges_tc, g_edges_sc, g_stop)

# --- scband reference (transcript-rebuilt; emitter-appended) ---
"""Pipeline reference for scband-gflow-net-actor-80049600463283 (READ-ONLY COPY).

The authoritative reference and input builder live on the scoring server;
editing this copy changes nothing except your own understanding.
"""

import jax, jax.numpy as jnp
import numpy as np

B = 64          # num_graphs (batch)
N = 4096        # candidate edge actions per graph
D = 1024        # state_input_dim
DE = 128        # edge feature dim
TEMP = 1.0      # policy_temperature
MIN_TEMPERATURE = 1e-05


def setup_inputs(seed: int = 0) -> dict:
    key = jax.random.key(seed)
    k1, k2, k3, k4 = jax.random.split(key, 4)
    node_states = jax.random.normal(k1, (B, D), dtype=jnp.float32)
    edge_feats = jax.random.normal(k2, (B, N, DE), dtype=jnp.float32)
    # learned parameters (policy scoring projection + stop head)
    W_proj = jax.random.normal(k3, (D, DE), dtype=jnp.float32) * (1.0 / np.sqrt(D))
    W_stop = jax.random.normal(k4, (D, 1), dtype=jnp.float32) * (1.0 / np.sqrt(D))
    b_stop = jnp.zeros((1,), dtype=jnp.float32)
    return {"node_states": node_states, "edge_feats": edge_feats,
            "W_proj": W_proj, "W_stop": W_stop, "b_stop": b_stop}


def reference(node_states, edge_feats, W_proj, W_stop, b_stop):
    # One rollout step of the GFlowNet actor:
    # edge logits via bilinear scoring of state against candidate-edge features,
    # a stop logit from the linear stop_head, temperature-scaled categorical
    # sampling (Gumbel-max), and per-graph log_pf accumulation.
    state_proj = node_states @ W_proj                      # [B, DE]
    edge_logits = jnp.einsum('bnd,bd->bn', edge_feats, state_proj)  # [B, N]
    stop_logit = node_states @ W_stop + b_stop             # [B, 1]
    logits = jnp.concatenate([edge_logits, stop_logit], axis=1)
    temp = max(float(TEMP), MIN_TEMPERATURE)
    logits = logits / temp
    log_probs = jax.nn.log_softmax(logits, axis=-1)        # [B, N+1]
    # Gumbel-max categorical sampling (fixed key for determinism)
    u = jax.random.uniform(jax.random.key(1), log_probs.shape,
                           dtype=jnp.float32, minval=1e-9, maxval=1.0)
    gumbel = -jnp.log(-jnp.log(u))
    actions = jnp.argmax(log_probs + gumbel, axis=-1)      # [B], N == stop action
    log_pf = jnp.take_along_axis(log_probs, actions[:, None], axis=1)[:, 0]  # [B]
    return log_pf, actions

if __name__ == "__main__":
    import jax
    _d = setup_inputs()
    print(jax.jit(kernel)(*tuple(_d.values())))

</pallas_src>

<mosaic_0001>
#map = affine_map<(d0, d1) -> (0, 0, 0)>
#map1 = affine_map<(d0, d1) -> (0, 0)>
module attributes {stable_mosaic.version = 14 : i64} {
  func.func @_sc_score(%arg0: i32, %arg1: i32, %arg2: memref<64x4096x128xf32, #tpu.memory_space<hbm>>, %arg3: memref<64x128xf32, #tpu.memory_space<hbm>>, %arg4: memref<64x256xf32, #tpu.memory_space<hbm>>, %arg5: memref<256x128xf32, #tpu.memory_space<vmem>>, %arg6: memref<256x128xf32, #tpu.memory_space<vmem>>, %arg7: memref<128xf32, #tpu.memory_space<vmem>>, %arg8: memref<256xf32, #tpu.memory_space<vmem>>, %arg9: memref<16x16xf32, #tpu.memory_space<vmem>>, %arg10: memref<!tpu.dma_semaphore, #tpu.memory_space<semaphore_mem>>, %arg11: memref<!tpu.dma_semaphore, #tpu.memory_space<semaphore_mem>>) attributes {dimension_semantics = [#tpu.dimension_semantics<core_parallel>, #tpu.dimension_semantics<subcore_parallel>], iteration_bounds = array<i64: 2, 16>, scalar_prefetch = 0 : i64, scratch_operands = 7 : i64, tpu.core_type = #tpu.core_type<sc_vector_subcore>, window_params = [{transform_indices = #map}, {transform_indices = #map1}, {transform_indices = #map1}]} {
    %mul3A = arith.constant 2 : i32
    %mul3A_0 = arith.muli %arg1, %mul3A : i32
    %add3A = arith.addi %mul3A_0, %arg0 : i32
    %iota3A = tpu.iota {dimensions = array<i32: 0>} : vector<16xi32>
    %scan3A = arith.constant 0 : i32
    %scan3A_1 = arith.constant 0 : i32
    %scan3A_2 = arith.constant 2 : i32
    %scan3A_3 = arith.addi %scan3A_1, %scan3A_2 : i32
    %scan3A_4 = arith.constant 1 : i32
    %scan3A_5 = scf.for %scan3A_7 = %scan3A_1 to %scan3A_3 step %scan3A_4 iter_args(%scan3A_8 = %scan3A) -> (i32)  : i32 {
      %mul3A_9 = arith.constant 2 : i32
      %mul3A_10 = arith.muli %add3A, %mul3A_9 : i32
      %add3A_11 = arith.addi %mul3A_10, %scan3A_7 : i32
      "tpu.region"() ({
        %run_scoped3A = tpu.sem_alloc : memref<!tpu.dma_semaphore, #tpu.memory_space<semaphore_mem>>
        %dma_start3A_166 = arith.constant 0 : i32
        %dma_start3A_167 = tpu.memref_slice %arg3[%add3A_11, %dma_start3A_166] : memref<64x128xf32, #tpu.memory_space<hbm>> -> memref<1x128xf32, #tpu.memory_space<hbm>>
        %dma_start3A_168 = tpu.memref_squeeze %dma_start3A_167 : memref<1x128xf32, #tpu.memory_space<hbm>> -> memref<128xf32, #tpu.memory_space<hbm>>
        %dma_start3A_169 = arith.constant 0 : i32
        %dma_start3A_170 = tpu.memref_slice %arg3[%add3A_11, %dma_start3A_169] : memref<64x128xf32, #tpu.memory_space<hbm>> -> memref<1x128xf32, #tpu.memory_space<hbm>>
        %dma_start3A_171 = tpu.memref_squeeze %dma_start3A_170 : memref<1x128xf32, #tpu.memory_space<hbm>> -> memref<128xf32, #tpu.memory_space<hbm>>
        tpu.enqueue_dma source(%dma_start3A_171 : memref<128xf32, #tpu.memory_space<hbm>>) target(%arg7 : memref<128xf32, #tpu.memory_space<vmem>>) target_semaphore(%run_scoped3A : memref<!tpu.dma_semaphore, #tpu.memory_space<semaphore_mem>>)
        %dma_wait3A_172 = arith.constant 0 : i32
        %dma_wait3A_173 = tpu.memref_slice %arg3[%add3A_11, %dma_wait3A_172] : memref<64x128xf32, #tpu.memory_space<hbm>> -> memref<1x128xf32, #tpu.memory_space<hbm>>
        %dma_wait3A_174 = tpu.memref_squeeze %dma_wait3A_173 : memref<1x128xf32, #tpu.memory_space<hbm>> -> memref<128xf32, #tpu.memory_space<hbm>>
        %dma_wait3A_175 = arith.constant 0 : i32
        %dma_wait3A_176 = tpu.memref_slice %arg3[%add3A_11, %dma_wait3A_175] : memref<64x128xf32, #tpu.memory_space<hbm>> -> memref<1x128xf32, #tpu.memory_space<hbm>>
        %dma_wait3A_177 = tpu.memref_squeeze %dma_wait3A_176 : memref<1x128xf32, #tpu.memory_space<hbm>> -> memref<128xf32, #tpu.memory_space<hbm>>
        tpu.wait_dma2 semaphore(%run_scoped3A : memref<!tpu.dma_semaphore, #tpu.memory_space<semaphore_mem>>) src(%dma_wait3A_177 : memref<128xf32, #tpu.memory_space<hbm>>) dst(%arg7 : memref<128xf32, #tpu.memory_space<vmem>>)
        tpu.yield
      }) : () -> ()
      %get3A = arith.constant 0 : index
      %get3A_12 = tpu.vector_load %arg7[%get3A] {strides = array<i32>} : memref<128xf32, #tpu.memory_space<vmem>>, vector<16xf32>,
      %get3A_13 = arith.constant 16 : index
      %get3A_14 = tpu.vector_load %arg7[%get3A_13] {strides = array<i32>} : memref<128xf32, #tpu.memory_space<vmem>>, vector<16xf32>,
      %bitcast3A = vector.bitcast %get3A_12 : vector<16xf32> to vector<16xi32>
      %shift_right_logical3A = arith.constant 16 : i32
      %shift_right_logical3A_15 = vector.broadcast %shift_right_logical3A : i32 to vector<16xi32>
      %shift_right_logical3A_16 = arith.shrui %bitcast3A, %shift_right_logical3A_15 : vector<16xi32>
      %and3A = arith.constant 1 : i32
      %and3A_17 = vector.broadcast %and3A : i32 to vector<16xi32>
      %and3A_18 = arith.andi %shift_right_logical3A_16, %and3A_17 : vector<16xi32>
      %add3A_19 = arith.constant 32767 : i32
      %add3A_20 = vector.broadcast %add3A_19 : i32 to vector<16xi32>
      %add3A_21 = arith.addi %bitcast3A, %add3A_20 : vector<16xi32>
      %add3A_22 = arith.addi %add3A_21, %and3A_18 : vector<16xi32>
      %and3A_23 = arith.constant -65536 : i32
      %and3A_24 = vector.broadcast %and3A_23 : i32 to vector<16xi32>
      %and3A_25 = arith.andi %add3A_22, %and3A_24 : vector<16xi32>
      %bitcast3A_26 = vector.bitcast %and3A_25 : vector<16xi32> to vector<16xf32>
      %bitcast3A_27 = vector.bitcast %get3A_14 : vector<16xf32> to vector<16xi32>
      %shift_right_logical3A_28 = arith.constant 16 : i32
      %shift_right_logical3A_29 = vector.broadcast %shift_right_logical3A_28 : i32 to vector<16xi32>
      %shift_right_logical3A_30 = arith.shrui %bitcast3A_27, %shift_right_logical3A_29 : vector<16xi32>
      %and3A_31 = arith.constant 1 : i32
      %and3A_32 = vector.broadcast %and3A_31 : i32 to vector<16xi32>
      %and3A_33 = arith.andi %shift_right_logical3A_30, %and3A_32 : vector<16xi32>
      %add3A_34 = arith.constant 32767 : i32
      %add3A_35 = vector.broadcast %add3A_34 : i32 to vector<16xi32>
      %add3A_36 = arith.addi %bitcast3A_27, %add3A_35 : vector<16xi32>
      %add3A_37 = arith.addi %add3A_36, %and3A_33 : vector<16xi32>
      %and3A_38 = arith.constant -65536 : i32
      %and3A_39 = vector.broadcast %and3A_38 : i32 to vector<16xi32>
      %and3A_40 = arith.andi %add3A_37, %and3A_39 : vector<16xi32>
      %bitcast3A_41 = vector.bitcast %and3A_40 : vector<16xi32> to vector<16xf32>
      %get3A_42 = arith.constant 32 : index
      %get3A_43 = tpu.vector_load %arg7[%get3A_42] {strides = array<i32>} : memref<128xf32, #tpu.memory_space<vmem>>, vector<16xf32>,
      %get3A_44 = arith.constant 48 : index
      %get3A_45 = tpu.vector_load %arg7[%get3A_44] {strides = array<i32>} : memref<128xf32, #tpu.memory_space<vmem>>, vector<16xf32>,
      %bitcast3A_46 = vector.bitcast %get3A_43 : vector<16xf32> to vector<16xi32>
      %shift_right_logical3A_47 = arith.constant 16 : i32
      %shift_right_logical3A_48 = vector.broadcast %shift_right_logical3A_47 : i32 to vector<16xi32>
      %shift_right_logical3A_49 = arith.shrui %bitcast3A_46, %shift_right_logical3A_48 : vector<16xi32>
      %and3A_50 = arith.constant 1 : i32
      %and3A_51 = vector.broadcast %and3A_50 : i32 to vector<16xi32>
      %and3A_52 = arith.andi %shift_right_logical3A_49, %and3A_51 : vector<16xi32>
      %add3A_53 = arith.constant 32767 : i32
      %add3A_54 = vector.broadcast %add3A_53 : i32 to vector<16xi32>
      %add3A_55 = arith.addi %bitcast3A_46, %add3A_54 : vector<16xi32>
      %add3A_56 = arith.addi %add3A_55, %and3A_52 : vector<16xi32>
      %and3A_57 = arith.constant -65536 : i32
      %and3A_58 = vector.broadcast %and3A_57 : i32 to vector<16xi32>
      %and3A_59 = arith.andi %add3A_56, %and3A_58 : vector<16xi32>
      %bitcast3A_60 = vector.bitcast %and3A_59 : vector<16xi32> to vector<16xf32>
      %bitcast3A_61 = vector.bitcast %get3A_45 : vector<16xf32> to vector<16xi32>
      %shift_right_logical3A_62 = arith.constant 16 : i32
      %shift_right_logical3A_63 = vector.broadcast %shift_right_logical3A_62 : i32 to vector<16xi32>
      %shift_right_logical3A_64 = arith.shrui %bitcast3A_61, %shift_right_logical3A_63 : vector<16xi32>
      %and3A_65 = arith.constant 1 : i32
      %and3A_66 = vector.broadcast %and3A_65 : i32 to vector<16xi32>
      %and3A_67 = arith.andi %shift_right_logical3A_64, %and3A_66 : vector<16xi32>
      %add3A_68 = arith.constant 32767 : i32
      %add3A_69 = vector.broadcast %add3A_68 : i32 to vector<16xi32>
      %add3A_70 = arith.addi %bitcast3A_61, %add3A_69 : vector<16xi32>
      %add3A_71 = arith.addi %add3A_70, %and3A_67 : vector<16xi32>
      %and3A_72 = arith.constant -65536 : i32
      %and3A_73 = vector.broadcast %and3A_72 : i32 to vector<16xi32>
      %and3A_74 = arith.andi %add3A_71, %and3A_73 : vector<16xi32>
      %bitcast3A_75 = vector.bitcast %and3A_74 : vector<16xi32> to vector<16xf32>
      %get3A_76 = arith.constant 64 : index
      %get3A_77 = tpu.vector_load %arg7[%get3A_76] {strides = array<i32>} : memref<128xf32, #tpu.memory_space<vmem>>, vector<16xf32>,
      %get3A_78 = arith.constant 80 : index
      %get3A_79 = tpu.vector_load %arg7[%get3A_78] {strides = array<i32>} : memref<128xf32, #tpu.memory_space<vmem>>, vector<16xf32>,
      %bitcast3A_80 = vector.bitcast %get3A_77 : vector<16xf32> to vector<16xi32>
      %shift_right_logical3A_81 = arith.constant 16 : i32
      %shift_right_logical3A_82 = vector.broadcast %shift_right_logical3A_81 : i32 to vector<16xi32>
      %shift_right_logical3A_83 = arith.shrui %bitcast3A_80, %shift_right_logical3A_82 : vector<16xi32>
      %and3A_84 = arith.constant 1 : i32
      %and3A_85 = vector.broadcast %and3A_84 : i32 to vector<16xi32>
      %and3A_86 = arith.andi %shift_right_logical3A_83, %and3A_85 : vector<16xi32>
      %add3A_87 = arith.constant 32767 : i32
      %add3A_88 = vector.broadcast %add3A_87 : i32 to vector<16xi32>
      %add3A_89 = arith.addi %bitcast3A_80, %add3A_88 : vector<16xi32>
      %add3A_90 = arith.addi %add3A_89, %and3A_86 : vector<16xi32>
      %and3A_91 = arith.constant -65536 : i32
      %and3A_92 = vector.broadcast %and3A_91 : i32 to vector<16xi32>
      %and3A_93 = arith.andi %add3A_90, %and3A_92 : vector<16xi32>
      %bitcast3A_94 = vector.bitcast %and3A_93 : vector<16xi32> to vector<16xf32>
      %bitcast3A_95 = vector.bitcast %get3A_79 : vector<16xf32> to vector<16xi32>
      %shift_right_logical3A_96 = arith.constant 16 : i32
      %shift_right_logical3A_97 = vector.broadcast %shift_right_logical3A_96 : i32 to vector<16xi32>
      %shift_right_logical3A_98 = arith.shrui %bitcast3A_95, %shift_right_logical3A_97 : vector<16xi32>
      %and3A_99 = arith.constant 1 : i32
      %and3A_100 = vector.broadcast %and3A_99 : i32 to vector<16xi32>
      %and3A_101 = arith.andi %shift_right_logical3A_98, %and3A_100 : vector<16xi32>
      %add3A_102 = arith.constant 32767 : i32
      %add3A_103 = vector.broadcast %add3A_102 : i32 to vector<16xi32>
      %add3A_104 = arith.addi %bitcast3A_95, %add3A_103 : vector<16xi32>
      %add3A_105 = arith.addi %add3A_104, %and3A_101 : vector<16xi32>
      %and3A_106 = arith.constant -65536 : i32
      %and3A_107 = vector.broadcast %and3A_106 : i32 to vector<16xi32>
      %and3A_108 = arith.andi %add3A_105, %and3A_107 : vector<16xi32>
      %bitcast3A_109 = vector.bitcast %and3A_108 : vector<16xi32> to vector<16xf32>
      %get3A_110 = arith.constant 96 : index
      %get3A_111 = tpu.vector_load %arg7[%get3A_110] {strides = array<i32>} : memref<128xf32, #tpu.memory_space<vmem>>, vector<16xf32>,
      %get3A_112 = arith.constant 112 : index
      %get3A_113 = tpu.vector_load %arg7[%get3A_112] {strides = array<i32>} : memref<128xf32, #tpu.memory_space<vmem>>, vector<16xf32>,
      %bitcast3A_114 = vector.bitcast %get3A_111 : vector<16xf32> to vector<16xi32>
      %shift_right_logical3A_115 = arith.constant 16 : i32
      %shift_right_logical3A_116 = vector.broadcast %shift_right_logical3A_115 : i32 to vector<16xi32>
      %shift_right_logical3A_117 = arith.shrui %bitcast3A_114, %shift_right_logical3A_116 : vector<16xi32>
      %and3A_118 = arith.constant 1 : i32
      %and3A_119 = vector.broadcast %and3A_118 : i32 to vector<16xi32>
      %and3A_120 = arith.andi %shift_right_logical3A_117, %and3A_119 : vector<16xi32>
      %add3A_121 = arith.constant 32767 : i32
      %add3A_122 = vector.broadcast %add3A_121 : i32 to vector<16xi32>
      %add3A_123 = arith.addi %bitcast3A_114, %add3A_122 : vector<16xi32>
      %add3A_124 = arith.addi %add3A_123, %and3A_120 : vector<16xi32>
      %and3A_125 = arith.constant -65536 : i32
      %and3A_126 = vector.broadcast %and3A_125 : i32 to vector<16xi32>
      %and3A_127 = arith.andi %add3A_124, %and3A_126 : vector<16xi32>
      %bitcast3A_128 = vector.bitcast %and3A_127 : vector<16xi32> to vector<16xf32>
      %bitcast3A_129 = vector.bitcast %get3A_113 : vector<16xf32> to vector<16xi32>
      %shift_right_logical3A_130 = arith.constant 16 : i32
      %shift_right_logical3A_131 = vector.broadcast %shift_right_logical3A_130 : i32 to vector<16xi32>
      %shift_right_logical3A_132 = arith.shrui %bitcast3A_129, %shift_right_logical3A_131 : vector<16xi32>
      %and3A_133 = arith.constant 1 : i32
      %and3A_134 = vector.broadcast %and3A_133 : i32 to vector<16xi32>
      %and3A_135 = arith.andi %shift_right_logical3A_132, %and3A_134 : vector<16xi32>
      %add3A_136 = arith.constant 32767 : i32
      %add3A_137 = vector.broadcast %add3A_136 : i32 to vector<16xi32>
      %add3A_138 = arith.addi %bitcast3A_129, %add3A_137 : vector<16xi32>
      %add3A_139 = arith.addi %add3A_138, %and3A_135 : vector<16xi32>
      %and3A_140 = arith.constant -65536 : i32
      %and3A_141 = vector.broadcast %and3A_140 : i32 to vector<16xi32>
      %and3A_142 = arith.andi %add3A_139, %and3A_141 : vector<16xi32>
      %bitcast3A_143 = vector.bitcast %and3A_142 : vector<16xi32> to vector<16xf32>
      %dma_start3A = arith.constant 3840 : i32
      %dma_start3A_144 = arith.constant 0 : i32
      %dma_start3A_145 = tpu.memref_slice %arg2[%add3A_11, %dma_start3A, %dma_start3A_144] : memref<64x4096x128xf32, #tpu.memory_space<hbm>> -> memref<1x256x128xf32, #tpu.memory_space<hbm>>
      %dma_start3A_146 = tpu.memref_squeeze %dma_start3A_145 : memref<1x256x128xf32, #tpu.memory_space<hbm>> -> memref<256x128xf32, #tpu.memory_space<hbm>>
      %dma_start3A_147 = arith.constant 3840 : i32
      %dma_start3A_148 = arith.constant 0 : i32
      %dma_start3A_149 = tpu.memref_slice %arg2[%add3A_11, %dma_start3A_147, %dma_start3A_148] : memref<64x4096x128xf32, #tpu.memory_space<hbm>> -> memref<1x256x128xf32, #tpu.memory_space<hbm>>
      %dma_start3A_150 = tpu.memref_squeeze %dma_start3A_149 : memref<1x256x128xf32, #tpu.memory_space<hbm>> -> memref<256x128xf32, #tpu.memory_space<hbm>>
      tpu.enqueue_dma source(%dma_start3A_150 : memref<256x128xf32, #tpu.memory_space<hbm>>) target(%arg5 : memref<256x128xf32, #tpu.memory_space<vmem>>) target_semaphore(%arg10 : memref<!tpu.dma_semaphore, #tpu.memory_space<semaphore_mem>>)
      %dma_wait3A = arith.constant 3840 : i32
      %dma_wait3A_151 = arith.constant 0 : i32
      %dma_wait3A_152 = tpu.memref_slice %arg2[%add3A_11, %dma_wait3A, %dma_wait3A_151] : memref<64x4096x128xf32, #tpu.memory_space<hbm>> -> memref<1x256x128xf32, #tpu.memory_space<hbm>>
      %dma_wait3A_153 = tpu.memref_squeeze %dma_wait3A_152 : memref<1x256x128xf32, #tpu.memory_space<hbm>> -> memref<256x128xf32, #tpu.memory_space<hbm>>
      %dma_wait3A_154 = arith.constant 3840 : i32
      %dma_wait3A_155 = arith.constant 0 : i32
      %dma_wait3A_156 = tpu.memref_slice %arg2[%add3A_11, %dma_wait3A_154, %dma_wait3A_155] : memref<64x4096x128xf32, #tpu.memory_space<hbm>> -> memref<1x256x128xf32, #tpu.memory_space<hbm>>
      %dma_wait3A_157 = tpu.memref_squeeze %dma_wait3A_156 : memref<1x256x128xf32, #tpu.memory_space<hbm>> -> memref<256x128xf32, #tpu.memory_space<hbm>>
      tpu.wait_dma2 semaphore(%arg10 : memref<!tpu.dma_semaphore, #tpu.memory_space<semaphore_mem>>) src(%dma_wait3A_157 : memref<256x128xf32, #tpu.memory_space<hbm>>) dst(%arg5 : memref<256x128xf32, #tpu.memory_space<vmem>>)
      %scan3A_158 = arith.constant 0 : i32
      %scan3A_159 = arith.constant 0 : i32
      %scan3A_160 = arith.constant 16 : i32
      %scan3A_161 = arith.addi %scan3A_159, %scan3A_160 : i32
      %scan3A_162 = arith.constant 1 : i32
      %scan3A_163 = scf.for %scan3A_166 = %scan3A_159 to %scan3A_161 step %scan3A_162 iter_args(%scan3A_167 = %scan3A_158) -> (i32)  : i32 {
        %mul3A_168 = arith.constant 16 : i32
        %mul3A_169 = arith.muli %scan3A_166, %mul3A_168 : i32
        %add3A_170 = arith.constant 0 : i32
        %add3A_171 = arith.addi %mul3A_169, %add3A_170 : i32
        %get3A_172 = arith.index_cast %add3A_171 : i32 to index
        %get3A_173 = arith.constant 0 : index
        %get3A_174 = tpu.vector_load %arg5[%get3A_172, %get3A_173] {strides = array<i32>} : memref<256x128xf32, #tpu.memory_space<vmem>>, vector<16xf32>,
        %get3A_175 = arith.index_cast %add3A_171 : i32 to index
        %get3A_176 = arith.constant 16 : index
        %get3A_177 = tpu.vector_load %arg5[%get3A_175, %get3A_176] {strides = array<i32>} : memref<256x128xf32, #tpu.memory_space<vmem>>, vector<16xf32>,
        %bitcast3A_178 = vector.bitcast %get3A_174 : vector<16xf32> to vector<16xi32>
        %shift_right_logical3A_179 = arith.constant 16 : i32
        %shift_right_logical3A_180 = vector.broadcast %shift_right_logical3A_179 : i32 to vector<16xi32>
        %shift_right_logical3A_181 = arith.shrui %bitcast3A_178, %shift_right_logical3A_180 : vector<16xi32>
        %and3A_182 = arith.constant 1 : i32
        %and3A_183 = vector.broadcast %and3A_182 : i32 to vector<16xi32>
        %and3A_184 = arith.andi %shift_right_logical3A_181, %and3A_183 : vector<16xi32>
        %add3A_185 = arith.constant 32767 : i32
        %add3A_186 = vector.broadcast %add3A_185 : i32 to vector<16xi32>
        %add3A_187 = arith.addi %bitcast3A_178, %add3A_186 : vector<16xi32>
        %add3A_188 = arith.addi %add3A_187, %and3A_184 : vector<16xi32>
        %and3A_189 = arith.constant -65536 : i32
        %and3A_190 = vector.broadcast %and3A_189 : i32 to vector<16xi32>
        %and3A_191 = arith.andi %add3A_188, %and3A_190 : vector<16xi32>
        %bitcast3A_192 = vector.bitcast %and3A_191 : vector<16xi32> to vector<16xf32>
        %bitcast3A_193 = vector.bitcast %get3A_177 : vector<16xf32> to vector<16xi32>
        %shift_right_logical3A_194 = arith.constant 16 : i32
        %shift_right_logical3A_195 = vector.broadcast %shift_right_logical3A_194 : i32 to vector<16xi32>
        %shift_right_logical3A_196 = arith.shrui %bitcast3A_193, %shift_right_logical3A_195 : vector<16xi32>
        %and3A_197 = arith.constant 1 : i32
        %and3A_198 = vector.broadcast %and3A_197 : i32 to vector<16xi32>
        %and3A_199 = arith.andi %shift_right_logical3A_196, %and3A_198 : vector<16xi32>
        %add3A_200 = arith.constant 32767 : i32
        %add3A_201 = vector.broadcast %add3A_200 : i32 to vector<16xi32>
        %add3A_202 = arith.addi %bitcast3A_193, %add3A_201 : vector<16xi32>
        %add3A_203 = arith.addi %add3A_202, %and3A_199 : vector<16xi32>
        %and3A_204 = arith.constant -65536 : i32
        %and3A_205 = vector.broadcast %and3A_204 : i32 to vector<16xi32>
        %and3A_206 = arith.andi %add3A_203, %and3A_205 : vector<16xi32>
        %bitcast3A_207 = vector.bitcast %and3A_206 : vector<16xi32> to vector<16xf32>
        %mul3A_208 = arith.mulf %bitcast3A_26, %bitcast3A_192 : vector<16xf32>
        %mul3A_209 = arith.mulf %bitcast3A_41, %bitcast3A_207 : vector<16xf32>
        %add3A_210 = arith.addf %mul3A_208, %mul3A_209 : vector<16xf32>
        %get3A_211 = arith.index_cast %add3A_171 : i32 to index
        %get3A_212 = arith.constant 32 : index
        %get3A_213 = tpu.vector_load %arg5[%get3A_211, %get3A_212] {strides = array<i32>} : memref<256x128xf32, #tpu.memory_space<vmem>>, vector<16xf32>,
        %get3A_214 = arith.index_cast %add3A_171 : i32 to index
        %get3A_215 = arith.constant 48 : index
        %get3A_216 = tpu.vector_load %arg5[%get3A_214, %get3A_215] {strides = array<i32>} : memref<256x128xf32, #tpu.memory_space<vmem>>, vector<16xf32>,
        %bitcast3A_217 = vector.bitcast %get3A_213 : vector<16xf32> to vector<16xi32>
        %shift_right_logical3A_218 = arith.constant 16 : i32
        %shift_right_logical3A_219 = vector.broadcast %shift_right_logical3A_218 : i32 to vector<16xi32>
        %shift_right_logical3A_220 = arith.shrui %bitcast3A_217, %shift_right_logical3A_219 : vector<16xi32>
        %and3A_221 = arith.constant 1 : i32
        %and3A_222 = vector.broadcast %and3A_221 : i32 to vector<16xi32>
        %and3A_223 = arith.andi %shift_right_logical3A_220, %and3A_222 : vector<16xi32>
        %add3A_224 = arith.constant 32767 : i32
        %add3A_225 = vector.broadcast %add3A_224 : i32 to vector<16xi32>
        %add3A_226 = arith.addi %bitcast3A_217, %add3A_225 : vector<16xi32>
        %add3A_227 = arith.addi %add3A_226, %and3A_223 : vector<16xi32>
        %and3A_228 = arith.constant -65536 : i32
        %and3A_229 = vector.broadcast %and3A_228 : i32 to vector<16xi32>
        %and3A_230 = arith.andi %add3A_227, %and3A_229 : vector<16xi32>
        %bitcast3A_231 = vector.bitcast %and3A_230 : vector<16xi32> to vector<16xf32>
        %bitcast3A_232 = vector.bitcast %get3A_216 : vector<16xf32> to vector<16xi32>
        %shift_right_logical3A_233 = arith.constant 16 : i32
        %shift_right_logical3A_234 = vector.broadcast %shift_right_logical3A_233 : i32 to vector<16xi32>
        %shift_right_logical3A_235 = arith.shrui %bitcast3A_232, %shift_right_logical3A_234 : vector<16xi32>
        %and3A_236 = arith.constant 1 : i32
        %and3A_237 = vector.broadcast %and3A_236 : i32 to vector<16xi32>
        %and3A_238 = arith.andi %shift_right_logical3A_235, %and3A_237 : vector<16xi32>
        %add3A_239 = arith.constant 32767 : i32
        %add3A_240 = vector.broadcast %add3A_239 : i32 to vector<16xi32>
        %add3A_241 = arith.addi %bitcast3A_232, %add3A_240 : vector<16xi32>
        %add3A_242 = arith.addi %add3A_241, %and3A_238 : vector<16xi32>
        %and3A_243 = arith.constant -65536 : i32
        %and3A_244 = vector.broadcast %and3A_243 : i32 to vector<16xi32>
        %and3A_245 = arith.andi %add3A_242, %and3A_244 : vector<16xi32>
        %bitcast3A_246 = vector.bitcast %and3A_245 : vector<16xi32> to vector<16xf32>
        %mul3A_247 = arith.mulf %bitcast3A_60, %bitcast3A_231 : vector<16xf32>
        %mul3A_248 = arith.mulf %bitcast3A_75, %bitcast3A_246 : vector<16xf32>
        %add3A_249 = arith.addf %mul3A_247, %mul3A_248 : vector<16xf32>
        %add3A_250 = arith.addf %add3A_210, %add3A_249 : vector<16xf32>
        %get3A_251 = arith.index_cast %add3A_171 : i32 to index
        %get3A_252 = arith.constant 64 : index
        %get3A_253 = tpu.vector_load %arg5[%get3A_251, %get3A_252] {strides = array<i32>} : memref<256x128xf32, #tpu.memory_space<vmem>>, vector<16xf32>,
        %get3A_254 = arith.index_cast %add3A_171 : i32 to index
        %get3A_255 = arith.constant 80 : index
        %get3A_256 = tpu.vector_load %arg5[%get3A_254, %get3A_255] {strides = array<i32>} : memref<256x128xf32, #tpu.memory_space<vmem>>, vector<16xf32>,
        %bitcast3A_257 = vector.bitcast %get3A_253 : vector<16xf32> to vector<16xi32>
        %shift_right_logical3A_258 = arith.constant 16 : i32
        %shift_right_logical3A_259 = vector.broadcast %shift_right_logical3A_258 : i32 to vector<16xi32>
        %shift_right_logical3A_260 = arith.shrui %bitcast3A_257, %shift_right_logical3A_259 : vector<16xi32>
        %and3A_261 = arith.constant 1 : i32
        %and3A_262 = vector.broadcast %and3A_261 : i32 to vector<16xi32>
        %and3A_263 = arith.andi %shift_right_logical3A_260, %and3A_262 : vector<16xi32>
        %add3A_264 = arith.constant 32767 : i32
        %add3A_265 = vector.broadcast %add3A_264 : i32 to vector<16xi32>
        %add3A_266 = arith.addi %bitcast3A_257, %add3A_265 : vector<16xi32>
        %add3A_267 = arith.addi %add3A_266, %and3A_263 : vector<16xi32>
        %and3A_268 = arith.constant -65536 : i32
        %and3A_269 = vector.broadcast %and3A_268 : i32 to vector<16xi32>
        %and3A_270 = arith.andi %add3A_267, %and3A_269 : vector<16xi32>
        %bitcast3A_271 = vector.bitcast %and3A_270 : vector<16xi32> to vector<16xf32>
        %bitcast3A_272 = vector.bitcast %get3A_256 : vector<16xf32> to vector<16xi32>
        %shift_right_logical3A_273 = arith.constant 16 : i32
        %shift_right_logical3A_274 = vector.broadcast %shift_right_logical3A_273 : i32 to vector<16xi32>
        %shift_right_logical3A_275 = arith.shrui %bitcast3A_272, %shift_right_logical3A_274 : vector<16xi32>
        %and3A_276 = arith.constant 1 : i32
        %and3A_277 = vector.broadcast %and3A_276 : i32 to vector<16xi32>
        %and3A_278 = arith.andi %shift_right_logical3A_275, %and3A_277 : vector<16xi32>
        %add3A_279 = arith.constant 32767 : i32
        %add3A_280 = vector.broadcast %add3A_279 : i32 to vector<16xi32>
        %add3A_281 = arith.addi %bitcast3A_272, %add3A_280 : vector<16xi32>
        %add3A_282 = arith.addi %add3A_281, %and3A_278 : vector<16xi32>
        %and3A_283 = arith.constant -65536 : i32
        %and3A_284 = vector.broadcast %and3A_283 : i32 to vector<16xi32>
        %and3A_285 = arith.andi %add3A_282, %and3A_284 : vector<16xi32>
        %bitcast3A_286 = vector.bitcast %and3A_285 : vector<16xi32> to vector<16xf32>
        %mul3A_287 = arith.mulf %bitcast3A_94, %bitcast3A_271 : vector<16xf32>
        %mul3A_288 = arith.mulf %bitcast3A_109, %bitcast3A_286 : vector<16xf32>
        %add3A_289 = arith.addf %mul3A_287, %mul3A_288 : vector<16xf32>
        %add3A_290 = arith.addf %add3A_250, %add3A_289 : vector<16xf32>
        %get3A_291 = arith.index_cast %add3A_171 : i32 to index
        %get3A_292 = arith.constant 96 : index
        %get3A_293 = tpu.vector_load %arg5[%get3A_291, %get3A_292] {strides = array<i32>} : memref<256x128xf32, #tpu.memory_space<vmem>>, vector<16xf32>,
        %get3A_294 = arith.index_cast %add3A_171 : i32 to index
        %get3A_295 = arith.constant 112 : index
        %get3A_296 = tpu.vector_load %arg5[%get3A_294, %get3A_295] {strides = array<i32>} : memref<256x128xf32, #tpu.memory_space<vmem>>, vector<16xf32>,
        %bitcast3A_297 = vector.bitcast %get3A_293 : vector<16xf32> to vector<16xi32>
        %shift_right_logical3A_298 = arith.constant 16 : i32
        %shift_right_logical3A_299 = vector.broadcast %shift_right_logical3A_298 : i32 to vector<16xi32>
        %shift_right_logical3A_300 = arith.shrui %bitcast3A_297, %shift_right_logical3A_299 : vector<16xi32>
        %and3A_301 = arith.constant 1 : i32
        %and3A_302 = vector.broadcast %and3A_301 : i32 to vector<16xi32>
        %and3A_303 = arith.andi %shift_right_logical3A_300, %and3A_302 : vector<16xi32>
        %add3A_304 = arith.constant 32767 : i32
        %add3A_305 = vector.broadcast %add3A_304 : i32 to vector<16xi32>
        %add3A_306 = arith.addi %bitcast3A_297, %add3A_305 : vector<16xi32>
        %add3A_307 = arith.addi %add3A_306, %and3A_303 : vector<16xi32>
        %and3A_308 = arith.constant -65536 : i32
        %and3A_309 = vector.broadcast %and3A_308 : i32 to vector<16xi32>
        %and3A_310 = arith.andi %add3A_307, %and3A_309 : vector<16xi32>
        %bitcast3A_311 = vector.bitcast %and3A_310 : vector<16xi32> to vector<16xf32>
        %bitcast3A_312 = vector.bitcast %get3A_296 : vector<16xf32> to vector<16xi32>
        %shift_right_logical3A_313 = arith.constant 16 : i32
        %shift_right_logical3A_314 = vector.broadcast %shift_right_logical3A_313 : i32 to vector<16xi32>
        %shift_right_logical3A_315 = arith.shrui %bitcast3A_312, %shift_right_logical3A_314 : vector<16xi32>
        %and3A_316 = arith.constant 1 : i32
        %and3A_317 = vector.broadcast %and3A_316 : i32 to vector<16xi32>
        %and3A_318 = arith.andi %shift_right_logical3A_315, %and3A_317 : vector<16xi32>
        %add3A_319 = arith.constant 32767 : i32
        %add3A_320 = vector.broadcast %add3A_319 : i32 to vector<16xi32>
        %add3A_321 = arith.addi %bitcast3A_312, %add3A_320 : vector<16xi32>
        %add3A_322 = arith.addi %add3A_321, %and3A_318 : vector<16xi32>
        %and3A_323 = arith.constant -65536 : i32
        %and3A_324 = vector.broadcast %and3A_323 : i32 to vector<16xi32>
        %and3A_325 = arith.andi %add3A_322, %and3A_324 : vector<16xi32>
        %bitcast3A_326 = vector.bitcast %and3A_325 : vector<16xi32> to vector<16xf32>
        %mul3A_327 = arith.mulf %bitcast3A_128, %bitcast3A_311 : vector<16xf32>
        %mul3A_328 = arith.mulf %bitcast3A_143, %bitcast3A_326 : vector<16xf32>
        %add3A_329 = arith.addf %mul3A_327, %mul3A_328 : vector<16xf32>
        %add3A_330 = arith.addf %add3A_290, %add3A_329 : vector<16xf32>
        %swap3A = arith.constant 0 : i32
        %swap3A_331 = arith.index_cast %swap3A : i32 to index
        %swap3A_332 = arith.constant 0 : index
        %swap3A_333 = tpu.vector_load %arg9[%swap3A_331, %swap3A_332] {strides = array<i32>} : memref<16x16xf32, #tpu.memory_space<vmem>>, vector<16xf32>,
        tpu.vector_store %arg9[%swap3A_331, %swap3A_332], %add3A_330 {strides = array<i32>} : memref<16x16xf32, #tpu.memory_space<vmem>>, vector<16xf32>,
        %add3A_334 = arith.constant 1 : i32
        %add3A_335 = arith.addi %mul3A_169, %add3A_334 : i32
        %get3A_336 = arith.index_cast %add3A_335 : i32 to index
        %get3A_337 = arith.constant 0 : index
        %get3A_338 = tpu.vector_load %arg5[%get3A_336, %get3A_337] {strides = array<i32>} : memref<256x128xf32, #tpu.memory_space<vmem>>, vector<16xf32>,
        %get3A_339 = arith.index_cast %add3A_335 : i32 to index
        %get3A_340 = arith.constant 16 : index
        %get3A_341 = tpu.vector_load %arg5[%get3A_339, %get3A_340] {strides = array<i32>} : memref<256x128xf32, #tpu.memory_space<vmem>>, vector<16xf32>,
        %bitcast3A_342 = vector.bitcast %get3A_338 : vector<16xf32> to vector<16xi32>
        %shift_right_logical3A_343 = arith.constant 16 : i32
        %shift_right_logical3A_344 = vector.broadcast %shift_right_logical3A_343 : i32 to vector<16xi32>
        %shift_right_logical3A_345 = arith.shrui %bitcast3A_342, %shift_right_logical3A_344 : vector<16xi32>
        %and3A_346 = arith.constant 1 : i32
        %and3A_347 = vector.broadcast %and3A_346 : i32 to vector<16xi32>
        %and3A_348 = arith.andi %shift_right_logical3A_345, %and3A_347 : vector<16xi32>
        %add3A_349 = arith.constant 32767 : i32
        %add3A_350 = vector.broadcast %add3A_349 : i32 to vector<16xi32>
        %add3A_351 = arith.addi %bitcast3A_342, %add3A_350 : vector<16xi32>
        %add3A_352 = arith.addi %add3A_351, %and3A_348 : vector<16xi32>
        %and3A_353 = arith.constant -65536 : i32
        %and3A_354 = vector.broadcast %and3A_353 : i32 to vector<16xi32>
        %and3A_355 = arith.andi %add3A_352, %and3A_354 : vector<16xi32>
        %bitcast3A_356 = vector.bitcast %and3A_355 : vector<16xi32> to vector<16xf32>
        %bitcast3A_357 = vector.bitcast %get3A_341 : vector<16xf32> to vector<16xi32>
        %shift_right_logical3A_358 = arith.constant 16 : i32
        %shift_right_logical3A_359 = vector.broadcast %shift_right_logical3A_358 : i32 to vector<16xi32>
        %shift_right_logical3A_360 = arith.shrui %bitcast3A_357, %shift_right_logical3A_359 : vector<16xi32>
        %and3A_361 = arith.constant 1 : i32
        %and3A_362 = vector.broadcast %and3A_361 : i32 to vector<16xi32>
        %and3A_363 = arith.andi %shift_right_logical3A_360, %and3A_362 : vector<16xi32>
        %add3A_364 = arith.constant 32767 : i32
        %add3A_365 = vector.broadcast %add3A_364 : i32 to vector<16xi32>
        %add3A_366 = arith.addi %bitcast3A_357, %add3A_365 : vector<16xi32>
        %add3A_367 = arith.addi %add3A_366, %and3A_363 : vector<16xi32>
        %and3A_368 = arith.constant -65536 : i32
        %and3A_369 = vector.broadcast %and3A_368 : i32 to vector<16xi32>
        %and3A_370 = arith.andi %add3A_367, %and3A_369 : vector<16xi32>
        %bitcast3A_371 = vector.bitcast %and3A_370 : vector<16xi32> to vector<16xf32>
        %mul3A_372 = arith.mulf %bitcast3A_26, %bitcast3A_356 : vector<16xf32>
        %mul3A_373 = arith.mulf %bitcast3A_41, %bitcast3A_371 : vector<16xf32>
        %add3A_374 = arith.addf %mul3A_372, %mul3A_373 : vector<16xf32>
        %get3A_375 = arith.index_cast %add3A_335 : i32 to index
        %get3A_376 = arith.constant 32 : index
        %get3A_377 = tpu.vector_load %arg5[%get3A_375, %get3A_376] {strides = array<i32>} : memref<256x128xf32, #tpu.memory_space<vmem>>, vector<16xf32>,
        %get3A_378 = arith.index_cast %add3A_335 : i32 to index
        %get3A_379 = arith.constant 48 : index
        %get3A_380 = tpu.vector_load %arg5[%get3A_378, %get3A_379] {strides = array<i32>} : memref<256x128xf32, #tpu.memory_space<vmem>>, vector<16xf32>,
        %bitcast3A_381 = vector.bitcast %get3A_377 : vector<16xf32> to vector<16xi32>
        %shift_right_logical3A_382 = arith.constant 16 : i32
        %shift_right_logical3A_383 = vector.broadcast %shift_right_logical3A_382 : i32 to vector<16xi32>
        %shift_right_logical3A_384 = arith.shrui %bitcast3A_381, %shift_right_logical3A_383 : vector<16xi32>
        %and3A_385 = arith.constant 1 : i32
        %and3A_386 = vector.broadcast %and3A_385 : i32 to vector<16xi32>
        %and3A_387 = arith.andi %shift_right_logical3A_384, %and3A_386 : vector<16xi32>
        %add3A_388 = arith.constant 32767 : i32
        %add3A_389 = vector.broadcast %add3A_388 : i32 to vector<16xi32>
        %add3A_390 = arith.addi %bitcast3A_381, %add3A_389 : vector<16xi32>
        %add3A_391 = arith.addi %add3A_390, %and3A_387 : vector<16xi32>
        %and3A_392 = arith.constant -65536 : i32
        %and3A_393 = vector.broadcast %and3A_392 : i32 to vector<16xi32>
        %and3A_394 = arith.andi %add3A_391, %and3A_393 : vector<16xi32>
        %bitcast3A_395 = vector.bitcast %and3A_394 : vector<16xi32> to vector<16xf32>
        %bitcast3A_396 = vector.bitcast %get3A_380 : vector<16xf32> to vector<16xi32>
        %shift_right_logical3A_397 = arith.constant 16 : i32
        %shift_right_logical3A_398 = vector.broadcast %shift_right_logical3A_397 : i32 to vector<16xi32>
        %shift_right_logical3A_399 = arith.shrui %bitcast3A_396, %shift_right_logical3A_398 : vector<16xi32>
        %and3A_400 = arith.constant 1 : i32
        %and3A_401 = vector.broadcast %and3A_400 : i32 to vector<16xi32>
        %and3A_402 = arith.andi %shift_right_logical3A_399, %and3A_401 : vector<16xi32>
        %add3A_403 = arith.constant 32767 : i32
        %add3A_404 = vector.broadcast %add3A_403 : i32 to vector<16xi32>
        %add3A_405 = arith.addi %bitcast3A_396, %add3A_404 : vector<16xi32>
        %add3A_406 = arith.addi %add3A_405, %and3A_402 : vector<16xi32>
        %and3A_407 = arith.constant -65536 : i32
        %and3A_408 = vector.broadcast %and3A_407 : i32 to vector<16xi32>
        %and3A_409 = arith.andi %add3A_406, %and3A_408 : vector<16xi32>
        %bitcast3A_410 = vector.bitcast %and3A_409 : vector<16xi32> to vector<16xf32>
        %mul3A_411 = arith.mulf %bitcast3A_60, %bitcast3A_395 : vector<16xf32>
        %mul3A_412 = arith.mulf %bitcast3A_75, %bitcast3A_410 : vector<16xf32>
        %add3A_413 = arith.addf %mul3A_411, %mul3A_412 : vector<16xf32>
        %add3A_414 = arith.addf %add3A_374, %add3A_413 : vector<16xf32>
        %get3A_415 = arith.index_cast %add3A_335 : i32 to index
        %get3A_416 = arith.constant 64 : index
        %get3A_417 = tpu.vector_load %arg5[%get3A_415, %get3A_416] {strides = array<i32>} : memref<256x128xf32, #tpu.memory_space<vmem>>, vector<16xf32>,
        %get3A_418 = arith.index_cast %add3A_335 : i32 to index
        %get3A_419 = arith.constant 80 : index
        %get3A_420 = tpu.vector_load %arg5[%get3A_418, %get3A_419] {strides = array<i32>} : memref<256x128xf32, #tpu.memory_space<vmem>>, vector<16xf32>,
        %bitcast3A_421 = vector.bitcast %get3A_417 : vector<16xf32> to vector<16xi32>
        %shift_right_logical3A_422 = arith.constant 16 : i32
        %shift_right_logical3A_423 = vector.broadcast %shift_right_logical3A_422 : i32 to vector<16xi32>
        %shift_right_logical3A_424 = arith.shrui %bitcast3A_421, %shift_right_logical3A_423 : vector<16xi32>
        %and3A_425 = arith.constant 1 : i32
        %and3A_426 = vector.broadcast %and3A_425 : i32 to vector<16xi32>
        %and3A_427 = arith.andi %shift_right_logical3A_424, %and3A_426 : vector<16xi32>
        %add3A_428 = arith.constant 32767 : i32
        %add3A_429 = vector.broadcast %add3A_428 : i32 to vector<16xi32>
        %add3A_430 = arith.addi %bitcast3A_421, %add3A_429 : vector<16xi32>
        %add3A_431 = arith.addi %add3A_430, %and3A_427 : vector<16xi32>
        %and3A_432 = arith.constant -65536 : i32
        %and3A_433 = vector.broadcast %and3A_432 : i32 to vector<16xi32>
        %and3A_434 = arith.andi %add3A_431, %and3A_433 : vector<16xi32>
        %bitcast3A_435 = vector.bitcast %and3A_434 : vector<16xi32> to vector<16xf32>
        %bitcast3A_436 = vector.bitcast %get3A_420 : vector<16xf32> to vector<16xi32>
        %shift_right_logical3A_437 = arith.constant 16 : i32
        %shift_right_logical3A_438 = vector.broadcast %shift_right_logical3A_437 : i32 to vector<16xi32>
        %shift_right_logical3A_439 = arith.shrui %bitcast3A_436, %shift_right_logical3A_438 : vector<16xi32>
        %and3A_440 = arith.constant 1 : i32
        %and3A_441 = vector.broadcast %and3A_440 : i32 to vector<16xi32>
        %and3A_442 = arith.andi %shift_right_logical3A_439, %and3A_441 : vector<16xi32>
        %add3A_443 = arith.constant 32767 : i32
        %add3A_444 = vector.broadcast %add3A_443 : i32 to vector<16xi32>
        %add3A_445 = arith.addi %bitcast3A_436, %add3A_444 : vector<16xi32>
        %add3A_446 = arith.addi %add3A_445, %and3A_442 : vector<16xi32>
        %and3A_447 = arith.constant -65536 : i32
        %and3A_448 = vector.broadcast %and3A_447 : i32 to vector<16xi32>
        %and3A_449 = arith.andi %add3A_446, %and3A_448 : vector<16xi32>
        %bitcast3A_450 = vector.bitcast %and3A_449 : vector<16xi32> to vector<16xf32>
        %mul3A_451 = arith.mulf %bitcast3A_94, %bitcast3A_435 : vector<16xf32>
        %mul3A_452 = arith.mulf %bitcast3A_109, %bitcast3A_450 : vector<16xf32>
        %add3A_453 = arith.addf %mul3A_451, %mul3A_452 : vector<16xf32>
        %add3A_454 = arith.addf %add3A_414, %add3A_453 : vector<16xf32>
        %get3A_455 = arith.index_cast %add3A_335 : i32 to index
        %get3A_456 = arith.constant 96 : index
        %get3A_457 = tpu.vector_load %arg5[%get3A_455, %get3A_456] {strides = array<i32>} : memref<256x128xf32, #tpu.memory_space<vmem>>, vector<16xf32>,
        %get3A_458 = arith.index_cast %add3A_335 : i32 to index
        %get3A_459 = arith.constant 112 : index
        %get3A_460 = tpu.vector_load %arg5[%get3A_458, %get3A_459] {strides = array<i32>} : memref<256x128xf32, #tpu.memory_space<vmem>>, vector<16xf32>,
        %bitcast3A_461 = vector.bitcast %get3A_457 : vector<16xf32> to vector<16xi32>
        %shift_right_logical3A_462 = arith.constant 16 : i32
        %shift_right_logical3A_463 = vector.broadcast %shift_right_logical3A_462 : i32 to vector<16xi32>
        %shift_right_logical3A_464 = arith.shrui %bitcast3A_461, %shift_right_logical3A_463 : vector<16xi32>
        %and3A_465 = arith.constant 1 : i32
        %and3A_466 = vector.broadcast %and3A_465 : i32 to vector<16xi32>
        %and3A_467 = arith.andi %shift_right_logical3A_464, %and3A_466 : vector<16xi32>
        %add3A_468 = arith.constant 32767 : i32
        %add3A_469 = vector.broadcast %add3A_468 : i32 to vector<16xi32>
        %add3A_470 = arith.addi %bitcast3A_461, %add3A_469 : vector<16xi32>
        %add3A_471 = arith.addi %add3A_470, %and3A_467 : vector<16xi32>
        %and3A_472 = arith.constant -65536 : i32
        %and3A_473 = vector.broadcast %and3A_472 : i32 to vector<16xi32>
        %and3A_474 = arith.andi %add3A_471, %and3A_473 : vector<16xi32>
        %bitcast3A_475 = vector.bitcast %and3A_474 : vector<16xi32> to vector<16xf32>
        %bitcast3A_476 = vector.bitcast %get3A_460 : vector<16xf32> to vector<16xi32>
        %shift_right_logical3A_477 = arith.constant 16 : i32
        %shift_right_logical3A_478 = vector.broadcast %shift_right_logical3A_477 : i32 to vector<16xi32>
        %shift_right_logical3A_479 = arith.shrui %bitcast3A_476, %shift_right_logical3A_478 : vector<16xi32>
        %and3A_480 = arith.constant 1 : i32
        %and3A_481 = vector.broadcast %and3A_480 : i32 to vector<16xi32>
        %and3A_482 = arith.andi %shift_right_logical3A_479, %and3A_481 : vector<16xi32>
        %add3A_483 = arith.constant 32767 : i32
        %add3A_484 = vector.broadcast %add3A_483 : i32 to vector<16xi32>
        %add3A_485 = arith.addi %bitcast3A_476, %add3A_484 : vector<16xi32>
        %add3A_486 = arith.addi %add3A_485, %and3A_482 : vector<16xi32>
        %and3A_487 = arith.constant -65536 : i32
        %and3A_488 = vector.broadcast %and3A_487 : i32 to vector<16xi32>
        %and3A_489 = arith.andi %add3A_486, %and3A_488 : vector<16xi32>
        %bitcast3A_490 = vector.bitcast %and3A_489 : vector<16xi32> to vector<16xf32>
        %mul3A_491 = arith.mulf %bitcast3A_128, %bitcast3A_475 : vector<16xf32>
        %mul3A_492 = arith.mulf %bitcast3A_143, %bitcast3A_490 : vector<16xf32>
        %add3A_493 = arith.addf %mul3A_491, %mul3A_492 : vector<16xf32>
        %add3A_494 = arith.addf %add3A_454, %add3A_493 : vector<16xf32>
        %swap3A_495 = arith.constant 1 : i32
        %swap3A_496 = arith.index_cast %swap3A_495 : i32 to index
        %swap3A_497 = arith.constant 0 : index
        %swap3A_498 = tpu.vector_load %arg9[%swap3A_496, %swap3A_497] {strides = array<i32>} : memref<16x16xf32, #tpu.memory_space<vmem>>, vector<16xf32>,
        tpu.vector_store %arg9[%swap3A_496, %swap3A_497], %add3A_494 {strides = array<i32>} : memref<16x16xf32, #tpu.memory_space<vmem>>, vector<16xf32>,
        %add3A_499 = arith.constant 2 : i32
        %add3A_500 = arith.addi %mul3A_169, %add3A_499 : i32
        %get3A_501 = arith.index_cast %add3A_500 : i32 to index
        %get3A_502 = arith.constant 0 : index
        %get3A_503 = tpu.vector_load %arg5[%get3A_501, %get3A_502] {strides = array<i32>} : memref<256x128xf32, #tpu.memory_space<vmem>>, vector<16xf32>,
        %get3A_504 = arith.index_cast %add3A_500 : i32 to index
        %get3A_505 = arith.constant 16 : index
        %get3A_506 = tpu.vector_load %arg5[%get3A_504, %get3A_505] {strides = array<i32>} : memref<256x128xf32, #tpu.memory_space<vmem>>, vector<16xf32>,
        %bitcast3A_507 = vector.bitcast %get3A_503 : vector<16xf32> to vector<16xi32>
        %shift_right_logical3A_508 = arith.constant 16 : i32
        %shift_right_logical3A_509 = vector.broadcast %shift_right_logical3A_508 : i32 to vector<16xi32>
        %shift_right_logical3A_510 = arith.shrui %bitcast3A_507, %shift_right_logical3A_509 : vector<16xi32>
        %and3A_511 = arith.constant 1 : i32
        %and3A_512 = vector.broadcast %and3A_511 : i32 to vector<16xi32>
        %and3A_513 = arith.andi %shift_right_logical3A_510, %and3A_512 : vector<16xi32>
        %add3A_514 = arith.constant 32767 : i32
        %add3A_515 = vector.broadcast %add3A_514 : i32 to vector<16xi32>
        %add3A_516 = arith.addi %bitcast3A_507, %add3A_515 : vector<16xi32>
        %add3A_517 = arith.addi %add3A_516, %and3A_513 : vector<16xi32>
        %and3A_518 = arith.constant -65536 : i32
        %and3A_519 = vector.broadcast %and3A_518 : i32 to vector<16xi32>
        %and3A_520 = arith.andi %add3A_517, %and3A_519 : vector<16xi32>
        %bitcast3A_521 = vector.bitcast %and3A_520 : vector<16xi32> to vector<16xf32>
        %bitcast3A_522 = vector.bitcast %get3A_506 : vector<16xf32> to vector<16xi32>
        %shift_right_logical3A_523 = arith.constant 16 : i32
        %shift_right_logical3A_524 = vector.broadcast %shift_right_logical3A_523 : i32 to vector<16xi32>
        %shift_right_logical3A_525 = arith.shrui %bitcast3A_522, %shift_right_logical3A_524 : vector<16xi32>
        %and3A_526 = arith.constant 1 : i32
        %and3A_527 = vector.broadcast %and3A_526 : i32 to vector<16xi32>
        %and3A_528 = arith.andi %shift_right_logical3A_525, %and3A_527 : vector<16xi32>
        %add3A_529 = arith.constant 32767 : i32
        %add3A_530 = vector.broadcast %add3A_529 : i32 to vector<16xi32>
        %add3A_531 = arith.addi %bitcast3A_522, %add3A_530 : vector<16xi32>
        %add3A_532 = arith.addi %add3A_531, %and3A_528 : vector<16xi32>
        %and3A_533 = arith.constant -65536 : i32
        %and3A_534 = vector.broadcast %and3A_533 : i32 to vector<16xi32>
        %and3A_535 = arith.andi %add3A_532, %and3A_534 : vector<16xi32>
        %bitcast3A_536 = vector.bitcast %and3A_535 : vector<16xi32> to vector<16xf32>
        %mul3A_537 = arith.mulf %bitcast3A_26, %bitcast3A_521 : vector<16xf32>
        %mul3A_538 = arith.mulf %bitcast3A_41, %bitcast3A_536 : vector<16xf32>
        %add3A_539 = arith.addf %mul3A_537, %mul3A_538 : vector<16xf32>
        %get3A_540 = arith.index_cast %add3A_500 : i32 to index
        %get3A_541 = arith.constant 32 : index
        %get3A_542 = tpu.vector_load %arg5[%get3A_540, %get3A_541] {strides = array<i32>} : memref<256x128xf32, #tpu.memory_space<vmem>>, vector<16xf32>,
        %get3A_543 = arith.index_cast %add3A_500 : i32 to index
        %get3A_544 = arith.constant 48 : index
        %get3A_545 = tpu.vector_load %arg5[%get3A_543, %get3A_544] {strides = array<i32>} : memref<256x128xf32, #tpu.memory_space<vmem>>, vector<16xf32>,
        %bitcast3A_546 = vector.bitcast %get3A_542 : vector<16xf32> to vector<16xi32>
        %shift_right_logical3A_547 = arith.constant 16 : i32
        %shift_right_logical3A_548 = vector.broadcast %shift_right_logical3A_547 : i32 to vector<16xi32>
        %shift_right_logical3A_549 = arith.shrui %bitcast3A_546, %shift_right_logical3A_548 : vector<16xi32>
        %and3A_550 = arith.constant 1 : i32
        %and3A_551 = vector.broadcast %and3A_550 : i32 to vector<16xi32>
        %and3A_552 = arith.andi %shift_right_logical3A_549, %and3A_551 : vector<16xi32>
        %add3A_553 = arith.constant 32767 : i32
        %add3A_554 = vector.broadcast %add3A_553 : i32 to vector<16xi32>
        %add3A_555 = arith.addi %bitcast3A_546, %add3A_554 : vector<16xi32>
        %add3A_556 = arith.addi %add3A_555, %and3A_552 : vector<16xi32>
        %and3A_557 = arith.constant -65536 : i32
        %and3A_558 = vector.broadcast %and3A_557 : i32 to vector<16xi32>
        %and3A_559 = arith.andi %add3A_556, %and3A_558 : vector<16xi32>
        %bitcast3A_560 = vector.bitcast %and3A_559 : vector<16xi32> to vector<16xf32>
        %bitcast3A_561 = vector.bitcast %get3A_545 : vector<16xf32> to vector<16xi32>
        %shift_right_logical3A_562 = arith.constant 16 : i32
        %shift_right_logical3A_563 = vector.broadcast %shift_right_logical3A_562 : i32 to vector<16xi32>
        %shift_right_logical3A_564 = arith.shrui %bitcast3A_561, %shift_right_logical3A_563 : vector<16xi32>
        %and3A_565 = arith.constant 1 : i32
        %and3A_566 = vector.broadcast %and3A_565 : i32 to vector<16xi32>
        %and3A_567 = arith.andi %shift_right_logical3A_564, %and3A_566 : vector<16xi32>
        %add3A_568 = arith.constant 32767 : i32
        %add3A_569 = vector.broadcast %add3A_568 : i32 to vector<16xi32>
        %add3A_570 = arith.addi %bitcast3A_561, %add3A_569 : vector<16xi32>
        %add3A_571 = arith.addi %add3A_570, %and3A_567 : vector<16xi32>
        %and3A_572 = arith.constant -65536 : i32
        %and3A_573 = vector.broadcast %and3A_572 : i32 to vector<16xi32>
        %and3A_574 = arith.andi %add3A_571, %and3A_573 : vector<16xi32>
        %bitcast3A_575 = vector.bitcast %and3A_574 : vector<16xi32> to vector<16xf32>
        %mul3A_576 = arith.mulf %bitcast3A_60, %bitcast3A_560 : vector<16xf32>
        %mul3A_577 = arith.mulf %bitcast3A_75, %bitcast3A_575 : vector<16xf32>
        %add3A_578 = arith.addf %mul3A_576, %mul3A_577 : vector<16xf32>
        %add3A_579 = arith.addf %add3A_539, %add3A_578 : vector<16xf32>
        %get3A_580 = arith.index_cast %add3A_500 : i32 to index
        %get3A_581 = arith.constant 64 : index
        %get3A_582 = tpu.vector_load %arg5[%get3A_580, %get3A_581] {strides = array<i32>} : memref<256x128xf32, #tpu.memory_space<vmem>>, vector<16xf32>,
        %get3A_583 = arith.index_cast %add3A_500 : i32 to index
        %get3A_584 = arith.constant 80 : index
        %get3A_585 = tpu.vector_load %arg5[%get3A_583, %get3A_584] {strides = array<i32>} : memref<256x128xf32, #tpu.memory_space<vmem>>, vector<16xf32>,
        %bitcast3A_586 = vector.bitcast %get3A_582 : vector<16xf32> to vector<16xi32>
        %shift_right_logical3A_587 = arith.constant 16 : i32
        %shift_right_logical3A_588 = vector.broadcast %shift_right_logical3A_587 : i32 to vector<16xi32>
        %shift_right_logical3A_589 = arith.shrui %bitcast3A_586, %shift_right_logical3A_588 : vector<16xi32>
        %and3A_590 = arith.constant 1 : i32
        %and3A_591 = vector.broadcast %and3A_590 : i32 to vector<16xi32>
        %and3A_592 = arith.andi %shift_right_logical3A_589, %and3A_591 : vector<16xi32>
        %add3A_593 = arith.constant 32767 : i32
        %add3A_594 = vector.broadcast %add3A_593 : i32 to vector<16xi32>
        %add3A_595 = arith.addi %bitcast3A_586, %add3A_594 : vector<16xi32>
        %add3A_596 = arith.addi %add3A_595, %and3A_592 : vector<16xi32>
        %and3A_597 = arith.constant -65536 : i32
        %and3A_598 = vector.broadcast %and3A_597 : i32 to vector<16xi32>
        %and3A_599 = arith.andi %add3A_596, %and3A_598 : vector<16xi32>
        %bitcast3A_600 = vector.bitcast %and3A_599 : vector<16xi32> to vector<16xf32>
        %bitcast3A_601 = vector.bitcast %get3A_585 : vector<16xf32> to vector<16xi32>
        %shift_right_logical3A_602 = arith.constant 16 : i32
        %shift_right_logical3A_603 = vector.broadcast %shift_right_logical3A_602 : i32 to vector<16xi32>
        %shift_right_logical3A_604 = arith.shrui %bitcast3A_601, %shift_right_logical3A_603 : vector<16xi32>
        %and3A_605 = arith.constant 1 : i32
        %and3A_606 = vector.broadcast %and3A_605 : i32 to vector<16xi32>
        %and3A_607 = arith.andi %shift_right_logical3A_604, %and3A_606 : vector<16xi32>
        %add3A_608 = arith.constant 32767 : i32
        %add3A_609 = vector.broadcast %add3A_608 : i32 to vector<16xi32>
        %add3A_610 = arith.addi %bitcast3A_601, %add3A_609 : vector<16xi32>
        %add3A_611 = arith.addi %add3A_610, %and3A_607 : vector<16xi32>
        %and3A_612 = arith.constant -65536 : i32
        %and3A_613 = vector.broadcast %and3A_612 : i32 to vector<16xi32>
        %and3A_614 = arith.andi %add3A_611, %and3A_613 : vector<16xi32>
        %bitcast3A_615 = vector.bitcast %and3A_614 : vector<16xi32> to vector<16xf32>
        %mul3A_616 = arith.mulf %bitcast3A_94, %bitcast3A_600 : vector<16xf32>
        %mul3A_617 = arith.mulf %bitcast3A_109, %bitcast3A_615 : vector<16xf32>
        %add3A_618 = arith.addf %mul3A_616, %mul3A_617 : vector<16xf32>
        %add3A_619 = arith.addf %add3A_579, %add3A_618 : vector<16xf32>
        %get3A_620 = arith.index_cast %add3A_500 : i32 to index
        %get3A_621 = arith.constant 96 : index
        %get3A_622 = tpu.vector_load %arg5[%get3A_620, %get3A_621] {strides = array<i32>} : memref<256x128xf32, #tpu.memory_space<vmem>>, vector<16xf32>,
        %get3A_623 = arith.index_cast %add3A_500 : i32 to index
        %get3A_624 = arith.constant 112 : index
        %get3A_625 = tpu.vector_load %arg5[%get3A_623, %get3A_624] {strides = array<i32>} : memref<256x128xf32, #tpu.memory_space<vmem>>, vector<16xf32>,
        %bitcast3A_626 = vector.bitcast %get3A_622 : vector<16xf32> to vector<16xi32>
        %shift_right_logical3A_627 = arith.constant 16 : i32
        %shift_right_logical3A_628 = vector.broadcast %shift_right_logical3A_627 : i32 to vector<16xi32>
        %shift_right_logical3A_629 = arith.shrui %bitcast3A_626, %shift_right_logical3A_628 : vector<16xi32>
        %and3A_630 = arith.constant 1 : i32
        %and3A_631 = vector.broadcast %and3A_630 : i32 to vector<16xi32>
        %and3A_632 = arith.andi %shift_right_logical3A_629, %and3A_631 : vector<16xi32>
        %add3A_633 = arith.constant 32767 : i32
        %add3A_634 = vector.broadcast %add3A_633 : i32 to vector<16xi32>
        %add3A_635 = arith.addi %bitcast3A_626, %add3A_634 : vector<16xi32>
        %add3A_636 = arith.addi %add3A_635, %and3A_632 : vector<16xi32>
        %and3A_637 = arith.constant -65536 : i32
        %and3A_638 = vector.broadcast %and3A_637 : i32 to vector<16xi32>
        %and3A_639 = arith.andi %add3A_636, %and3A_638 : vector<16xi32>
        %bitcast3A_640 = vector.bitcast %and3A_639 : vector<16xi32> to vector<16xf32>
        %bitcast3A_641 = vector.bitcast %get3A_625 : vector<16xf32> to vector<16xi32>
        %shift_right_logical3A_642 = arith.constant 16 : i32
        %shift_right_logical3A_643 = vector.broadcast %shift_right_logical3A_642 : i32 to vector<16xi32>
        %shift_right_logical3A_644 = arith.shrui %bitcast3A_641, %shift_right_logical3A_643 : vector<16xi32>
        %and3A_645 = arith.constant 1 : i32
        %and3A_646 = vector.broadcast %and3A_645 : i32 to vector<16xi32>
        %and3A_647 = arith.andi %shift_right_logical3A_644, %and3A_646 : vector<16xi32>
        %add3A_648 = arith.constant 32767 : i32
        %add3A_649 = vector.broadcast %add3A_648 : i32 to vector<16xi32>
        %add3A_650 = arith.addi %bitcast3A_641, %add3A_649 : vector<16xi32>
        %add3A_651 = arith.addi %add3A_650, %and3A_647 : vector<16xi32>
        %and3A_652 = arith.constant -65536 : i32
        %and3A_653 = vector.broadcast %and3A_652 : i32 to vector<16xi32>
        %and3A_654 = arith.andi %add3A_651, %and3A_653 : vector<16xi32>
        %bitcast3A_655 = vector.bitcast %and3A_654 : vector<16xi32> to vector<16xf32>
        %mul3A_656 = arith.mulf %bitcast3A_128, %bitcast3A_640 : vector<16xf32>
        %mul3A_657 = arith.mulf %bitcast3A_143, %bitcast3A_655 : vector<16xf32>
        %add3A_658 = arith.addf %mul3A_656, %mul3A_657 : vector<16xf32>
        %add3A_659 = arith.addf %add3A_619, %add3A_658 : vector<16xf32>
        %swap3A_660 = arith.constant 2 : i32
        %swap3A_661 = arith.index_cast %swap3A_660 : i32 to index
        %swap3A_662 = arith.constant 0 : index
        %swap3A_663 = tpu.vector_load %arg9[%swap3A_661, %swap3A_662] {strides = array<i32>} : memref<16x16xf32, #tpu.memory_space<vmem>>, vector<16xf32>,
        tpu.vector_store %arg9[%swap3A_661, %swap3A_662], %add3A_659 {strides = array<i32>} : memref<16x16xf32, #tpu.memory_space<vmem>>, vector<16xf32>,
        %add3A_664 = arith.constant 3 : i32
        %add3A_665 = arith.addi %mul3A_169, %add3A_664 : i32
        %get3A_666 = arith.index_cast %add3A_665 : i32 to index
        %get3A_667 = arith.constant 0 : index
        %get3A_668 = tpu.vector_load %arg5[%get3A_666, %get3A_667] {strides = array<i32>} : memref<256x128xf32, #tpu.memory_space<vmem>>, vector<16xf32>,
        %get3A_669 = arith.index_cast %add3A_665 : i32 to index
        %get3A_670 = arith.constant 16 : index
        %get3A_671 = tpu.vector_load %arg5[%get3A_669, %get3A_670] {strides = array<i32>} : memref<256x128xf32, #tpu.memory_space<vmem>>, vector<16xf32>,
        %bitcast3A_672 = vector.bitcast %get3A_668 : vector<16xf32> to vector<16xi32>
        %shift_right_logical3A_673 = arith.constant 16 : i32
        %shift_right_logical3A_674 = vector.broadcast %shift_right_logical3A_673 : i32 to vector<16xi32>
        %shift_right_logical3A_675 = arith.shrui %bitcast3A_672, %shift_right_logical3A_674 : vector<16xi32>
        %and3A_676 = arith.constant 1 : i32
        %and3A_677 = vector.broadcast %and3A_676 : i32 to vector<16xi32>
        %and3A_678 = arith.andi %shift_right_logical3A_675, %and3A_677 : vector<16xi32>
        %add3A_679 = arith.constant 32767 : i32
        %add3A_680 = vector.broadcast %add3A_679 : i32 to vector<16xi32>
        %add3A_681 = arith.addi %bitcast3A_672, %add3A_680 : vector<16xi32>
        %add3A_682 = arith.addi %add3A_681, %and3A_678 : vector<16xi32>
        %and3A_683 = arith.constant -65536 : i32
        %and3A_684 = vector.broadcast %and3A_683 : i32 to vector<16xi32>
        %and3A_685 = arith.andi %add3A_682, %and3A_684 : vector<16xi32>
        %bitcast3A_686 = vector.bitcast %and3A_685 : vector<16xi32> to vector<16xf32>
        %bitcast3A_687 = vector.bitcast %get3A_671 : vector<16xf32> to vector<16xi32>
        %shift_right_logical3A_688 = arith.constant 16 : i32
        %shift_right_logical3A_689 = vector.broadcast %shift_right_logical3A_688 : i32 to vector<16xi32>
        %shift_right_logical3A_690 = arith.shrui %bitcast3A_687, %shift_right_logical3A_689 : vector<16xi32>
        %and3A_691 = arith.constant 1 : i32
        %and3A_692 = vector.broadcast %and3A_691 : i32 to vector<16xi32>
        %and3A_693 = arith.andi %shift_right_logical3A_690, %and3A_692 : vector<16xi32>
        %add3A_694 = arith.constant 32767 : i32
        %add3A_695 = vector.broadcast %add3A_694 : i32 to vector<16xi32>
        %add3A_696 = arith.addi %bitcast3A_687, %add3A_695 : vector<16xi32>
        %add3A_697 = arith.addi %add3A_696, %and3A_693 : vector<16xi32>
        %and3A_698 = arith.constant -65536 : i32
        %and3A_699 = vector.broadcast %and3A_698 : i32 to vector<16xi32>
        %and3A_700 = arith.andi %add3A_697, %and3A_699 : vector<16xi32>
        %bitcast3A_701 = vector.bitcast %and3A_700 : vector<16xi32> to vector<16xf32>
        %mul3A_702 = arith.mulf %bitcast3A_26, %bitcast3A_686 : vector<16xf32>
        %mul3A_703 = arith.mulf %bitcast3A_41, %bitcast3A_701 : vector<16xf32>
        %add3A_704 = arith.addf %mul3A_702, %mul3A_703 : vector<16xf32>
        %get3A_705 = arith.index_cast %add3A_665 : i32 to index
        %get3A_706 = arith.constant 32 : index
        %get3A_707 = tpu.vector_load %arg5[%get3A_705, %get3A_706] {strides = array<i32>} : memref<256x128xf32, #tpu.memory_space<vmem>>, vector<16xf32>,
        %get3A_708 = arith.index_cast %add3A_665 : i32 to index
        %get3A_709 = arith.constant 48 : index
        %get3A_710 = tpu.vector_load %arg5[%get3A_708, %get3A_709] {strides = array<i32>} : memref<256x128xf32, #tpu.memory_space<vmem>>, vector<16xf32>,
        %bitcast3A_711 = vector.bitcast %get3A_707 : vector<16xf32> to vector<16xi32>
        %shift_right_logical3A_712 = arith.constant 16 : i32
        %shift_right_logical3A_713 = vector.broadcast %shift_right_logical3A_712 : i32 to vector<16xi32>
        %shift_right_logical3A_714 = arith.shrui %bitcast3A_711, %shift_right_logical3A_713 : vector<16xi32>
        %and3A_715 = arith.constant 1 : i32
        %and3A_716 = vector.broadcast %and3A_715 : i32 to vector<16xi32>
        %and3A_717 = arith.andi %shift_right_logical3A_714, %and3A_716 : vector<16xi32>
        %add3A_718 = arith.constant 32767 : i32
        %add3A_719 = vector.broadcast %add3A_718 : i32 to vector<16xi32>
        %add3A_720 = arith.addi %bitcast3A_711, %add3A_719 : vector<16xi32>
        %add3A_721 = arith.addi %add3A_720, %and3A_717 : vector<16xi32>
        %and3A_722 = arith.constant -65536 : i32
        %and3A_723 = vector.broadcast %and3A_722 : i32 to vector<16xi32>
        %and3A_724 = arith.andi %add3A_721, %and3A_723 : vector<16xi32>
        %bitcast3A_725 = vector.bitcast %and3A_724 : vector<16xi32> to vector<16xf32>
        %bitcast3A_726 = vector.bitcast %get3A_710 : vector<16xf32> to vector<16xi32>
        %shift_right_logical3A_727 = arith.constant 16 : i32
        %shift_right_logical3A_728 = vector.broadcast %shift_right_logical3A_727 : i32 to vector<16xi32>
        %shift_right_logical3A_729 = arith.shrui %bitcast3A_726, %shift_right_logical3A_728 : vector<16xi32>
        %and3A_730 = arith.constant 1 : i32
        %and3A_731 = vector.broadcast %and3A_730 : i32 to vector<16xi32>
        %and3A_732 = arith.andi %shift_right_logical3A_729, %and3A_731 : vector<16xi32>
        %add3A_733 = arith.constant 32767 : i32
        %add3A_734 = vector.broadcast %add3A_733 : i32 to vector<16xi32>
        %add3A_735 = arith.addi %bitcast3A_726, %add3A_734 : vector<16xi32>
        %add3A_736 = arith.addi %add3A_735, %and3A_732 : vector<16xi32>
        %and3A_737 = arith.constant -65536 : i32
        %and3A_738 = vector.broadcast %and3A_737 : i32 to vector<16xi32>
        %and3A_739 = arith.andi %add3A_736, %and3A_738 : vector<16xi32>
        %bitcast3A_740 = vector.bitcast %and3A_739 : vector<16xi32> to vector<16xf32>
        %mul3A_741 = arith.mulf %bitcast3A_60, %bitcast3A_725 : vector<16xf32>
        %mul3A_742 = arith.mulf %bitcast3A_75, %bitcast3A_740 : vector<16xf32>
        %add3A_743 = arith.addf %mul3A_741, %mul3A_742 : vector<16xf32>
        %add3A_744 = arith.addf %add3A_704, %add3A_743 : vector<16xf32>
        %get3A_745 = arith.index_cast %add3A_665 : i32 to index
        %get3A_746 = arith.constant 64 : index
        %get3A_747 = tpu.vector_load %arg5[%get3A_745, %get3A_746] {strides = array<i32>} : memref<256x128xf32, #tpu.memory_space<vmem>>, vector<16xf32>,
        %get3A_748 = arith.index_cast %add3A_665 : i32 to index
        %get3A_749 = arith.constant 80 : index
        %get3A_750 = tpu.vector_load %arg5[%get3A_748, %get3A_749] {strides = array<i32>} : memref<256x128xf32, #tpu.memory_space<vmem>>, vector<16xf32>,
        %bitcast3A_751 = vector.bitcast %get3A_747 : vector<16xf32> to vector<16xi32>
        %shift_right_logical3A_752 = arith.constant 16 : i32
        %shift_right_logical3A_753 = vector.broadcast %shift_right_logical3A_752 : i32 to vector<16xi32>
        %shift_right_logical3A_754 = arith.shrui %bitcast3A_751, %shift_right_logical3A_753 : vector<16xi32>
        %and3A_755 = arith.constant 1 : i32
        %and3A_756 = vector.broadcast %and3A_755 : i32 to vector<16xi32>
        %and3A_757 = arith.andi %shift_right_logical3A_754, %and3A_756 : vector<16xi32>
        %add3A_758 = arith.constant 32767 : i32
        %add3A_759 = vector.broadcast %add3A_758 : i32 to vector<16xi32>
        %add3A_760 = arith.addi %bitcast3A_751, %add3A_759 : vector<16xi32>
        %add3A_761 = arith.addi %add3A_760, %and3A_757 : vector<16xi32>
        %and3A_762 = arith.constant -65536 : i32
        %and3A_763 = vector.broadcast %and3A_762 : i32 to vector<16xi32>
        %and3A_764 = arith.andi %add3A_761, %and3A_763 : vector<16xi32>
        %bitcast3A_765 = vector.bitcast %and3A_764 : vector<16xi32> to vector<16xf32>
        %bitcast3A_766 = vector.bitcast %get3A_750 : vector<16xf32> to vector<16xi32>
        %shift_right_logical3A_767 = arith.constant 16 : i32
        %shift_right_logical3A_768 = vector.broadcast %shift_right_logical3A_767 : i32 to vector<16xi32>
        %shift_right_logical3A_769 = arith.shrui %bitcast3A_766, %shift_right_logical3A_768 : vector<16xi32>
        %and3A_770 = arith.constant 1 : i32
        %and3A_771 = vector.broadcast %and3A_770 : i32 to vector<16xi32>
        %and3A_772 = arith.andi %shift_right_logical3A_769, %and3A_771 : vector<16xi32>
        %add3A_773 = arith.constant 32767 : i32
        %add3A_774 = vector.broadcast %add3A_773 : i32 to vector<16xi32>
        %add3A_775 = arith.addi %bitcast3A_766, %add3A_774 : vector<16xi32>
        %add3A_776 = arith.addi %add3A_775, %and3A_772 : vector<16xi32>
        %and3A_777 = arith.constant -65536 : i32
        %and3A_778 = vector.broadcast %and3A_777 : i32 to vector<16xi32>
        %and3A_779 = arith.andi %add3A_776, %and3A_778 : vector<16xi32>
        %bitcast3A_780 = vector.bitcast %and3A_779 : vector<16xi32> to vector<16xf32>
        %mul3A_781 = arith.mulf %bitcast3A_94, %bitcast3A_765 : vector<16xf32>
        %mul3A_782 = arith.mulf %bitcast3A_109, %bitcast3A_780 : vector<16xf32>
        %add3A_783 = arith.addf %mul3A_781, %mul3A_782 : vector<16xf32>
        %add3A_784 = arith.addf %add3A_744, %add3A_783 : vector<16xf32>
        %get3A_785 = arith.index_cast %add3A_665 : i32 to index
        %get3A_786 = arith.constant 96 : index
        %get3A_787 = tpu.vector_load %arg5[%get3A_785, %get3A_786] {strides = array<i32>} : memref<256x128xf32, #tpu.memory_space<vmem>>, vector<16xf32>,
        %get3A_788 = arith.index_cast %add3A_665 : i32 to index
        %get3A_789 = arith.constant 112 : index
        %get3A_790 = tpu.vector_load %arg5[%get3A_788, %get3A_789] {strides = array<i32>} : memref<256x128xf32, #tpu.memory_space<vmem>>, vector<16xf32>,
        %bitcast3A_791 = vector.bitcast %get3A_787 : vector<16xf32> to vector<16xi32>
        %shift_right_logical3A_792 = arith.constant 16 : i32
        %shift_right_logical3A_793 = vector.broadcast %shift_right_logical3A_792 : i32 to vector<16xi32>
        %shift_right_logical3A_794 = arith.shrui %bitcast3A_791, %shift_right_logical3A_793 : vector<16xi32>
        %and3A_795 = arith.constant 1 : i32
        %and3A_796 = vector.broadcast %and3A_795 : i32 to vector<16xi32>
        %and3A_797 = arith.andi %shift_right_logical3A_794, %and3A_796 : vector<16xi32>
        %add3A_798 = arith.constant 32767 : i32
        %add3A_799 = vector.broadcast %add3A_798 : i32 to vector<16xi32>
        %add3A_800 = arith.addi %bitcast3A_791, %add3A_799 : vector<16xi32>
        %add3A_801 = arith.addi %add3A_800, %and3A_797 : vector<16xi32>
        %and3A_802 = arith.constant -65536 : i32
        %and3A_803 = vector.broadcast %and3A_802 : i32 to vector<16xi32>
        %and3A_804 = arith.andi %add3A_801, %and3A_803 : vector<16xi32>
        %bitcast3A_805 = vector.bitcast %and3A_804 : vector<16xi32> to vector<16xf32>
        %bitcast3A_806 = vector.bitcast %get3A_790 : vector<16xf32> to vector<16xi32>
        %shift_right_logical3A_807 = arith.constant 16 : i32
        %shift_right_logical3A_808 = vector.broadcast %shift_right_logical3A_807 : i32 to vector<16xi32>
        %shift_right_logical3A_809 = arith.shrui %bitcast3A_806, %shift_right_logical3A_808 : vector<16xi32>
        %and3A_810 = arith.constant 1 : i32
        %and3A_811 = vector.broadcast %and3A_810 : i32 to vector<16xi32>
        %and3A_812 = arith.andi %shift_right_logical3A_809, %and3A_811 : vector<16xi32>
        %add3A_813 = arith.constant 32767 : i32
        %add3A_814 = vector.broadcast %add3A_813 : i32 to vector<16xi32>
        %add3A_815 = arith.addi %bitcast3A_806, %add3A_814 : vector<16xi32>
        %add3A_816 = arith.addi %add3A_815, %and3A_812 : vector<16xi32>
        %and3A_817 = arith.constant -65536 : i32
        %and3A_818 = vector.broadcast %and3A_817 : i32 to vector<16xi32>
        %and3A_819 = arith.andi %add3A_816, %and3A_818 : vector<16xi32>
        %bitcast3A_820 = vector.bitcast %and3A_819 : vector<16xi32> to vector<16xf32>
        %mul3A_821 = arith.mulf %bitcast3A_128, %bitcast3A_805 : vector<16xf32>
        %mul3A_822 = arith.mulf %bitcast3A_143, %bitcast3A_820 : vector<16xf32>
        %add3A_823 = arith.addf %mul3A_821, %mul3A_822 : vector<16xf32>
        %add3A_824 = arith.addf %add3A_784, %add3A_823 : vector<16xf32>
        %swap3A_825 = arith.constant 3 : i32
        %swap3A_826 = arith.index_cast %swap3A_825 : i32 to index
        %swap3A_827 = arith.constant 0 : index
        %swap3A_828 = tpu.vector_load %arg9[%swap3A_826, %swap3A_827] {strides = array<i32>} : memref<16x16xf32, #tpu.memory_space<vmem>>, vector<16xf32>,
        tpu.vector_store %arg9[%swap3A_826, %swap3A_827], %add3A_824 {strides = array<i32>} : memref<16x16xf32, #tpu.memory_space<vmem>>, vector<16xf32>,
        %add3A_829 = arith.constant 4 : i32
        %add3A_830 = arith.addi %mul3A_169, %add3A_829 : i32
        %get3A_831 = arith.index_cast %add3A_830 : i32 to index
        %get3A_832 = arith.constant 0 : index
        %get3A_833 = tpu.vector_load %arg5[%get3A_831, %get3A_832] {strides = array<i32>} : memref<256x128xf32, #tpu.memory_space<vmem>>, vector<16xf32>,
        %get3A_834 = arith.index_cast %add3A_830 : i32 to index
        %get3A_835 = arith.constant 16 : index
        %get3A_836 = tpu.vector_load %arg5[%get3A_834, %get3A_835] {strides = array<i32>} : memref<256x128xf32, #tpu.memory_space<vmem>>, vector<16xf32>,
        %bitcast3A_837 = vector.bitcast %get3A_833 : vector<16xf32> to vector<16xi32>
        %shift_right_logical3A_838 = arith.constant 16 : i32
        %shift_right_logical3A_839 = vector.broadcast %shift_right_logical3A_838 : i32 to vector<16xi32>
        %shift_right_logical3A_840 = arith.shrui %bitcast3A_837, %shift_right_logical3A_839 : vector<16xi32>
        %and3A_841 = arith.constant 1 : i32
        %and3A_842 = vector.broadcast %and3A_841 : i32 to vector<16xi32>
        %and3A_843 = arith.andi %shift_right_logical3A_840, %and3A_842 : vector<16xi32>
        %add3A_844 = arith.constant 32767 : i32
        %add3A_845 = vector.broadcast %add3A_844 : i32 to vector<16xi32>
        %add3A_846 = arith.addi %bitcast3A_837, %add3A_845 : vector<16xi32>
        %add3A_847 = arith.addi %add3A_846, %and3A_843 : vector<16xi32>
        %and3A_848 = arith.constant -65536 : i32
        %and3A_849 = vector.broadcast %and3A_848 : i32 to vector<16xi32>
        %and3A_850 = arith.andi %add3A_847, %and3A_849 : vector<16xi32>
        %bitcast3A_851 = vector.bitcast %and3A_850 : vector<16xi32> to vector<16xf32>
        %bitcast3A_852 = vector.bitcast %get3A_836 : vector<16xf32> to vector<16xi32>
        %shift_right_logical3A_853 = arith.constant 16 : i32
        %shift_right_logical3A_854 = vector.broadcast %shift_right_logical3A_853 : i32 to vector<16xi32>
        %shift_right_logical3A_855 = arith.shrui %bitcast3A_852, %shift_right_logical3A_854 : vector<16xi32>
        %and3A_856 = arith.constant 1 : i32
        %and3A_857 = vector.broadcast %and3A_856 : i32 to vector<16xi32>
        %and3A_858 = arith.andi %shift_right_logical3A_855, %and3A_857 : vector<16xi32>
        %add3A_859 = arith.constant 32767 : i32
        %add3A_860 = vector.broadcast %add3A_859 : i32 to vector<16xi32>
        %add3A_861 = arith.addi %bitcast3A_852, %add3A_860 : vector<16xi32>
        %add3A_862 = arith.addi %add3A_861, %and3A_858 : vector<16xi32>
        %and3A_863 = arith.constant -65536 : i32
        %and3A_864 = vector.broadcast %and3A_863 : i32 to vector<16xi32>
        %and3A_865 = arith.andi %add3A_862, %and3A_864 : vector<16xi32>
        %bitcast3A_866 = vector.bitcast %and3A_865 : vector<16xi32> to vector<16xf32>
        %mul3A_867 = arith.mulf %bitcast3A_26, %bitcast3A_851 : vector<16xf32>
        %mul3A_868 = arith.mulf %bitcast3A_41, %bitcast3A_866 : vector<16xf32>
        %add3A_869 = arith.addf %mul3A_867, %mul3A_868 : vector<16xf32>
        %get3A_870 = arith.index_cast %add3A_830 : i32 to index
        %get3A_871 = arith.constant 32 : index
        %get3A_872 = tpu.vector_load %arg5[%get3A_870, %get3A_871] {strides = array<i32>} : memref<256x128xf32, #tpu.memory_space<vmem>>, vector<16xf32>,
        %get3A_873 = arith.index_cast %add3A_830 : i32 to index
        %get3A_874 = arith.constant 48 : index
        %get3A_875 = tpu.vector_load %arg5[%get3A_873, %get3A_874] {strides = array<i32>} : memref<256x128xf32, #tpu.memory_space<vmem>>, vector<16xf32>,
        %bitcast3A_876 = vector.bitcast %get3A_872 : vector<16xf32> to vector<16xi32>
        %shift_right_logical3A_877 = arith.constant 16 : i32
        %shift_right_logical3A_878 = vector.broadcast %shift_right_logical3A_877 : i32 to vector<16xi32>
        %shift_right_logical3A_879 = arith.shrui %bitcast3A_876, %shift_right_logical3A_878 : vector<16xi32>
        %and3A_880 = arith.constant 1 : i32
        %and3A_881 = vector.broadcast %and3A_880 : i32 to vector<16xi32>
        %and3A_882 = arith.andi %shift_right_logical3A_879, %and3A_881 : vector<16xi32>
        %add3A_883 = arith.constant 32767 : i32
        %add3A_884 = vector.broadcast %add3A_883 : i32 to vector<16xi32>
        %add3A_885 = arith.addi %bitcast3A_876, %add3A_884 : vector<16xi32>
        %add3A_886 = arith.addi %add3A_885, %and3A_882 : vector<16xi32>
        %and3A_887 = arith.constant -65536 : i32
        %and3A_888 = vector.broadcast %and3A_887 : i32 to vector<16xi32>
        %and3A_889 = arith.andi %add3A_886, %and3A_888 : vector<16xi32>
        %bitcast3A_890 = vector.bitcast %and3A_889 : vector<16xi32> to vector<16xf32>
        %bitcast3A_891 = vector.bitcast %get3A_875 : vector<16xf32> to vector<16xi32>
        %shift_right_logical3A_892 = arith.constant 16 : i32
        %shift_right_logical3A_893 = vector.broadcast %shift_right_logical3A_892 : i32 to vector<16xi32>
        %shift_right_logical3A_894 = arith.shrui %bitcast3A_891, %shift_right_logical3A_893 : vector<16xi32>
        %and3A_895 = arith.constant 1 : i32
        %and3A_896 = vector.broadcast %and3A_895 : i32 to vector<16xi32>
        %and3A_897 = arith.andi %shift_right_logical3A_894, %and3A_896 : vector<16xi32>
        %add3A_898 = arith.constant 32767 : i32
        %add3A_899 = vector.broadcast %add3A_898 : i32 to vector<16xi32>
        %add3A_900 = arith.addi %bitcast3A_891, %add3A_899 : vector<16xi32>
        %add3A_901 = arith.addi %add3A_900, %and3A_897 : vector<16xi32>
        %and3A_902 = arith.constant -65536 : i32
        %and3A_903 = vector.broadcast %and3A_902 : i32 to vector<16xi32>
        %and3A_904 = arith.andi %add3A_901, %and3A_903 : vector<16xi32>
        %bitcast3A_905 = vector.bitcast %and3A_904 : vector<16xi32> to vector<16xf32>
        %mul3A_906 = arith.mulf %bitcast3A_60, %bitcast3A_890 : vector<16xf32>
        %mul3A_907 = arith.mulf %bitcast3A_75, %bitcast3A_905 : vector<16xf32>
        %add3A_908 = arith.addf %mul3A_906, %mul3A_907 : vector<16xf32>
        %add3A_909 = arith.addf %add3A_869, %add3A_908 : vector<16xf32>
        %get3A_910 = arith.index_cast %add3A_830 : i32 to index
        %get3A_911 = arith.constant 64 : index
        %get3A_912 = tpu.vector_load %arg5[%get3A_910, %get3A_911] {strides = array<i32>} : memref<256x128xf32, #tpu.memory_space<vmem>>, vector<16xf32>,
        %get3A_913 = arith.index_cast %add3A_830 : i32 to index
        %get3A_914 = arith.constant 80 : index
        %get3A_915 = tpu.vector_load %arg5[%get3A_913, %get3A_914] {strides = array<i32>} : memref<256x128xf32, #tpu.memory_space<vmem>>, vector<16xf32>,
        %bitcast3A_916 = vector.bitcast %get3A_912 : vector<16xf32> to vector<16xi32>
        %shift_right_logical3A_917 = arith.constant 16 : i32
        %shift_right_logical3A_918 = vector.broadcast %shift_right_logical3A_917 : i32 to vector<16xi32>
        %shift_right_logical3A_919 = arith.shrui %bitcast3A_916, %shift_right_logical3A_918 : vector<16xi32>
        %and3A_920 = arith.constant 1 : i32
        %and3A_921 = vector.broadcast %and3A_920 : i32 to vector<16xi32>
        %and3A_922 = arith.andi %shift_right_logical3A_919, %and3A_921 : vector<16xi32>
        %add3A_923 = arith.constant 32767 : i32
        %add3A_924 = vector.broadcast %add3A_923 : i32 to vector<16xi32>
        %add3A_925 = arith.addi %bitcast3A_916, %add3A_924 : vector<16xi32>
        %add3A_926 = arith.addi %add3A_925, %and3A_922 : vector<16xi32>
        %and3A_927 = arith.constant -65536 : i32
        %and3A_928 = vector.broadcast %and3A_927 : i32 to vector<16xi32>
        %and3A_929 = arith.andi %add3A_926, %and3A_928 : vector<16xi32>
        %bitcast3A_930 = vector.bitcast %and3A_929 : vector<16xi32> to vector<16xf32>
        %bitcast3A_931 = vector.bitcast %get3A_915 : vector<16xf32> to vector<16xi32>
        %shift_right_logical3A_932 = arith.constant 16 : i32
        %shift_right_logical3A_933 = vector.broadcast %shift_right_logical3A_932 : i32 to vector<16xi32>
        %shift_right_logical3A_934 = arith.shrui %bitcast3A_931, %shift_right_logical3A_933 : vector<16xi32>
        %and3A_935 = arith.constant 1 : i32
        %and3A_936 = vector.broadcast %and3A_935 : i32 to vector<16xi32>
        %and3A_937 = arith.andi %shift_right_logical3A_934, %and3A_936 : vector<16xi32>
        %add3A_938 = arith.constant 32767 : i32
        %add3A_939 = vector.broadcast %add3A_938 : i32 to vector<16xi32>
        %add3A_940 = arith.addi %bitcast3A_931, %add3A_939 : vector<16xi32>
        %add3A_941 = arith.addi %add3A_940, %and3A_937 : vector<16xi32>
        %and3A_942 = arith.constant -65536 : i32
        %and3A_943 = vector.broadcast %and3A_942 : i32 to vector<16xi32>
        %and3A_944 = arith.andi %add3A_941, %and3A_943 : vector<16xi32>
        %bitcast3A_945 = vector.bitcast %and3A_944 : vector<16xi32> to vector<16xf32>
        %mul3A_946 = arith.mulf %bitcast3A_94, %bitcast3A_930 : vector<16xf32>
        %mul3A_947 = arith.mulf %bitcast3A_109, %bitcast3A_945 : vector<16xf32>
        %add3A_948 = arith.addf %mul3A_946, %mul3A_947 : vector<16xf32>
        %add3A_949 = arith.addf %add3A_909, %add3A_948 : vector<16xf32>
        %get3A_950 = arith.index_cast %add3A_830 : i32 to index
        %get3A_951 = arith.constant 96 : index
        %get3A_952 = tpu.vector_load %arg5[%get3A_950, %get3A_951] {strides = array<i32>} : memref<256x128xf32, #tpu.memory_space<vmem>>, vector<16xf32>,
        %get3A_953 = arith.index_cast %add3A_830 : i32 to index
        %get3A_954 = arith.constant 112 : index
        %get3A_955 = tpu.vector_load %arg5[%get3A_953, %get3A_954] {strides = array<i32>} : memref<256x128xf32, #tpu.memory_space<vmem>>, vector<16xf32>,
        %bitcast3A_956 = vector.bitcast %get3A_952 : vector<16xf32> to vector<16xi32>
        %shift_right_logical3A_957 = arith.constant 16 : i32
        %shift_right_logical3A_958 = vector.broadcast %shift_right_logical3A_957 : i32 to vector<16xi32>
        %shift_right_logical3A_959 = arith.shrui %bitcast3A_956, %shift_right_logical3A_958 : vector<16xi32>
        %and3A_960 = arith.constant 1 : i32
        %and3A_961 = vector.broadcast %and3A_960 : i32 to vector<16xi32>
        %and3A_962 = arith.andi %shift_right_logical3A_959, %and3A_961 : vector<16xi32>
        %add3A_963 = arith.constant 32767 : i32
        %add3A_964 = vector.broadcast %add3A_963 : i32 to vector<16xi32>
        %add3A_965 = arith.addi %bitcast3A_956, %add3A_964 : vector<16xi32>
        %add3A_966 = arith.addi %add3A_965, %and3A_962 : vector<16xi32>
        %and3A_967 = arith.constant -65536 : i32
        %and3A_968 = vector.broadcast %and3A_967 : i32 to vector<16xi32>
        %and3A_969 = arith.andi %add3A_966, %and3A_968 : vector<16xi32>
        %bitcast3A_970 = vector.bitcast %and3A_969 : vector<16xi32> to vector<16xf32>
        %bitcast3A_971 = vector.bitcast %get3A_955 : vector<16xf32> to vector<16xi32>
        %shift_right_logical3A_972 = arith.constant 16 : i32
        %shift_right_logical3A_973 = vector.broadcast %shift_right_logical3A_972 : i32 to vector<16xi32>
        %shift_right_logical3A_974 = arith.shrui %bitcast3A_971, %shift_right_logical3A_973 : vector<16xi32>
        %and3A_975 = arith.constant 1 : i32
        %and3A_976 = vector.broadcast %and3A_975 : i32 to vector<16xi32>
        %and3A_977 = arith.andi %shift_right_logical3A_974, %and3A_976 : vector<16xi32>
        %add3A_978 = arith.constant 32767 : i32
        %add3A_979 = vector.broadcast %add3A_978 : i32 to vector<16xi32>
        %add3A_980 = arith.addi %bitcast3A_971, %add3A_979 : vector<16xi32>
        %add3A_981 = arith.addi %add3A_980, %and3A_977 : vector<16xi32>
        %and3A_982 = arith.constant -65536 : i32
        %and3A_983 = vector.broadcast %and3A_982 : i32 to vector<16xi32>
        %and3A_984 = arith.andi %add3A_981, %and3A_983 : vector<16xi32>
        %bitcast3A_985 = vector.bitcast %and3A_984 : vector<16xi32> to vector<16xf32>
        %mul3A_986 = arith.mulf %bitcast3A_128, %bitcast3A_970 : vector<16xf32>
        %mul3A_987 = arith.mulf %bitcast3A_143, %bitcast3A_985 : vector<16xf32>
        %add3A_988 = arith.addf %mul3A_986, %mul3A_987 : vector<16xf32>
        %add3A_989 = arith.addf %add3A_949, %add3A_988 : vector<16xf32>
        %swap3A_990 = arith.constant 4 : i32
        %swap3A_991 = arith.index_cast %swap3A_990 : i32 to index
        %swap3A_992 = arith.constant 0 : index
        %swap3A_993 = tpu.vector_load %arg9[%swap3A_991, %swap3A_992] {strides = array<i32>} : memref<16x16xf32, #tpu.memory_space<vmem>>, vector<16xf32>,
        tpu.vector_store %arg9[%swap3A_991, %swap3A_992], %add3A_989 {strides = array<i32>} : memref<16x16xf32, #tpu.memory_space<vmem>>, vector<16xf32>,
        %add3A_994 = arith.constant 5 : i32
        %add3A_995 = arith.addi %mul3A_169, %add3A_994 : i32
        %get3A_996 = arith.index_cast %add3A_995 : i32 to index
        %get3A_997 = arith.constant 0 : index
        %get3A_998 = tpu.vector_load %arg5[%get3A_996, %get3A_997] {strides = array<i32>} : memref<256x128xf32, #tpu.memory_space<vmem>>, vector<16xf32>,
        %get3A_999 = arith.index_cast %add3A_995 : i32 to index
        %get3A_1000 = arith.constant 16 : index
        %get3A_1001 = tpu.vector_load %arg5[%get3A_999, %get3A_1000] {strides = array<i32>} : memref<256x128xf32, #tpu.memory_space<vmem>>, vector<16xf32>,
        %bitcast3A_1002 = vector.bitcast %get3A_998 : vector<16xf32> to vector<16xi32>
        %shift_right_logical3A_1003 = arith.constant 16 : i32
        %shift_right_logical3A_1004 = vector.broadcast %shift_right_logical3A_1003 : i32 to vector<16xi32>
        %shift_right_logical3A_1005 = arith.shrui %bitcast3A_1002, %shift_right_logical3A_1004 : vector<16xi32>
        %and3A_1006 = arith.constant 1 : i32
        %and3A_1007 = vector.broadcast %and3A_1006 : i32 to vector<16xi32>
        %and3A_1008 = arith.andi %shift_right_logical3A_1005, %and3A_1007 : vector<16xi32>
        %add3A_1009 = arith.constant 32767 : i32
        %add3A_1010 = vector.broadcast %add3A_1009 : i32 to vector<16xi32>
        %add3A_1011 = arith.addi %bitcast3A_1002, %add3A_1010 : vector<16xi32>
        %add3A_1012 = arith.addi %add3A_1011, %and3A_1008 : vector<16xi32>
        %and3A_1013 = arith.constant -65536 : i32
        %and3A_1014 = vector.broadcast %and3A_1013 : i32 to vector<16xi32>
        %and3A_1015 = arith.andi %add3A_1012, %and3A_1014 : vector<16xi32>
        %bitcast3A_1016 = vector.bitcast %and3A_1015 : vector<16xi32> to vector<16xf32>
        %bitcast3A_1017 = vector.bitcast %get3A_1001 : vector<16xf32> to vector<16xi32>
        %shift_right_logical3A_1018 = arith.constant 16 : i32
        %shift_right_logical3A_1019 = vector.broadcast %shift_right_logical3A_1018 : i32 to vector<16xi32>
        %shift_right_logical3A_1020 = arith.shrui %bitcast3A_1017, %shift_right_logical3A_1019 : vector<16xi32>
        %and3A_1021 = arith.constant 1 : i32
        %and3A_1022 = vector.broadcast %and3A_1021 : i32 to vector<16xi32>
        %and3A_1023 = arith.andi %shift_right_logical3A_1020, %and3A_1022 : vector<16xi32>
        %add3A_1024 = arith.constant 32767 : i32
        %add3A_1025 = vector.broadcast %add3A_1024 : i32 to vector<16xi32>
        %add3A_1026 = arith.addi %bitcast3A_1017, %add3A_1025 : vector<16xi32>
        %add3A_1027 = arith.addi %add3A_1026, %and3A_1023 : vector<16xi32>
        %and3A_1028 = arith.constant -65536 : i32
        %and3A_1029 = vector.broadcast %and3A_1028 : i32 to vector<16xi32>
        %and3A_1030 = arith.andi %add3A_1027, %and3A_1029 : vector<16xi32>
        %bitcast3A_1031 = vector.bitcast %and3A_1030 : vector<16xi32> to vector<16xf32>
        %mul3A_1032 = arith.mulf %bitcast3A_26, %bitcast3A_1016 : vector<16xf32>
        %mul3A_1033 = arith.mulf %bitcast3A_41, %bitcast3A_1031 : vector<16xf32>
        %add3A_1034 = arith.addf %mul3A_1032, %mul3A_1033 : vector<16xf32>
        %get3A_1035 = arith.index_cast %add3A_995 : i32 to index
        %get3A_1036 = arith.constant 32 : index
        %get3A_1037 = tpu.vector_load %arg5[%get3A_1035, %get3A_1036] {strides = array<i32>} : memref<256x128xf32, #tpu.memory_space<vmem>>, vector<16xf32>,
        %get3A_1038 = arith.index_cast %add3A_995 : i32 to index
        %get3A_1039 = arith.constant 48 : index
        %get3A_1040 = tpu.vector_load %arg5[%get3A_1038, %get3A_1039] {strides = array<i32>} : memref<256x128xf32, #tpu.memory_space<vmem>>, vector<16xf32>,
        %bitcast3A_1041 = vector.bitcast %get3A_1037 : vector<16xf32> to vector<16xi32>
        %shift_right_logical3A_1042 = arith.constant 16 : i32
        %shift_right_logical3A_1043 = vector.broadcast %shift_right_logical3A_1042 : i32 to vector<16xi32>
        %shift_right_logical3A_1044 = arith.shrui %bitcast3A_1041, %shift_right_logical3A_1043 : vector<16xi32>
        %and3A_1045 = arith.constant 1 : i32
        %and3A_1046 = vector.broadcast %and3A_1045 : i32 to vector<16xi32>
        %and3A_1047 = arith.andi %shift_right_logical3A_1044, %and3A_1046 : vector<16xi32>
        %add3A_1048 = arith.constant 32767 : i32
        %add3A_1049 = vector.broadcast %add3A_1048 : i32 to vector<16xi32>
        %add3A_1050 = arith.addi %bitcast3A_1041, %add3A_1049 : vector<16xi32>
        %add3A_1051 = arith.addi %add3A_1050, %and3A_1047 : vector<16xi32>
        %and3A_1052 = arith.constant -65536 : i32
        %and3A_1053 = vector.broadcast %and3A_1052 : i32 to vector<16xi32>
        %and3A_1054 = arith.andi %add3A_1051, %and3A_1053 : vector<16xi32>
        %bitcast3A_1055 = vector.bitcast %and3A_1054 : vector<16xi32> to vector<16xf32>
        %bitcast3A_1056 = vector.bitcast %get3A_1040 : vector<16xf32> to vector<16xi32>
        %shift_right_logical3A_1057 = arith.constant 16 : i32
        %shift_right_logical3A_1058 = vector.broadcast %shift_right_logical3A_1057 : i32 to vector<16xi32>
        %shift_right_logical3A_1059 = arith.shrui %bitcast3A_1056, %shift_right_logical3A_1058 : vector<16xi32>
        %and3A_1060 = arith.constant 1 : i32
        %and3A_1061 = vector.broadcast %and3A_1060 : i32 to vector<16xi32>
        %and3A_1062 = arith.andi %shift_right_logical3A_1059, %and3A_1061 : vector<16xi32>
        %add3A_1063 = arith.constant 32767 : i32
        %add3A_1064 = vector.broadcast %add3A_1063 : i32 to vector<16xi32>
        %add3A_1065 = arith.addi %bitcast3A_1056, %add3A_1064 : vector<16xi32>
        %add3A_1066 = arith.addi %add3A_1065, %and3A_1062 : vector<16xi32>
        %and3A_1067 = arith.constant -65536 : i32
        %and3A_1068 = vector.broadcast %and3A_1067 : i32 to vector<16xi32>
        %and3A_1069 = arith.andi %add3A_1066, %and3A_1068 : vector<16xi32>
        %bitcast3A_1070 = vector.bitcast %and3A_1069 : vector<16xi32> to vector<16xf32>
        %mul3A_1071 = arith.mulf %bitcast3A_60, %bitcast3A_1055 : vector<16xf32>
        %mul3A_1072 = arith.mulf %bitcast3A_75, %bitcast3A_1070 : vector<16xf32>
        %add3A_1073 = arith.addf %mul3A_1071, %mul3A_1072 : vector<16xf32>
        %add3A_1074 = arith.addf %add3A_1034, %add3A_1073 : vector<16xf32>
        %get3A_1075 = arith.index_cast %add3A_995 : i32 to index
        %get3A_1076 = arith.constant 64 : index
        %get3A_1077 = tpu.vector_load %arg5[%get3A_1075, %get3A_1076] {strides = array<i32>} : memref<256x128xf32, #tpu.memory_space<vmem>>, vector<16xf32>,
        %get3A_1078 = arith.index_cast %add3A_995 : i32 to index
        %get3A_1079 = arith.constant 80 : index
        %get3A_1080 = tpu.vector_load %arg5[%get3A_1078, %get3A_1079] {strides = array<i32>} : memref<256x128xf32, #tpu.memory_space<vmem>>, vector<16xf32>,
        %bitcast3A_1081 = vector.bitcast %get3A_1077 : vector<16xf32> to vector<16xi32>
        %shift_right_logical3A_1082 = arith.constant 16 : i32
        %shift_right_logical3A_1083 = vector.broadcast %shift_right_logical3A_1082 : i32 to vector<16xi32>
        %shift_right_logical3A_1084 = arith.shrui %bitcast3A_1081, %shift_right_logical3A_1083 : vector<16xi32>
        %and3A_1085 = arith.constant 1 : i32
        %and3A_1086 = vector.broadcast %and3A_1085 : i32 to vector<16xi32>
        %and3A_1087 = arith.andi %shift_right_logical3A_1084, %and3A_1086 : vector<16xi32>
        %add3A_1088 = arith.constant 32767 : i32
        %add3A_1089 = vector.broadcast %add3A_1088 : i32 to vector<16xi32>
        %add3A_1090 = arith.addi %bitcast3A_1081, %add3A_1089 : vector<16xi32>
        %add3A_1091 = arith.addi %add3A_1090, %and3A_1087 : vector<16xi32>
        %and3A_1092 = arith.constant -65536 : i32
        %and3A_1093 = vector.broadcast %and3A_1092 : i32 to vector<16xi32>
        %and3A_1094 = arith.andi %add3A_1091, %and3A_1093 : vector<16xi32>
        %bitcast3A_1095 = vector.bitcast %and3A_1094 : vector<16xi32> to vector<16xf32>
        %bitcast3A_1096 = vector.bitcast %get3A_1080 : vector<16xf32> to vector<16xi32>
        %shift_right_logical3A_1097 = arith.constant 16 : i32
        %shift_right_logical3A_1098 = vector.broadcast %shift_right_logical3A_1097 : i32 to vector<16xi32>
        %shift_right_logical3A_1099 = arith.shrui %bitcast3A_1096, %shift_right_logical3A_1098 : vector<16xi32>
        %and3A_1100 = arith.constant 1 : i32
        %and3A_1101 = vector.broadcast %and3A_1100 : i32 to vector<16xi32>
        %and3A_1102 = arith.andi %shift_right_logical3A_1099, %and3A_1101 : vector<16xi32>
        %add3A_1103 = arith.constant 32767 : i32
        %add3A_1104 = vector.broadcast %add3A_1103 : i32 to vector<16xi32>
        %add3A_1105 = arith.addi %bitcast3A_1096, %add3A_1104 : vector<16xi32>
        %add3A_1106 = arith.addi %add3A_1105, %and3A_1102 : vector<16xi32>
        %and3A_1107 = arith.constant -65536 : i32
        %and3A_1108 = vector.broadcast %and3A_1107 : i32 to vector<16xi32>
        %and3A_1109 = arith.andi %add3A_1106, %and3A_1108 : vector<16xi32>
        %bitcast3A_1110 = vector.bitcast %and3A_1109 : vector<16xi32> to vector<16xf32>
        %mul3A_1111 = arith.mulf %bitcast3A_94, %bitcast3A_1095 : vector<16xf32>
        %mul3A_1112 = arith.mulf %bitcast3A_109, %bitcast3A_1110 : vector<16xf32>
        %add3A_1113 = arith.addf %mul3A_1111, %mul3A_1112 : vector<16xf32>
        %add3A_1114 = arith.addf %add3A_1074, %add3A_1113 : vector<16xf32>
        %get3A_1115 = arith.index_cast %add3A_995 : i32 to index
        %get3A_1116 = arith.constant 96 : index
        %get3A_1117 = tpu.vector_load %arg5[%get3A_1115, %get3A_1116] {strides = array<i32>} : memref<256x128xf32, #tpu.memory_space<vmem>>, vector<16xf32>,
        %get3A_1118 = arith.index_cast %add3A_995 : i32 to index
        %get3A_1119 = arith.constant 112 : index
        %get3A_1120 = tpu.vector_load %arg5[%get3A_1118, %get3A_1119] {strides = array<i32>} : memref<256x128xf32, #tpu.memory_space<vmem>>, vector<16xf32>,
        %bitcast3A_1121 = vector.bitcast %get3A_1117 : vector<16xf32> to vector<16xi32>
        %shift_right_logical3A_1122 = arith.constant 16 : i32
        %shift_right_logical3A_1123 = vector.broadcast %shift_right_logical3A_1122 : i32 to vector<16xi32>
        %shift_right_logical3A_1124 = arith.shrui %bitcast3A_1121, %shift_right_logical3A_1123 : vector<16xi32>
        %and3A_1125 = arith.constant 1 : i32
        %and3A_1126 = vector.broadcast %and3A_1125 : i32 to vector<16xi32>
        %and3A_1127 = arith.andi %shift_right_logical3A_1124, %and3A_1126 : vector<16xi32>
        %add3A_1128 = arith.constant 32767 : i32
        %add3A_1129 = vector.broadcast %add3A_1128 : i32 to vector<16xi32>
        %add3A_1130 = arith.addi %bitcast3A_1121, %add3A_1129 : vector<16xi32>
        %add3A_1131 = arith.addi %add3A_1130, %and3A_1127 : vector<16xi32>
        %and3A_1132 = arith.constant -65536 : i32
        %and3A_1133 = vector.broadcast %and3A_1132 : i32 to vector<16xi32>
        %and3A_1134 = arith.andi %add3A_1131, %and3A_1133 : vector<16xi32>
        %bitcast3A_1135 = vector.bitcast %and3A_1134 : vector<16xi32> to vector<16xf32>
        %bitcast3A_1136 = vector.bitcast %get3A_1120 : vector<16xf32> to vector<16xi32>
        %shift_right_logical3A_1137 = arith.constant 16 : i32
        %shift_right_logical3A_1138 = vector.broadcast %shift_right_logical3A_1137 : i32 to vector<16xi32>
        %shift_right_logical3A_1139 = arith.shrui %bitcast3A_1136, %shift_right_logical3A_1138 : vector<16xi32>
        %and3A_1140 = arith.constant 1 : i32
        %and3A_1141 = vector.broadcast %and3A_1140 : i32 to vector<16xi32>
        %and3A_1142 = arith.andi %shift_right_logical3A_1139, %and3A_1141 : vector<16xi32>
        %add3A_1143 = arith.constant 32767 : i32
        %add3A_1144 = vector.broadcast %add3A_1143 : i32 to vector<16xi32>
        %add3A_1145 = arith.addi %bitcast3A_1136, %add3A_1144 : vector<16xi32>
        %add3A_1146 = arith.addi %add3A_1145, %and3A_1142 : vector<16xi32>
        %and3A_1147 = arith.constant -65536 : i32
        %and3A_1148 = vector.broadcast %and3A_1147 : i32 to vector<16xi32>
        %and3A_1149 = arith.andi %add3A_1146, %and3A_1148 : vector<16xi32>
        %bitcast3A_1150 = vector.bitcast %and3A_1149 : vector<16xi32> to vector<16xf32>
        %mul3A_1151 = arith.mulf %bitcast3A_128, %bitcast3A_1135 : vector<16xf32>
        %mul3A_1152 = arith.mulf %bitcast3A_143, %bitcast3A_1150 : vector<16xf32>
        %add3A_1153 = arith.addf %mul3A_1151, %mul3A_1152 : vector<16xf32>
        %add3A_1154 = arith.addf %add3A_1114, %add3A_1153 : vector<16xf32>
        %swap3A_1155 = arith.constant 5 : i32
        %swap3A_1156 = arith.index_cast %swap3A_1155 : i32 to index
        %swap3A_1157 = arith.constant 0 : index
        %swap3A_1158 = tpu.vector_load %arg9[%swap3A_1156, %swap3A_1157] {strides = array<i32>} : memref<16x16xf32, #tpu.memory_space<vmem>>, vector<16xf32>,
        tpu.vector_store %arg9[%swap3A_1156, %swap3A_1157], %add3A_1154 {strides = array<i32>} : memref<16x16xf32, #tpu.memory_space<vmem>>, vector<16xf32>,
        %add3A_1159 = arith.constant 6 : i32
        %add3A_1160 = arith.addi %mul3A_169, %add3A_1159 : i32
        %get3A_1161 = arith.index_cast %add3A_1160 : i32 to index
        %get3A_1162 = arith.constant 0 : index
        %get3A_1163 = tpu.vector_load %arg5[%get3A_1161, %get3A_1162] {strides = array<i32>} : memref<256x128xf32, #tpu.memory_space<vmem>>, vector<16xf32>,
        %get3A_1164 = arith.index_cast %add3A_1160 : i32 to index
        %get3A_1165 = arith.constant 16 : index
        %get3A_1166 = tpu.vector_load %arg5[%get3A_1164, %get3A_1165] {strides = array<i32>} : memref<256x128xf32, #tpu.memory_space<vmem>>, vector<16xf32>,
        %bitcast3A_1167 = vector.bitcast %get3A_1163 : vector<16xf32> to vector<16xi32>
        %shift_right_logical3A_1168 = arith.constant 16 : i32
        %shift_right_logical3A_1169 = vector.broadcast %shift_right_logical3A_1168 : i32 to vector<16xi32>
        %shift_right_logical3A_1170 = arith.shrui %bitcast3A_1167, %shift_right_logical3A_1169 : vector<16xi32>
        %and3A_1171 = arith.constant 1 : i32
        %and3A_1172 = vector.broadcast %and3A_1171 : i32 to vector<16xi32>
        %and3A_1173 = arith.andi %shift_right_logical3A_1170, %and3A_1172 : vector<16xi32>
        %add3A_1174 = arith.constant 32767 : i32
        %add3A_1175 = vector.broadcast %add3A_1174 : i32 to vector<16xi32>
        %add3A_1176 = arith.addi %bitcast3A_1167, %add3A_1175 : vector<16xi32>
        %add3A_1177 = arith.addi %add3A_1176, %and3A_1173 : vector<16xi32>
        %and3A_1178 = arith.constant -65536 : i32
        %and3A_1179 = vector.broadcast %and3A_1178 : i32 to vector<16xi32>
        %and3A_1180 = arith.andi %add3A_1177, %and3A_1179 : vector<16xi32>
        %bitcast3A_1181 = vector.bitcast %and3A_1180 : vector<16xi32> to vector<16xf32>
        %bitcast3A_1182 = vector.bitcast %get3A_1166 : vector<16xf32> to vector<16xi32>
        %shift_right_logical3A_1183 = arith.constant 16 : i32
        %shift_right_logical3A_1184 = vector.broadcast %shift_right_logical3A_1183 : i32 to vector<16xi32>
        %shift_right_logical3A_1185 = arith.shrui %bitcast3A_1182, %shift_right_logical3A_1184 : vector<16xi32>
        %and3A_1186 = arith.constant 1 : i32
        %and3A_1187 = vector.broadcast %and3A_1186 : i32 to vector<16xi32>
        %and3A_1188 = arith.andi %shift_right_logical3A_1185, %and3A_1187 : vector<16xi32>
        %add3A_1189 = arith.constant 32767 : i32
        %add3A_1190 = vector.broadcast %add3A_1189 : i32 to vector<16xi32>
        %add3A_1191 = arith.addi %bitcast3A_1182, %add3A_1190 : vector<16xi32>
        %add3A_1192 = arith.addi %add3A_1191, %and3A_1188 : vector<16xi32>
        %and3A_1193 = arith.constant -65536 : i32
        %and3A_1194 = vector.broadcast %and3A_1193 : i32 to vector<16xi32>
        %and3A_1195 = arith.andi %add3A_1192, %and3A_1194 : vector<16xi32>
        %bitcast3A_1196 = vector.bitcast %and3A_1195 : vector<16xi32> to vector<16xf32>
        %mul3A_1197 = arith.mulf %bitcast3A_26, %bitcast3A_1181 : vector<16xf32>
        %mul3A_1198 = arith.mulf %bitcast3A_41, %bitcast3A_1196 : vector<16xf32>
        %add3A_1199 = arith.addf %mul3A_1197, %mul3A_1198 : vector<16xf32>
        %get3A_1200 = arith.index_cast %add3A_1160 : i32 to index
        %get3A_1201 = arith.constant 32 : index
        %get3A_1202 = tpu.vector_load %arg5[%get3A_1200, %get3A_1201] {strides = array<i32>} : memref<256x128xf32, #tpu.memory_space<vmem>>, vector<16xf32>,
        %get3A_1203 = arith.index_cast %add3A_1160 : i32 to index
        %get3A_1204 = arith.constant 48 : index
        %get3A_1205 = tpu.vector_load %arg5[%get3A_1203, %get3A_1204] {strides = array<i32>} : memref<256x128xf32, #tpu.memory_space<vmem>>, vector<16xf32>,
        %bitcast3A_1206 = vector.bitcast %get3A_1202 : vector<16xf32> to vector<16xi32>
        %shift_right_logical3A_1207 = arith.constant 16 : i32
        %shift_right_logical3A_1208 = vector.broadcast %shift_right_logical3A_1207 : i32 to vector<16xi32>
        %shift_right_logical3A_1209 = arith.shrui %bitcast3A_1206, %shift_right_logical3A_1208 : vector<16xi32>
        %and3A_1210 = arith.constant 1 : i32
        %and3A_1211 = vector.broadcast %and3A_1210 : i32 to vector<16xi32>
        %and3A_1212 = arith.andi %shift_right_logical3A_1209, %and3A_1211 : vector<16xi32>
        %add3A_1213 = arith.constant 32767 : i32
        %add3A_1214 = vector.broadcast %add3A_1213 : i32 to vector<16xi32>
        %add3A_1215 = arith.addi %bitcast3A_1206, %add3A_1214 : vector<16xi32>
        %add3A_1216 = arith.addi %add3A_1215, %and3A_1212 : vector<16xi32>
        %and3A_1217 = arith.constant -65536 : i32
        %and3A_1218 = vector.broadcast %and3A_1217 : i32 to vector<16xi32>
        %and3A_1219 = arith.andi %add3A_1216, %and3A_1218 : vector<16xi32>
        %bitcast3A_1220 = vector.bitcast %and3A_1219 : vector<16xi32> to vector<16xf32>
        %bitcast3A_1221 = vector.bitcast %get3A_1205 : vector<16xf32> to vector<16xi32>
        %shift_right_logical3A_1222 = arith.constant 16 : i32
        %shift_right_logical3A_1223 = vector.broadcast %shift_right_logical3A_1222 : i32 to vector<16xi32>
        %shift_right_logical3A_1224 = arith.shrui %bitcast3A_1221, %shift_right_logical3A_1223 : vector<16xi32>
        %and3A_1225 = arith.constant 1 : i32
        %and3A_1226 = vector.broadcast %and3A_1225 : i32 to vector<16xi32>
        %and3A_1227 = arith.andi %shift_right_logical3A_1224, %and3A_1226 : vector<16xi32>
        %add3A_1228 = arith.constant 32767 : i32
        %add3A_1229 = vector.broadcast %add3A_1228 : i32 to vector<16xi32>
        %add3A_1230 = arith.addi %bitcast3A_1221, %add3A_1229 : vector<16xi32>
        %add3A_1231 = arith.addi %add3A_1230, %and3A_1227 : vector<16xi32>
        %and3A_1232 = arith.constant -65536 : i32
        %and3A_1233 = vector.broadcast %and3A_1232 : i32 to vector<16xi32>
        %and3A_1234 = arith.andi %add3A_1231, %and3A_1233 : vector<16xi32>
        %bitcast3A_1235 = vector.bitcast %and3A_1234 : vector<16xi32> to vector<16xf32>
        %mul3A_1236 = arith.mulf %bitcast3A_60, %bitcast3A_1220 : vector<16xf32>
        %mul3A_1237 = arith.mulf %bitcast3A_75, %bitcast3A_1235 : vector<16xf32>
        %add3A_1238 = arith.addf %mul3A_1236, %mul3A_1237 : vector<16xf32>
        %add3A_1239 = arith.addf %add3A_1199, %add3A_1238 : vector<16xf32>
        %get3A_1240 = arith.index_cast %add3A_1160 : i32 to index
        %get3A_1241 = arith.constant 64 : index
        %get3A_1242 = tpu.vector_load %arg5[%get3A_1240, %get3A_1241] {strides = array<i32>} : memref<256x128xf32, #tpu.memory_space<vmem>>, vector<16xf32>,
        %get3A_1243 = arith.index_cast %add3A_1160 : i32 to index
        %get3A_1244 = arith.constant 80 : index
        %get3A_1245 = tpu.vector_load %arg5[%get3A_1243, %get3A_1244] {strides = array<i32>} : memref<256x128xf32, #tpu.memory_space<vmem>>, vector<16xf32>,
        %bitcast3A_1246 = vector.bitcast %get3A_1242 : vector<16xf32> to vector<16xi32>
        %shift_right_logical3A_1247 = arith.constant 16 : i32
        %shift_right_logical3A_1248 = vector.broadcast %shift_right_logical3A_1247 : i32 to vector<16xi32>
        %shift_right_logical3A_1249 = arith.shrui %bitcast3A_1246, %shift_right_logical3A_1248 : vector<16xi32>
        %and3A_1250 = arith.constant 1 : i32
        %and3A_1251 = vector.broadcast %and3A_1250 : i32 to vector<16xi32>
        %and3A_1252 = arith.andi %shift_right_logical3A_1249, %and3A_1251 : vector<16xi32>
        %add3A_1253 = arith.constant 32767 : i32
        %add3A_1254 = vector.broadcast %add3A_1253 : i32 to vector<16xi32>
        %add3A_1255 = arith.addi %bitcast3A_1246, %add3A_1254 : vector<16xi32>
        %add3A_1256 = arith.addi %add3A_1255, %and3A_1252 : vector<16xi32>
        %and3A_1257 = arith.constant -65536 : i32
        %and3A_1258 = vector.broadcast %and3A_1257 : i32 to vector<16xi32>
        %and3A_1259 = arith.andi %add3A_1256, %and3A_1258 : vector<16xi32>
        %bitcast3A_1260 = vector.bitcast %and3A_1259 : vector<16xi32> to vector<16xf32>
        %bitcast3A_1261 = vector.bitcast %get3A_1245 : vector<16xf32> to vector<16xi32>
        %shift_right_logical3A_1262 = arith.constant 16 : i32
        %shift_right_logical3A_1263 = vector.broadcast %shift_right_logical3A_1262 : i32 to vector<16xi32>
        %shift_right_logical3A_1264 = arith.shrui %bitcast3A_1261, %shift_right_logical3A_1263 : vector<16xi32>
        %and3A_1265 = arith.constant 1 : i32
        %and3A_1266 = vector.broadcast %and3A_1265 : i32 to vector<16xi32>
        %and3A_1267 = arith.andi %shift_right_logical3A_1264, %and3A_1266 : vector<16xi32>
        %add3A_1268 = arith.constant 32767 : i32
        %add3A_1269 = vector.broadcast %add3A_1268 : i32 to vector<16xi32>
        %add3A_1270 = arith.addi %bitcast3A_1261, %add3A_1269 : vector<16xi32>
        %add3A_1271 = arith.addi %add3A_1270, %and3A_1267 : vector<16xi32>
        %and3A_1272 = arith.constant -65536 : i32
        %and3A_1273 = vector.broadcast %and3A_1272 : i32 to vector<16xi32>
        %and3A_1274 = arith.andi %add3A_1271, %and3A_1273 : vector<16xi32>
        %bitcast3A_1275 = vector.bitcast %and3A_1274 : vector<16xi32> to vector<16xf32>
        %mul3A_1276 = arith.mulf %bitcast3A_94, %bitcast3A_1260 : vector<16xf32>
        %mul3A_1277 = arith.mulf %bitcast3A_109, %bitcast3A_1275 : vector<16xf32>
        %add3A_1278 = arith.addf %mul3A_1276, %mul3A_1277 : vector<16xf32>
        %add3A_1279 = arith.addf %add3A_1239, %add3A_1278 : vector<16xf32>
        %get3A_1280 = arith.index_cast %add3A_1160 : i32 to index
        %get3A_1281 = arith.constant 96 : index
        %get3A_1282 = tpu.vector_load %arg5[%get3A_1280, %get3A_1281] {strides = array<i32>} : memref<256x128xf32, #tpu.memory_space<vmem>>, vector<16xf32>,
        %get3A_1283 = arith.index_cast %add3A_1160 : i32 to index
        %get3A_1284 = arith.constant 112 : index
        %get3A_1285 = tpu.vector_load %arg5[%get3A_1283, %get3A_1284] {strides = array<i32>} : memref<256x128xf32, #tpu.memory_space<vmem>>, vector<16xf32>,
        %bitcast3A_1286 = vector.bitcast %get3A_1282 : vector<16xf32> to vector<16xi32>
        %shift_right_logical3A_1287 = arith.constant 16 : i32
        %shift_right_logical3A_1288 = vector.broadcast %shift_right_logical3A_1287 : i32 to vector<16xi32>
        %shift_right_logical3A_1289 = arith.shrui %bitcast3A_1286, %shift_right_logical3A_1288 : vector<16xi32>
        %and3A_1290 = arith.constant 1 : i32
        %and3A_1291 = vector.broadcast %and3A_1290 : i32 to vector<16xi32>
        %and3A_1292 = arith.andi %shift_right_logical3A_1289, %and3A_1291 : vector<16xi32>
        %add3A_1293 = arith.constant 32767 : i32
        %add3A_1294 = vector.broadcast %add3A_1293 : i32 to vector<16xi32>
        %add3A_1295 = arith.addi %bitcast3A_1286, %add3A_1294 : vector<16xi32>
        %add3A_1296 = arith.addi %add3A_1295, %and3A_1292 : vector<16xi32>
        %and3A_1297 = arith.constant -65536 : i32
        %and3A_1298 = vector.broadcast %and3A_1297 : i32 to vector<16xi32>
        %and3A_1299 = arith.andi %add3A_1296, %and3A_1298 : vector<16xi32>
        %bitcast3A_1300 = vector.bitcast %and3A_1299 : vector<16xi32> to vector<16xf32>
        %bitcast3A_1301 = vector.bitcast %get3A_1285 : vector<16xf32> to vector<16xi32>
        %shift_right_logical3A_1302 = arith.constant 16 : i32
        %shift_right_logical3A_1303 = vector.broadcast %shift_right_logical3A_1302 : i32 to vector<16xi32>
        %shift_right_logical3A_1304 = arith.shrui %bitcast3A_1301, %shift_right_logical3A_1303 : vector<16xi32>
        %and3A_1305 = arith.constant 1 : i32
        %and3A_1306 = vector.broadcast %and3A_1305 : i32 to vector<16xi32>
        %and3A_1307 = arith.andi %shift_right_logical3A_1304, %and3A_1306 : vector<16xi32>
        %add3A_1308 = arith.constant 32767 : i32
        %add3A_1309 = vector.broadcast %add3A_1308 : i32 to vector<16xi32>
        %add3A_1310 = arith.addi %bitcast3A_1301, %add3A_1309 : vector<16xi32>
        %add3A_1311 = arith.addi %add3A_1310, %and3A_1307 : vector<16xi32>
        %and3A_1312 = arith.constant -65536 : i32
        %and3A_1313 = vector.broadcast %and3A_1312 : i32 to vector<16xi32>
        %and3A_1314 = arith.andi %add3A_1311, %and3A_1313 : vector<16xi32>
        %bitcast3A_1315 = vector.bitcast %and3A_1314 : vector<16xi32> to vector<16xf32>
        %mul3A_1316 = arith.mulf %bitcast3A_128, %bitcast3A_1300 : vector<16xf32>
        %mul3A_1317 = arith.mulf %bitcast3A_143, %bitcast3A_1315 : vector<16xf32>
        %add3A_1318 = arith.addf %mul3A_1316, %mul3A_1317 : vector<16xf32>
        %add3A_1319 = arith.addf %add3A_1279, %add3A_1318 : vector<16xf32>
        %swap3A_1320 = arith.constant 6 : i32
        %swap3A_1321 = arith.index_cast %swap3A_1320 : i32 to index
        %swap3A_1322 = arith.constant 0 : index
        %swap3A_1323 = tpu.vector_load %arg9[%swap3A_1321, %swap3A_1322] {strides = array<i32>} : memref<16x16xf32, #tpu.memory_space<vmem>>, vector<16xf32>,
        tpu.vector_store %arg9[%swap3A_1321, %swap3A_1322], %add3A_1319 {strides = array<i32>} : memref<16x16xf32, #tpu.memory_space<vmem>>, vector<16xf32>,
        %add3A_1324 = arith.constant 7 : i32
        %add3A_1325 = arith.addi %mul3A_169, %add3A_1324 : i32
        %get3A_1326 = arith.index_cast %add3A_1325 : i32 to index
        %get3A_1327 = arith.constant 0 : index
        %get3A_1328 = tpu.vector_load %arg5[%get3A_1326, %get3A_1327] {strides = array<i32>} : memref<256x128xf32, #tpu.memory_space<vmem>>, vector<16xf32>,
        %get3A_1329 = arith.index_cast %add3A_1325 : i32 to index
        %get3A_1330 = arith.constant 16 : index
        %get3A_1331 = tpu.vector_load %arg5[%get3A_1329, %get3A_1330] {strides = array<i32>} : memref<256x128xf32, #tpu.memory_space<vmem>>, vector<16xf32>,
        %bitcast3A_1332 = vector.bitcast %get3A_1328 : vector<16xf32> to vector<16xi32>
        %shift_right_logical3A_1333 = arith.constant 16 : i32
        %shift_right_logical3A_1334 = vector.broadcast %shift_right_logical3A_1333 : i32 to vector<16xi32>
        %shift_right_logical3A_1335 = arith.shrui %bitcast3A_1332, %shift_right_logical3A_1334 : vector<16xi32>
        %and3A_1336 = arith.constant 1 : i32
        %and3A_1337 = vector.broadcast %and3A_1336 : i32 to vector<16xi32>
        %and3A_1338 = arith.andi %shift_right_logical3A_1335, %and3A_1337 : vector<16xi32>
        %add3A_1339 = arith.constant 32767 : i32
        %add3A_1340 = vector.broadcast %add3A_1339 : i32 to vector<16xi32>
        %add3A_1341 = arith.addi %bitcast3A_1332, %add3A_1340 : vector<16xi32>
        %add3A_1342 = arith.addi %add3A_1341, %and3A_1338 : vector<16xi32>
        %and3A_1343 = arith.constant -65536 : i32
        %and3A_1344 = vector.broadcast %and3A_1343 : i32 to vector<16xi32>
        %and3A_1345 = arith.andi %add3A_1342, %and3A_1344 : vector<16xi32>
        %bitcast3A_1346 = vector.bitcast %and3A_1345 : vector<16xi32> to vector<16xf32>
        %bitcast3A_1347 = vector.bitcast %get3A_1331 : vector<16xf32> to vector<16xi32>
        %shift_right_logical3A_1348 = arith.constant 16 : i32
        %shift_right_logical3A_1349 = vector.broadcast %shift_right_logical3A_1348 : i32 to vector<16xi32>
        %shift_right_logical3A_1350 = arith.shrui %bitcast3A_1347, %shift_right_logical3A_1349 : vector<16xi32>
        %and3A_1351 = arith.constant 1 : i32
        %and3A_1352 = vector.broadcast %and3A_1351 : i32 to vector<16xi32>
        %and3A_1353 = arith.andi %shift_right_logical3A_1350, %and3A_1352 : vector<16xi32>
        %add3A_1354 = arith.constant 32767 : i32
        %add3A_1355 = vector.broadcast %add3A_1354 : i32 to vector<16xi32>
        %add3A_1356 = arith.addi %bitcast3A_1347, %add3A_1355 : vector<16xi32>
        %add3A_1357 = arith.addi %add3A_1356, %and3A_1353 : vector<16xi32>
        %and3A_1358 = arith.constant -65536 : i32
        %and3A_1359 = vector.broadcast %and3A_1358 : i32 to vector<16xi32>
        %and3A_1360 = arith.andi %add3A_1357, %and3A_1359 : vector<16xi32>
        %bitcast3A_1361 = vector.bitcast %and3A_1360 : vector<16xi32> to vector<16xf32>
        %mul3A_1362 = arith.mulf %bitcast3A_26, %bitcast3A_1346 : vector<16xf32>
        %mul3A_1363 = arith.mulf %bitcast3A_41, %bitcast3A_1361 : vector<16xf32>
        %add3A_1364 = arith.addf %mul3A_1362, %mul3A_1363 : vector<16xf32>
        %get3A_1365 = arith.index_cast %add3A_1325 : i32 to index
        %get3A_1366 = arith.constant 32 : index
        %get3A_1367 = tpu.vector_load %arg5[%get3A_1365, %get3A_1366] {strides = array<i32>} : memref<256x128xf32, #tpu.memory_space<vmem>>, vector<16xf32>,
        %get3A_1368 = arith.index_cast %add3A_1325 : i32 to index
        %get3A_1369 = arith.constant 48 : index
        %get3A_1370 = tpu.vector_load %arg5[%get3A_1368, %get3A_1369] {strides = array<i32>} : memref<256x128xf32, #tpu.memory_space<vmem>>, vector<16xf32>,
        %bitcast3A_1371 = vector.bitcast %get3A_1367 : vector<16xf32> to vector<16xi32>
        %shift_right_logical3A_1372 = arith.constant 16 : i32
        %shift_right_logical3A_1373 = vector.broadcast %shift_right_logical3A_1372 : i32 to vector<16xi32>
        %shift_right_logical3A_1374 = arith.shrui %bitcast3A_1371, %shift_right_logical3A_1373 : vector<16xi32>
        %and3A_1375 = arith.constant 1 : i32
        %and3A_1376 = vector.broadcast %and3A_1375 : i32 to vector<16xi32>
        %and3A_1377 = arith.andi %shift_right_logical3A_1374, %and3A_1376 : vector<16xi32>
        %add3A_1378 = arith.constant 32767 : i32
        %add3A_1379 = vector.broadcast %add3A_1378 : i32 to vector<16xi32>
        %add3A_1380 = arith.addi %bitcast3A_1371, %add3A_1379 : vector<16xi32>
        %add3A_1381 = arith.addi %add3A_1380, %and3A_1377 : vector<16xi32>
        %and3A_1382 = arith.constant -65536 : i32
        %and3A_1383 = vector.broadcast %and3A_1382 : i32 to vector<16xi32>
        %and3A_1384 = arith.andi %add3A_1381, %and3A_1383 : vector<16xi32>
        %bitcast3A_1385 = vector.bitcast %and3A_1384 : vector<16xi32> to vector<16xf32>
        %bitcast3A_1386 = vector.bitcast %get3A_1370 : vector<16xf32> to vector<16xi32>
        %shift_right_logical3A_1387 = arith.constant 16 : i32
        %shift_right_logical3A_1388 = vector.broadcast %shift_right_logical3A_1387 : i32 to vector<16xi32>
        %shift_right_logical3A_1389 = arith.shrui %bitcast3A_1386, %shift_right_logical3A_1388 : vector<16xi32>
        %and3A_1390 = arith.constant 1 : i32
        %and3A_1391 = vector.broadcast %and3A_1390 : i32 to vector<16xi32>
        %and3A_1392 = arith.andi %shift_right_logical3A_1389, %and3A_1391 : vector<16xi32>
        %add3A_1393 = arith.constant 32767 : i32
        %add3A_1394 = vector.broadcast %add3A_1393 : i32 to vector<16xi32>
        %add3A_1395 = arith.addi %bitcast3A_1386, %add3A_1394 : vector<16xi32>
        %add3A_1396 = arith.addi %add3A_1395, %and3A_1392 : vector<16xi32>
        %and3A_1397 = arith.constant -65536 : i32
        %and3A_1398 = vector.broadcast %and3A_1397 : i32 to vector<16xi32>
        %and3A_1399 = arith.andi %add3A_1396, %and3A_1398 : vector<16xi32>
        %bitcast3A_1400 = vector.bitcast %and3A_1399 : vector<16xi32> to vector<16xf32>
        %mul3A_1401 = arith.mulf %bitcast3A_60, %bitcast3A_1385 : vector<16xf32>
        %mul3A_1402 = arith.mulf %bitcast3A_75, %bitcast3A_1400 : vector<16xf32>
        %add3A_1403 = arith.addf %mul3A_1401, %mul3A_1402 : vector<16xf32>
        %add3A_1404 = arith.addf %add3A_1364, %add3A_1403 : vector<16xf32>
        %get3A_1405 = arith.index_cast %add3A_1325 : i32 to index
        %get3A_1406 = arith.constant 64 : index
        %get3A_1407 = tpu.vector_load %arg5[%get3A_1405, %get3A_1406] {strides = array<i32>} : memref<256x128xf32, #tpu.memory_space<vmem>>, vector<16xf32>,
        %get3A_1408 = arith.index_cast %add3A_1325 : i32 to index
        %get3A_1409 = arith.constant 80 : index
        %get3A_1410 = tpu.vector_load %arg5[%get3A_1408, %get3A_1409] {strides = array<i32>} : memref<256x128xf32, #tpu.memory_space<vmem>>, vector<16xf32>,
        %bitcast3A_1411 = vector.bitcast %get3A_1407 : vector<16xf32> to vector<16xi32>
        %shift_right_logical3A_1412 = arith.constant 16 : i32
        %shift_right_logical3A_1413 = vector.broadcast %shift_right_logical3A_1412 : i32 to vector<16xi32>
        %shift_right_logical3A_1414 = arith.shrui %bitcast3A_1411, %shift_right_logical3A_1413 : vector<16xi32>
        %and3A_1415 = arith.constant 1 : i32
        %and3A_1416 = vector.broadcast %and3A_1415 : i32 to vector<16xi32>
        %and3A_1417 = arith.andi %shift_right_logical3A_1414, %and3A_1416 : vector<16xi32>
        %add3A_1418 = arith.constant 32767 : i32
        %add3A_1419 = vector.broadcast %add3A_1418 : i32 to vector<16xi32>
        %add3A_1420 = arith.addi %bitcast3A_1411, %add3A_1419 : vector<16xi32>
        %add3A_1421 = arith.addi %add3A_1420, %and3A_1417 : vector<16xi32>
        %and3A_1422 = arith.constant -65536 : i32
        %and3A_1423 = vector.broadcast %and3A_1422 : i32 to vector<16xi32>
        %and3A_1424 = arith.andi %add3A_1421, %and3A_1423 : vector<16xi32>
        %bitcast3A_1425 = vector.bitcast %and3A_1424 : vector<16xi32> to vector<16xf32>
        %bitcast3A_1426 = vector.bitcast %get3A_1410 : vector<16xf32> to vector<16xi32>
        %shift_right_logical3A_1427 = arith.constant 16 : i32
        %shift_right_logical3A_1428 = vector.broadcast %shift_right_logical3A_1427 : i32 to vector<16xi32>
        %shift_right_logical3A_1429 = arith.shrui %bitcast3A_1426, %shift_right_logical3A_1428 : vector<16xi32>
        %and3A_1430 = arith.constant 1 : i32
        %and3A_1431 = vector.broadcast %and3A_1430 : i32 to vector<16xi32>
        %and3A_1432 = arith.andi %shift_right_logical3A_1429, %and3A_1431 : vector<16xi32>
        %add3A_1433 = arith.constant 32767 : i32
        %add3A_1434 = vector.broadcast %add3A_1433 : i32 to vector<16xi32>
        %add3A_1435 = arith.addi %bitcast3A_1426, %add3A_1434 : vector<16xi32>
        %add3A_1436 = arith.addi %add3A_1435, %and3A_1432 : vector<16xi32>
        %and3A_1437 = arith.constant -65536 : i32
        %and3A_1438 = vector.broadcast %and3A_1437 : i32 to vector<16xi32>
        %and3A_1439 = arith.andi %add3A_1436, %and3A_1438 : vector<16xi32>
        %bitcast3A_1440 = vector.bitcast %and3A_1439 : vector<16xi32> to vector<16xf32>
        %mul3A_1441 = arith.mulf %bitcast3A_94, %bitcast3A_1425 : vector<16xf32>
        %mul3A_1442 = arith.mulf %bitcast3A_109, %bitcast3A_1440 : vector<16xf32>
        %add3A_1443 = arith.addf %mul3A_1441, %mul3A_1442 : vector<16xf32>
        %add3A_1444 = arith.addf %add3A_1404, %add3A_1443 : vector<16xf32>
        %get3A_1445 = arith.index_cast %add3A_1325 : i32 to index
        %get3A_1446 = arith.constant 96 : index
        %get3A_1447 = tpu.vector_load %arg5[%get3A_1445, %get3A_1446] {strides = array<i32>} : memref<256x128xf32, #tpu.memory_space<vmem>>, vector<16xf32>,
        %get3A_1448 = arith.index_cast %add3A_1325 : i32 to index
        %get3A_1449 = arith.constant 112 : index
        %get3A_1450 = tpu.vector_load %arg5[%get3A_1448, %get3A_1449] {strides = array<i32>} : memref<256x128xf32, #tpu.memory_space<vmem>>, vector<16xf32>,
        %bitcast3A_1451 = vector.bitcast %get3A_1447 : vector<16xf32> to vector<16xi32>
        %shift_right_logical3A_1452 = arith.constant 16 : i32
        %shift_right_logical3A_1453 = vector.broadcast %shift_right_logical3A_1452 : i32 to vector<16xi32>
        %shift_right_logical3A_1454 = arith.shrui %bitcast3A_1451, %shift_right_logical3A_1453 : vector<16xi32>
        %and3A_1455 = arith.constant 1 : i32
        %and3A_1456 = vector.broadcast %and3A_1455 : i32 to vector<16xi32>
        %and3A_1457 = arith.andi %shift_right_logical3A_1454, %and3A_1456 : vector<16xi32>
        %add3A_1458 = arith.constant 32767 : i32
        %add3A_1459 = vector.broadcast %add3A_1458 : i32 to vector<16xi32>
        %add3A_1460 = arith.addi %bitcast3A_1451, %add3A_1459 : vector<16xi32>
        %add3A_1461 = arith.addi %add3A_1460, %and3A_1457 : vector<16xi32>
        %and3A_1462 = arith.constant -65536 : i32
        %and3A_1463 = vector.broadcast %and3A_1462 : i32 to vector<16xi32>
        %and3A_1464 = arith.andi %add3A_1461, %and3A_1463 : vector<16xi32>
        %bitcast3A_1465 = vector.bitcast %and3A_1464 : vector<16xi32> to vector<16xf32>
        %bitcast3A_1466 = vector.bitcast %get3A_1450 : vector<16xf32> to vector<16xi32>
        %shift_right_logical3A_1467 = arith.constant 16 : i32
        %shift_right_logical3A_1468 = vector.broadcast %shift_right_logical3A_1467 : i32 to vector<16xi32>
        %shift_right_logical3A_1469 = arith.shrui %bitcast3A_1466, %shift_right_logical3A_1468 : vector<16xi32>
        %and3A_1470 = arith.constant 1 : i32
        %and3A_1471 = vector.broadcast %and3A_1470 : i32 to vector<16xi32>
        %and3A_1472 = arith.andi %shift_right_logical3A_1469, %and3A_1471 : vector<16xi32>
        %add3A_1473 = arith.constant 32767 : i32
        %add3A_1474 = vector.broadcast %add3A_1473 : i32 to vector<16xi32>
        %add3A_1475 = arith.addi %bitcast3A_1466, %add3A_1474 : vector<16xi32>
        %add3A_1476 = arith.addi %add3A_1475, %and3A_1472 : vector<16xi32>
        %and3A_1477 = arith.constant -65536 : i32
        %and3A_1478 = vector.broadcast %and3A_1477 : i32 to vector<16xi32>
        %and3A_1479 = arith.andi %add3A_1476, %and3A_1478 : vector<16xi32>
        %bitcast3A_1480 = vector.bitcast %and3A_1479 : vector<16xi32> to vector<16xf32>
        %mul3A_1481 = arith.mulf %bitcast3A_128, %bitcast3A_1465 : vector<16xf32>
        %mul3A_1482 = arith.mulf %bitcast3A_143, %bitcast3A_1480 : vector<16xf32>
        %add3A_1483 = arith.addf %mul3A_1481, %mul3A_1482 : vector<16xf32>
        %add3A_1484 = arith.addf %add3A_1444, %add3A_1483 : vector<16xf32>
        %swap3A_1485 = arith.constant 7 : i32
        %swap3A_1486 = arith.index_cast %swap3A_1485 : i32 to index
        %swap3A_1487 = arith.constant 0 : index
        %swap3A_1488 = tpu.vector_load %arg9[%swap3A_1486, %swap3A_1487] {strides = array<i32>} : memref<16x16xf32, #tpu.memory_space<vmem>>, vector<16xf32>,
        tpu.vector_store %arg9[%swap3A_1486, %swap3A_1487], %add3A_1484 {strides = array<i32>} : memref<16x16xf32, #tpu.memory_space<vmem>>, vector<16xf32>,
        %add3A_1489 = arith.constant 8 : i32
        %add3A_1490 = arith.addi %mul3A_169, %add3A_1489 : i32
        %get3A_1491 = arith.index_cast %add3A_1490 : i32 to index
        %get3A_1492 = arith.constant 0 : index
        %get3A_1493 = tpu.vector_load %arg5[%get3A_1491, %get3A_1492] {strides = array<i32>} : memref<256x128xf32, #tpu.memory_space<vmem>>, vector<16xf32>,
        %get3A_1494 = arith.index_cast %add3A_1490 : i32 to index
        %get3A_1495 = arith.constant 16 : index
        %get3A_1496 = tpu.vector_load %arg5[%get3A_1494, %get3A_1495] {strides = array<i32>} : memref<256x128xf32, #tpu.memory_space<vmem>>, vector<16xf32>,
        %bitcast3A_1497 = vector.bitcast %get3A_1493 : vector<16xf32> to vector<16xi32>
        %shift_right_logical3A_1498 = arith.constant 16 : i32
        %shift_right_logical3A_1499 = vector.broadcast %shift_right_logical3A_1498 : i32 to vector<16xi32>
        %shift_right_logical3A_1500 = arith.shrui %bitcast3A_1497, %shift_right_logical3A_1499 : vector<16xi32>
        %and3A_1501 = arith.constant 1 : i32
        %and3A_1502 = vector.broadcast %and3A_1501 : i32 to vector<16xi32>
        %and3A_1503 = arith.andi %shift_right_logical3A_1500, %and3A_1502 : vector<16xi32>
        %add3A_1504 = arith.constant 32767 : i32
        %add3A_1505 = vector.broadcast %add3A_1504 : i32 to vector<16xi32>
        %add3A_1506 = arith.addi %bitcast3A_1497, %add3A_1505 : vector<16xi32>
        %add3A_1507 = arith.addi %add3A_1506, %and3A_1503 : vector<16xi32>
        %and3A_1508 = arith.constant -65536 : i32
        %and3A_1509 = vector.broadcast %and3A_1508 : i32 to vector<16xi32>
        %and3A_1510 = arith.andi %add3A_1507, %and3A_1509 : vector<16xi32>
        %bitcast3A_1511 = vector.bitcast %and3A_1510 : vector<16xi32> to vector<16xf32>
        %bitcast3A_1512 = vector.bitcast %get3A_1496 : vector<16xf32> to vector<16xi32>
        %shift_right_logical3A_1513 = arith.constant 16 : i32
        %shift_right_logical3A_1514 = vector.broadcast %shift_right_logical3A_1513 : i32 to vector<16xi32>
        %shift_right_logical3A_1515 = arith.shrui %bitcast3A_1512, %shift_right_logical3A_1514 : vector<16xi32>
        %and3A_1516 = arith.constant 1 : i32
        %and3A_1517 = vector.broadcast %and3A_1516 : i32 to vector<16xi32>
        %and3A_1518 = arith.andi %shift_right_logical3A_1515, %and3A_1517 : vector<16xi32>
        %add3A_1519 = arith.constant 32767 : i32
        %add3A_1520 = vector.broadcast %add3A_1519 : i32 to vector<16xi32>
        %add3A_1521 = arith.addi %bitcast3A_1512, %add3A_1520 : vector<16xi32>
        %add3A_1522 = arith.addi %add3A_1521, %and3A_1518 : vector<16xi32>
        %and3A_1523 = arith.constant -65536 : i32
        %and3A_1524 = vector.broadcast %and3A_1523 : i32 to vector<16xi32>
        %and3A_1525 = arith.andi %add3A_1522, %and3A_1524 : vector<16xi32>
        %bitcast3A_1526 = vector.bitcast %and3A_1525 : vector<16xi32> to vector<16xf32>
        %mul3A_1527 = arith.mulf %bitcast3A_26, %bitcast3A_1511 : vector<16xf32>
        %mul3A_1528 = arith.mulf %bitcast3A_41, %bitcast3A_1526 : vector<16xf32>
        %add3A_1529 = arith.addf %mul3A_1527, %mul3A_1528 : vector<16xf32>
        %get3A_1530 = arith.index_cast %add3A_1490 : i32 to index
        %get3A_1531 = arith.constant 32 : index
        %get3A_1532 = tpu.vector_load %arg5[%get3A_1530, %get3A_1531] {strides = array<i32>} : memref<256x128xf32, #tpu.memory_space<vmem>>, vector<16xf32>,
        %get3A_1533 = arith.index_cast %add3A_1490 : i32 to index
        %get3A_1534 = arith.constant 48 : index
        %get3A_1535 = tpu.vector_load %arg5[%get3A_1533, %get3A_1534] {strides = array<i32>} : memref<256x128xf32, #tpu.memory_space<vmem>>, vector<16xf32>,
        %bitcast3A_1536 = vector.bitcast %get3A_1532 : vector<16xf32> to vector<16xi32>
        %shift_right_logical3A_1537 = arith.constant 16 : i32
        %shift_right_logical3A_1538 = vector.broadcast %shift_right_logical3A_1537 : i32 to vector<16xi32>
        %shift_right_logical3A_1539 = arith.shrui %bitcast3A_1536, %shift_right_logical3A_1538 : vector<16xi32>
        %and3A_1540 = arith.constant 1 : i32
        %and3A_1541 = vector.broadcast %and3A_1540 : i32 to vector<16xi32>
        %and3A_1542 = arith.andi %shift_right_logical3A_1539, %and3A_1541 : vector<16xi32>
        %add3A_1543 = arith.constant 32767 : i32
        %add3A_1544 = vector.broadcast %add3A_1543 : i32 to vector<16xi32>
        %add3A_1545 = arith.addi %bitcast3A_1536, %add3A_1544 : vector<16xi32>
        %add3A_1546 = arith.addi %add3A_1545, %and3A_1542 : vector<16xi32>
        %and3A_1547 = arith.constant -65536 : i32
        %and3A_1548 = vector.broadcast %and3A_1547 : i32 to vector<16xi32>
        %and3A_1549 = arith.andi %add3A_1546, %and3A_1548 : vector<16xi32>
        %bitcast3A_1550 = vector.bitcast %and3A_1549 : vector<16xi32> to vector<16xf32>
        %bitcast3A_1551 = vector.bitcast %get3A_1535 : vector<16xf32> to vector<16xi32>
        %shift_right_logical3A_1552 = arith.constant 16 : i32
        %shift_right_logical3A_1553 = vector.broadcast %shift_right_logical3A_1552 : i32 to vector<16xi32>
        %shift_right_logical3A_1554 = arith.shrui %bitcast3A_1551, %shift_right_logical3A_1553 : vector<16xi32>
        %and3A_1555 = arith.constant 1 : i32
        %and3A_1556 = vector.broadcast %and3A_1555 : i32 to vector<16xi32>
        %and3A_1557 = arith.andi %shift_right_logical3A_1554, %and3A_1556 : vector<16xi32>
        %add3A_1558 = arith.constant 32767 : i32
        %add3A_1559 = vector.broadcast %add3A_1558 : i32 to vector<16xi32>
        %add3A_1560 = arith.addi %bitcast3A_1551, %add3A_1559 : vector<16xi32>
        %add3A_1561 = arith.addi %add3A_1560, %and3A_1557 : vector<16xi32>
        %and3A_1562 = arith.constant -65536 : i32
        %and3A_1563 = vector.broadcast %and3A_1562 : i32 to vector<16xi32>
        %and3A_1564 = arith.andi %add3A_1561, %and3A_1563 : vector<16xi32>
        %bitcast3A_1565 = vector.bitcast %and3A_1564 : vector<16xi32> to vector<16xf32>
        %mul3A_1566 = arith.mulf %bitcast3A_60, %bitcast3A_1550 : vector<16xf32>
        %mul3A_1567 = arith.mulf %bitcast3A_75, %bitcast3A_1565 : vector<16xf32>
        %add3A_1568 = arith.addf %mul3A_1566, %mul3A_1567 : vector<16xf32>
        %add3A_1569 = arith.addf %add3A_1529, %add3A_1568 : vector<16xf32>
        %get3A_1570 = arith.index_cast %add3A_1490 : i32 to index
        %get3A_1571 = arith.constant 64 : index
        %get3A_1572 = tpu.vector_load %arg5[%get3A_1570, %get3A_1571] {strides = array<i32>} : memref<256x128xf32, #tpu.memory_space<vmem>>, vector<16xf32>,
        %get3A_1573 = arith.index_cast %add3A_1490 : i32 to index
        %get3A_1574 = arith.constant 80 : index
        %get3A_1575 = tpu.vector_load %arg5[%get3A_1573, %get3A_1574] {strides = array<i32>} : memref<256x128xf32, #tpu.memory_space<vmem>>, vector<16xf32>,
        %bitcast3A_1576 = vector.bitcast %get3A_1572 : vector<16xf32> to vector<16xi32>
        %shift_right_logical3A_1577 = arith.constant 16 : i32
        %shift_right_logical3A_1578 = vector.broadcast %shift_right_logical3A_1577 : i32 to vector<16xi32>
        %shift_right_logical3A_1579 = arith.shrui %bitcast3A_1576, %shift_right_logical3A_1578 : vector<16xi32>
        %and3A_1580 = arith.constant 1 : i32
        %and3A_1581 = vector.broadcast %and3A_1580 : i32 to vector<16xi32>
        %and3A_1582 = arith.andi %shift_right_logical3A_1579, %and3A_1581 : vector<16xi32>
        %add3A_1583 = arith.constant 32767 : i32
        %add3A_1584 = vector.broadcast %add3A_1583 : i32 to vector<16xi32>
        %add3A_1585 = arith.addi %bitcast3A_1576, %add3A_1584 : vector<16xi32>
        %add3A_1586 = arith.addi %add3A_1585, %and3A_1582 : vector<16xi32>
        %and3A_1587 = arith.constant -65536 : i32
        %and3A_1588 = vector.broadcast %and3A_1587 : i32 to vector<16xi32>
        %and3A_1589 = arith.andi %add3A_1586, %and3A_1588 : vector<16xi32>
        %bitcast3A_1590 = vector.bitcast %and3A_1589 : vector<16xi32> to vector<16xf32>
        %bitcast3A_1591 = vector.bitcast %get3A_1575 : vector<16xf32> to vector<16xi32>
        %shift_right_logical3A_1592 = arith.constant 16 : i32
        %shift_right_logical3A_1593 = vector.broadcast %shift_right_logical3A_1592 : i32 to vector<16xi32>
        %shift_right_logical3A_1594 = arith.shrui %bitcast3A_1591, %shift_right_logical3A_1593 : vector<16xi32>
        %and3A_1595 = arith.constant 1 : i32
        %and3A_1596 = vector.broadcast %and3A_1595 : i32 to vector<16xi32>
        %and3A_1597 = arith.andi %shift_right_logical3A_1594, %and3A_1596 : vector<16xi32>
        %add3A_1598 = arith.constant 32767 : i32
        %add3A_1599 = vector.broadcast %add3A_1598 : i32 to vector<16xi32>
        %add3A_1600 = arith.addi %bitcast3A_1591, %add3A_1599 : vector<16xi32>
        %add3A_1601 = arith.addi %add3A_1600, %and3A_1597 : vector<16xi32>
        %and3A_1602 = arith.constant -65536 : i32
        %and3A_1603 = vector.broadcast %and3A_1602 : i32 to vector<16xi32>
        %and3A_1604 = arith.andi %add3A_1601, %and3A_1603 : vector<16xi32>
        %bitcast3A_1605 = vector.bitcast %and3A_1604 : vector<16xi32> to vector<16xf32>
        %mul3A_1606 = arith.mulf %bitcast3A_94, %bitcast3A_1590 : vector<16xf32>
        %mul3A_1607 = arith.mulf %bitcast3A_109, %bitcast3A_1605 : vector<16xf32>
        %add3A_1608 = arith.addf %mul3A_1606, %mul3A_1607 : vector<16xf32>
        %add3A_1609 = arith.addf %add3A_1569, %add3A_1608 : vector<16xf32>
        %get3A_1610 = arith.index_cast %add3A_1490 : i32 to index
        %get3A_1611 = arith.constant 96 : index
        %get3A_1612 = tpu.vector_load %arg5[%get3A_1610, %get3A_1611] {strides = array<i32>} : memref<256x128xf32, #tpu.memory_space<vmem>>, vector<16xf32>,
        %get3A_1613 = arith.index_cast %add3A_1490 : i32 to index
        %get3A_1614 = arith.constant 112 : index
        %get3A_1615 = tpu.vector_load %arg5[%get3A_1613, %get3A_1614] {strides = array<i32>} : memref<256x128xf32, #tpu.memory_space<vmem>>, vector<16xf32>,
        %bitcast3A_1616 = vector.bitcast %get3A_1612 : vector<16xf32> to vector<16xi32>
        %shift_right_logical3A_1617 = arith.constant 16 : i32
        %shift_right_logical3A_1618 = vector.broadcast %shift_right_logical3A_1617 : i32 to vector<16xi32>
        %shift_right_logical3A_1619 = arith.shrui %bitcast3A_1616, %shift_right_logical3A_1618 : vector<16xi32>
        %and3A_1620 = arith.constant 1 : i32
        %and3A_1621 = vector.broadcast %and3A_1620 : i32 to vector<16xi32>
        %and3A_1622 = arith.andi %shift_right_logical3A_1619, %and3A_1621 : vector<16xi32>
        %add3A_1623 = arith.constant 32767 : i32
        %add3A_1624 = vector.broadcast %add3A_1623 : i32 to vector<16xi32>
        %add3A_1625 = arith.addi %bitcast3A_1616, %add3A_1624 : vector<16xi32>
        %add3A_1626 = arith.addi %add3A_1625, %and3A_1622 : vector<16xi32>
        %and3A_1627 = arith.constant -65536 : i32
        %and3A_1628 = vector.broadcast %and3A_1627 : i32 to vector<16xi32>
        %and3A_1629 = arith.andi %add3A_1626, %and3A_1628 : vector<16xi32>
        %bitcast3A_1630 = vector.bitcast %and3A_1629 : vector<16xi32> to vector<16xf32>
        %bitcast3A_1631 = vector.bitcast %get3A_1615 : vector<16xf32> to vector<16xi32>
        %shift_right_logical3A_1632 = arith.constant 16 : i32
        %shift_right_logical3A_1633 = vector.broadcast %shift_right_logical3A_1632 : i32 to vector<16xi32>
        %shift_right_logical3A_1634 = arith.shrui %bitcast3A_1631, %shift_right_logical3A_1633 : vector<16xi32>
        %and3A_1635 = arith.constant 1 : i32
        %and3A_1636 = vector.broadcast %and3A_1635 : i32 to vector<16xi32>
        %and3A_1637 = arith.andi %shift_right_logical3A_1634, %and3A_1636 : vector<16xi32>
        %add3A_1638 = arith.constant 32767 : i32
        %add3A_1639 = vector.broadcast %add3A_1638 : i32 to vector<16xi32>
        %add3A_1640 = arith.addi %bitcast3A_1631, %add3A_1639 : vector<16xi32>
        %add3A_1641 = arith.addi %add3A_1640, %and3A_1637 : vector<16xi32>
        %and3A_1642 = arith.constant -65536 : i32
        %and3A_1643 = vector.broadcast %and3A_1642 : i32 to vector<16xi32>
        %and3A_1644 = arith.andi %add3A_1641, %and3A_1643 : vector<16xi32>
        %bitcast3A_1645 = vector.bitcast %and3A_1644 : vector<16xi32> to vector<16xf32>
        %mul3A_1646 = arith.mulf %bitcast3A_128, %bitcast3A_1630 : vector<16xf32>
        %mul3A_1647 = arith.mulf %bitcast3A_143, %bitcast3A_1645 : vector<16xf32>
        %add3A_1648 = arith.addf %mul3A_1646, %mul3A_1647 : vector<16xf32>
        %add3A_1649 = arith.addf %add3A_1609, %add3A_1648 : vector<16xf32>
        %swap3A_1650 = arith.constant 8 : i32
        %swap3A_1651 = arith.index_cast %swap3A_1650 : i32 to index
        %swap3A_1652 = arith.constant 0 : index
        %swap3A_1653 = tpu.vector_load %arg9[%swap3A_1651, %swap3A_1652] {strides = array<i32>} : memref<16x16xf32, #tpu.memory_space<vmem>>, vector<16xf32>,
        tpu.vector_store %arg9[%swap3A_1651, %swap3A_1652], %add3A_1649 {strides = array<i32>} : memref<16x16xf32, #tpu.memory_space<vmem>>, vector<16xf32>,
        %add3A_1654 = arith.constant 9 : i32
        %add3A_1655 = arith.addi %mul3A_169, %add3A_1654 : i32
        %get3A_1656 = arith.index_cast %add3A_1655 : i32 to index
        %get3A_1657 = arith.constant 0 : index
        %get3A_1658 = tpu.vector_load %arg5[%get3A_1656, %get3A_1657] {strides = array<i32>} : memref<256x128xf32, #tpu.memory_space<vmem>>, vector<16xf32>,
        %get3A_1659 = arith.index_cast %add3A_1655 : i32 to index
        %get3A_1660 = arith.constant 16 : index
        %get3A_1661 = tpu.vector_load %arg5[%get3A_1659, %get3A_1660] {strides = array<i32>} : memref<256x128xf32, #tpu.memory_space<vmem>>, vector<16xf32>,
        %bitcast3A_1662 = vector.bitcast %get3A_1658 : vector<16xf32> to vector<16xi32>
        %shift_right_logical3A_1663 = arith.constant 16 : i32
        %shift_right_logical3A_1664 = vector.broadcast %shift_right_logical3A_1663 : i32 to vector<16xi32>
        %shift_right_logical3A_1665 = arith.shrui %bitcast3A_1662, %shift_right_logical3A_1664 : vector<16xi32>
        %and3A_1666 = arith.constant 1 : i32
        %and3A_1667 = vector.broadcast %and3A_1666 : i32 to vector<16xi32>
        %and3A_1668 = arith.andi %shift_right_logical3A_1665, %and3A_1667 : vector<16xi32>
        %add3A_1669 = arith.constant 32767 : i32
        %add3A_1670 = vector.broadcast %add3A_1669 : i32 to vector<16xi32>
        %add3A_1671 = arith.addi %bitcast3A_1662, %add3A_1670 : vector<16xi32>
        %add3A_1672 = arith.addi %add3A_1671, %and3A_1668 : vector<16xi32>
        %and3A_1673 = arith.constant -65536 : i32
        %and3A_1674 = vector.broadcast %and3A_1673 : i32 to vector<16xi32>
        %and3A_1675 = arith.andi %add3A_1672, %and3A_1674 : vector<16xi32>
        %bitcast3A_1676 = vector.bitcast %and3A_1675 : vector<16xi32> to vector<16xf32>
        %bitcast3A_1677 = vector.bitcast %get3A_1661 : vector<16xf32> to vector<16xi32>
        %shift_right_logical3A_1678 = arith.constant 16 : i32
        %shift_right_logical3A_1679 = vector.broadcast %shift_right_logical3A_1678 : i32 to vector<16xi32>
        %shift_right_logical3A_1680 = arith.shrui %bitcast3A_1677, %shift_right_logical3A_1679 : vector<16xi32>
        %and3A_1681 = arith.constant 1 : i32
        %and3A_1682 = vector.broadcast %and3A_1681 : i32 to vector<16xi32>
        %and3A_1683 = arith.andi %shift_right_logical3A_1680, %and3A_1682 : vector<16xi32>
        %add3A_1684 = arith.constant 32767 : i32
        %add3A_1685 = vector.broadcast %add3A_1684 : i32 to vector<16xi32>
        %add3A_1686 = arith.addi %bitcast3A_1677, %add3A_1685 : vector<16xi32>
        %add3A_1687 = arith.addi %add3A_1686, %and3A_1683 : vector<16xi32>
        %and3A_1688 = arith.constant -65536 : i32
        %and3A_1689 = vector.broadcast %and3A_1688 : i32 to vector<16xi32>
        %and3A_1690 = arith.andi %add3A_1687, %and3A_1689 : vector<16xi32>
        %bitcast3A_1691 = vector.bitcast %and3A_1690 : vector<16xi32> to vector<16xf32>
        %mul3A_1692 = arith.mulf %bitcast3A_26, %bitcast3A_1676 : vector<16xf32>
        %mul3A_1693 = arith.mulf %bitcast3A_41, %bitcast3A_1691 : vector<16xf32>
        %add3A_1694 = arith.addf %mul3A_1692, %mul3A_1693 : vector<16xf32>
        %get3A_1695 = arith.index_cast %add3A_1655 : i32 to index
        %get3A_1696 = arith.constant 32 : index
        %get3A_1697 = tpu.vector_load %arg5[%get3A_1695, %get3A_1696] {strides = array<i32>} : memref<256x128xf32, #tpu.memory_space<vmem>>, vector<16xf32>,
        %get3A_1698 = arith.index_cast %add3A_1655 : i32 to index
        %get3A_1699 = arith.constant 48 : index
        %get3A_1700 = tpu.vector_load %arg5[%get3A_1698, %get3A_1699] {strides = array<i32>} : memref<256x128xf32, #tpu.memory_space<vmem>>, vector<16xf32>,
        %bitcast3A_1701 = vector.bitcast %get3A_1697 : vector<16xf32> to vector<16xi32>
        %shift_right_logical3A_1702 = arith.constant 16 : i32
        %shift_right_logical3A_1703 = vector.broadcast %shift_right_logical3A_1702 : i32 to vector<16xi32>
        %shift_right_logical3A_1704 = arith.shrui %bitcast3A_1701, %shift_right_logical3A_1703 : vector<16xi32>
        %and3A_1705 = arith.constant 1 : i32
        %and3A_1706 = vector.broadcast %and3A_1705 : i32 to vector<16xi32>
        %and3A_1707 = arith.andi %shift_right_logical3A_1704, %and3A_1706 : vector<16xi32>
        %add3A_1708 = arith.constant 32767 : i32
        %add3A_1709 = vector.broadcast %add3A_1708 : i32 to vector<16xi32>
        %add3A_1710 = arith.addi %bitcast3A_1701, %add3A_1709 : vector<16xi32>
        %add3A_1711 = arith.addi %add3A_1710, %and3A_1707 : vector<16xi32>
        %and3A_1712 = arith.constant -65536 : i32
        %and3A_1713 = vector.broadcast %and3A_1712 : i32 to vector<16xi32>
        %and3A_1714 = arith.andi %add3A_1711, %and3A_1713 : vector<16xi32>
        %bitcast3A_1715 = vector.bitcast %and3A_1714 : vector<16xi32> to vector<16xf32>
        %bitcast3A_1716 = vector.bitcast %get3A_1700 : vector<16xf32> to vector<16xi32>
        %shift_right_logical3A_1717 = arith.constant 16 : i32
        %shift_right_logical3A_1718 = vector.broadcast %shift_right_logical3A_1717 : i32 to vector<16xi32>
        %shift_right_logical3A_1719 = arith.shrui %bitcast3A_1716, %shift_right_logical3A_1718 : vector<16xi32>
        %and3A_1720 = arith.constant 1 : i32
        %and3A_1721 = vector.broadcast %and3A_1720 : i32 to vector<16xi32>
        %and3A_1722 = arith.andi %shift_right_logical3A_1719, %and3A_1721 : vector<16xi32>
        %add3A_1723 = arith.constant 32767 : i32
        %add3A_1724 = vector.broadcast %add3A_1723 : i32 to vector<16xi32>
        %add3A_1725 = arith.addi %bitcast3A_1716, %add3A_1724 : vector<16xi32>
        %add3A_1726 = arith.addi %add3A_1725, %and3A_1722 : vector<16xi32>
        %and3A_1727 = arith.constant -65536 : i32
        %and3A_1728 = vector.broadcast %and3A_1727 : i32 to vector<16xi32>
        %and3A_1729 = arith.andi %add3A_1726, %and3A_1728 : vector<16xi32>
        %bitcast3A_1730 = vector.bitcast %and3A_1729 : vector<16xi32> to vector<16xf32>
        %mul3A_1731 = arith.mulf %bitcast3A_60, %bitcast3A_1715 : vector<16xf32>
        %mul3A_1732 = arith.mulf %bitcast3A_75, %bitcast3A_1730 : vector<16xf32>
        %add3A_1733 = arith.addf %mul3A_1731, %mul3A_1732 : vector<16xf32>
        %add3A_1734 = arith.addf %add3A_1694, %add3A_1733 : vector<16xf32>
        %get3A_1735 = arith.index_cast %add3A_1655 : i32 to index
        %get3A_1736 = arith.constant 64 : index
        %get3A_1737 = tpu.vector_load %arg5[%get3A_1735, %get3A_1736] {strides = array<i32>} : memref<256x128xf32, #tpu.memory_space<vmem>>, vector<16xf32>,
        %get3A_1738 = arith.index_cast %add3A_1655 : i32 to index
        %get3A_1739 = arith.constant 80 : index
        %get3A_1740 = tpu.vector_load %arg5[%get3A_1738, %get3A_1739] {strides = array<i32>} : memref<256x128xf32, #tpu.memory_space<vmem>>, vector<16xf32>,
        %bitcast3A_1741 = vector.bitcast %get3A_1737 : vector<16xf32> to vector<16xi32>
        %shift_right_logical3A_1742 = arith.constant 16 : i32
        %shift_right_logical3A_1743 = vector.broadcast %shift_right_logical3A_1742 : i32 to vector<16xi32>
        %shift_right_logical3A_1744 = arith.shrui %bitcast3A_1741, %shift_right_logical3A_1743 : vector<16xi32>
        %and3A_1745 = arith.constant 1 : i32
        %and3A_1746 = vector.broadcast %and3A_1745 : i32 to vector<16xi32>
        %and3A_1747 = arith.andi %shift_right_logical3A_1744, %and3A_1746 : vector<16xi32>
        %add3A_1748 = arith.constant 32767 : i32
        %add3A_1749 = vector.broadcast %add3A_1748 : i32 to vector<16xi32>
        %add3A_1750 = arith.addi %bitcast3A_1741, %add3A_1749 : vector<16xi32>
        %add3A_1751 = arith.addi %add3A_1750, %and3A_1747 : vector<16xi32>
        %and3A_1752 = arith.constant -65536 : i32
        %and3A_1753 = vector.broadcast %and3A_1752 : i32 to vector<16xi32>
        %and3A_1754 = arith.andi %add3A_1751, %and3A_1753 : vector<16xi32>
        %bitcast3A_1755 = vector.bitcast %and3A_1754 : vector<16xi32> to vector<16xf32>
        %bitcast3A_1756 = vector.bitcast %get3A_1740 : vector<16xf32> to vector<16xi32>
        %shift_right_logical3A_1757 = arith.constant 16 : i32
        %shift_right_logical3A_1758 = vector.broadcast %shift_right_logical3A_1757 : i32 to vector<16xi32>
        %shift_right_logical3A_1759 = arith.shrui %bitcast3A_1756, %shift_right_logical3A_1758 : vector<16xi32>
        %and3A_1760 = arith.constant 1 : i32
        %and3A_1761 = vector.broadcast %and3A_1760 : i32 to vector<16xi32>
        %and3A_1762 = arith.andi %shift_right_logical3A_1759, %and3A_1761 : vector<16xi32>
        %add3A_1763 = arith.constant 32767 : i32
        %add3A_1764 = vector.broadcast %add3A_1763 : i32 to vector<16xi32>
        %add3A_1765 = arith.addi %bitcast3A_1756, %add3A_1764 : vector<16xi32>
        %add3A_1766 = arith.addi %add3A_1765, %and3A_1762 : vector<16xi32>
        %and3A_1767 = arith.constant -65536 : i32
        %and3A_1768 = vector.broadcast %and3A_1767 : i32 to vector<16xi32>
        %and3A_1769 = arith.andi %add3A_1766, %and3A_1768 : vector<16xi32>
        %bitcast3A_1770 = vector.bitcast %and3A_1769 : vector<16xi32> to vector<16xf32>
        %mul3A_1771 = arith.mulf %bitcast3A_94, %bitcast3A_1755 : vector<16xf32>
        %mul3A_1772 = arith.mulf %bitcast3A_109, %bitcast3A_1770 : vector<16xf32>
        %add3A_1773 = arith.addf %mul3A_1771, %mul3A_1772 : vector<16xf32>
        %add3A_1774 = arith.addf %add3A_1734, %add3A_1773 : vector<16xf32>
        %get3A_1775 = arith.index_cast %add3A_1655 : i32 to index
        %get3A_1776 = arith.constant 96 : index
        %get3A_1777 = tpu.vector_load %arg5[%get3A_1775, %get3A_1776] {strides = array<i32>} : memref<256x128xf32, #tpu.memory_space<vmem>>, vector<16xf32>,
        %get3A_1778 = arith.index_cast %add3A_1655 : i32 to index
        %get3A_1779 = arith.constant 112 : index
        %get3A_1780 = tpu.vector_load %arg5[%get3A_1778, %get3A_1779] {strides = array<i32>} : memref<256x128xf32, #tpu.memory_space<vmem>>, vector<16xf32>,
        %bitcast3A_1781 = vector.bitcast %get3A_1777 : vector<16xf32> to vector<16xi32>
        %shift_right_logical3A_1782 = arith.constant 16 : i32
        %shift_right_logical3A_1783 = vector.broadcast %shift_right_logical3A_1782 : i32 to vector<16xi32>
        %shift_right_logical3A_1784 = arith.shrui %bitcast3A_1781, %shift_right_logical3A_1783 : vector<16xi32>
        %and3A_1785 = arith.constant 1 : i32
        %and3A_1786 = vector.broadcast %and3A_1785 : i32 to vector<16xi32>
        %and3A_1787 = arith.andi %shift_right_logical3A_1784, %and3A_1786 : vector<16xi32>
        %add3A_1788 = arith.constant 32767 : i32
        %add3A_1789 = vector.broadcast %add3A_1788 : i32 to vector<16xi32>
        %add3A_1790 = arith.addi %bitcast3A_1781, %add3A_1789 : vector<16xi32>
        %add3A_1791 = arith.addi %add3A_1790, %and3A_1787 : vector<16xi32>
        %and3A_1792 = arith.constant -65536 : i32
        %and3A_1793 = vector.broadcast %and3A_1792 : i32 to vector<16xi32>
        %and3A_1794 = arith.andi %add3A_1791, %and3A_1793 : vector<16xi32>
        %bitcast3A_1795 = vector.bitcast %and3A_1794 : vector<16xi32> to vector<16xf32>
        %bitcast3A_1796 = vector.bitcast %get3A_1780 : vector<16xf32> to vector<16xi32>
        %shift_right_logical3A_1797 = arith.constant 16 : i32
        %shift_right_logical3A_1798 = vector.broadcast %shift_right_logical3A_1797 : i32 to vector<16xi32>
        %shift_right_logical3A_1799 = arith.shrui %bitcast3A_1796, %shift_right_logical3A_1798 : vector<16xi32>
        %and3A_1800 = arith.constant 1 : i32
        %and3A_1801 = vector.broadcast %and3A_1800 : i32 to vector<16xi32>
        %and3A_1802 = arith.andi %shift_right_logical3A_1799, %and3A_1801 : vector<16xi32>
        %add3A_1803 = arith.constant 32767 : i32
        %add3A_1804 = vector.broadcast %add3A_1803 : i32 to vector<16xi32>
        %add3A_1805 = arith.addi %bitcast3A_1796, %add3A_1804 : vector<16xi32>
        %add3A_1806 = arith.addi %add3A_1805, %and3A_1802 : vector<16xi32>
        %and3A_1807 = arith.constant -65536 : i32
        %and3A_1808 = vector.broadcast %and3A_1807 : i32 to vector<16xi32>
        %and3A_1809 = arith.andi %add3A_1806, %and3A_1808 : vector<16xi32>
        %bitcast3A_1810 = vector.bitcast %and3A_1809 : vector<16xi32> to vector<16xf32>
        %mul3A_1811 = arith.mulf %bitcast3A_128, %bitcast3A_1795 : vector<16xf32>
        %mul3A_1812 = arith.mulf %bitcast3A_143, %bitcast3A_1810 : vector<16xf32>
        %add3A_1813 = arith.addf %mul3A_1811, %mul3A_1812 : vector<16xf32>
        %add3A_1814 = arith.addf %add3A_1774, %add3A_1813 : vector<16xf32>
        %swap3A_1815 = arith.constant 9 : i32
        %swap3A_1816 = arith.index_cast %swap3A_1815 : i32 to index
        %swap3A_1817 = arith.constant 0 : index
        %swap3A_1818 = tpu.vector_load %arg9[%swap3A_1816, %swap3A_1817] {strides = array<i32>} : memref<16x16xf32, #tpu.memory_space<vmem>>, vector<16xf32>,
        tpu.vector_store %arg9[%swap3A_1816, %swap3A_1817], %add3A_1814 {strides = array<i32>} : memref<16x16xf32, #tpu.memory_space<vmem>>, vector<16xf32>,
        %add3A_1819 = arith.constant 10 : i32
        %add3A_1820 = arith.addi %mul3A_169, %add3A_1819 : i32
        %get3A_1821 = arith.index_cast %add3A_1820 : i32 to index
        %get3A_1822 = arith.constant 0 : index
        %get3A_1823 = tpu.vector_load %arg5[%get3A_1821, %get3A_1822] {strides = array<i32>} : memref<256x128xf32, #tpu.memory_space<vmem>>, vector<16xf32>,
        %get3A_1824 = arith.index_cast %add3A_1820 : i32 to index
        %get3A_1825 = arith.constant 16 : index
        %get3A_1826 = tpu.vector_load %arg5[%get3A_1824, %get3A_1825] {strides = array<i32>} : memref<256x128xf32, #tpu.memory_space<vmem>>, vector<16xf32>,
        %bitcast3A_1827 = vector.bitcast %get3A_1823 : vector<16xf32> to vector<16xi32>
        %shift_right_logical3A_1828 = arith.constant 16 : i32
        %shift_right_logical3A_1829 = vector.broadcast %shift_right_logical3A_1828 : i32 to vector<16xi32>
        %shift_right_logical3A_1830 = arith.shrui %bitcast3A_1827, %shift_right_logical3A_1829 : vector<16xi32>
        %and3A_1831 = arith.constant 1 : i32
        %and3A_1832 = vector.broadcast %and3A_1831 : i32 to vector<16xi32>
        %and3A_1833 = arith.andi %shift_right_logical3A_1830, %and3A_1832 : vector<16xi32>
        %add3A_1834 = arith.constant 32767 : i32
        %add3A_1835 = vector.broadcast %add3A_1834 : i32 to vector<16xi32>
        %add3A_1836 = arith.addi %bitcast3A_1827, %add3A_1835 : vector<16xi32>
        %add3A_1837 = arith.addi %add3A_1836, %and3A_1833 : vector<16xi32>
        %and3A_1838 = arith.constant -65536 : i32
        %and3A_1839 = vector.broadcast %and3A_1838 : i32 to vector<16xi32>
        %and3A_1840 = arith.andi %add3A_1837, %and3A_1839 : vector<16xi32>
        %bitcast3A_1841 = vector.bitcast %and3A_1840 : vector<16xi32> to vector<16xf32>
        %bitcast3A_1842 = vector.bitcast %get3A_1826 : vector<16xf32> to vector<16xi32>
        %shift_right_logical3A_1843 = arith.constant 16 : i32
        %shift_right_logical3A_1844 = vector.broadcast %shift_right_logical3A_1843 : i32 to vector<16xi32>
        %shift_right_logical3A_1845 = arith.shrui %bitcast3A_1842, %shift_right_logical3A_1844 : vector<16xi32>
        %and3A_1846 = arith.constant 1 : i32
        %and3A_1847 = vector.broadcast %and3A_1846 : i32 to vector<16xi32>
        %and3A_1848 = arith.andi %shift_right_logical3A_1845, %and3A_1847 : vector<16xi32>
        %add3A_1849 = arith.constant 32767 : i32
        %add3A_1850 = vector.broadcast %add3A_1849 : i32 to vector<16xi32>
        %add3A_1851 = arith.addi %bitcast3A_1842, %add3A_1850 : vector<16xi32>
        %add3A_1852 = arith.addi %add3A_1851, %and3A_1848 : vector<16xi32>
        %and3A_1853 = arith.constant -65536 : i32
        %and3A_1854 = vector.broadcast %and3A_1853 : i32 to vector<16xi32>
        %and3A_1855 = arith.andi %add3A_1852, %and3A_1854 : vector<16xi32>
        %bitcast3A_1856 = vector.bitcast %and3A_1855 : vector<16xi32> to vector<16xf32>
        %mul3A_1857 = arith.mulf %bitcast3A_26, %bitcast3A_1841 : vector<16xf32>
        %mul3A_1858 = arith.mulf %bitcast3A_41, %bitcast3A_1856 : vector<16xf32>
        %add3A_1859 = arith.addf %mul3A_1857, %mul3A_1858 : vector<16xf32>
        %get3A_1860 = arith.index_cast %add3A_1820 : i32 to index
        %get3A_1861 = arith.constant 32 : index
        %get3A_1862 = tpu.vector_load %arg5[%get3A_1860, %get3A_1861] {strides = array<i32>} : memref<256x128xf32, #tpu.memory_space<vmem>>, vector<16xf32>,
        %get3A_1863 = arith.index_cast %add3A_1820 : i32 to index
        %get3A_1864 = arith.constant 48 : index
        %get3A_1865 = tpu.vector_load %arg5[%get3A_1863, %get3A_1864] {strides = array<i32>} : memref<256x128xf32, #tpu.memory_space<vmem>>, vector<16xf32>,
        %bitcast3A_1866 = vector.bitcast %get3A_1862 : vector<16xf32> to vector<16xi32>
        %shift_right_logical3A_1867 = arith.constant 16 : i32
        %shift_right_logical3A_1868 = vector.broadcast %shift_right_logical3A_1867 : i32 to vector<16xi32>
        %shift_right_logical3A_1869 = arith.shrui %bitcast3A_1866, %shift_right_logical3A_1868 : vector<16xi32>
        %and3A_1870 = arith.constant 1 : i32
        %and3A_1871 = vector.broadcast %and3A_1870 : i32 to vector<16xi32>
        %and3A_1872 = arith.andi %shift_right_logical3A_1869, %and3A_1871 : vector<16xi32>
        %add3A_1873 = arith.constant 32767 : i32
        %add3A_1874 = vector.broadcast %add3A_1873 : i32 to vector<16xi32>
        %add3A_1875 = arith.addi %bitcast3A_1866, %add3A_1874 : vector<16xi32>
        %add3A_1876 = arith.addi %add3A_1875, %and3A_1872 : vector<16xi32>
        %and3A_1877 = arith.constant -65536 : i32
        %and3A_1878 = vector.broadcast %and3A_1877 : i32 to vector<16xi32>
        %and3A_1879 = arith.andi %add3A_1876, %and3A_1878 : vector<16xi32>
        %bitcast3A_1880 = vector.bitcast %and3A_1879 : vector<16xi32> to vector<16xf32>
        %bitcast3A_1881 = vector.bitcast %get3A_1865 : vector<16xf32> to vector<16xi32>
        %shift_right_logical3A_1882 = arith.constant 16 : i32
        %shift_right_logical3A_1883 = vector.broadcast %shift_right_logical3A_1882 : i32 to vector<16xi32>
        %shift_right_logical3A_1884 = arith.shrui %bitcast3A_1881, %shift_right_logical3A_1883 : vector<16xi32>
        %and3A_1885 = arith.constant 1 : i32
        %and3A_1886 = vector.broadcast %and3A_1885 : i32 to vector<16xi32>
        %and3A_1887 = arith.andi %shift_right_logical3A_1884, %and3A_1886 : vector<16xi32>
        %add3A_1888 = arith.constant 32767 : i32
        %add3A_1889 = vector.broadcast %add3A_1888 : i32 to vector<16xi32>
        %add3A_1890 = arith.addi %bitcast3A_1881, %add3A_1889 : vector<16xi32>
        %add3A_1891 = arith.addi %add3A_1890, %and3A_1887 : vector<16xi32>
        %and3A_1892 = arith.constant -65536 : i32
        %and3A_1893 = vector.broadcast %and3A_1892 : i32 to vector<16xi32>
        %and3A_1894 = arith.andi %add3A_1891, %and3A_1893 : vector<16xi32>
        %bitcast3A_1895 = vector.bitcast %and3A_1894 : vector<16xi32> to vector<16xf32>
        %mul3A_1896 = arith.mulf %bitcast3A_60, %bitcast3A_1880 : vector<16xf32>
        %mul3A_1897 = arith.mulf %bitcast3A_75, %bitcast3A_1895 : vector<16xf32>
        %add3A_1898 = arith.addf %mul3A_1896, %mul3A_1897 : vector<16xf32>
        %add3A_1899 = arith.addf %add3A_1859, %add3A_1898 : vector<16xf32>
        %get3A_1900 = arith.index_cast %add3A_1820 : i32 to index
        %get3A_1901 = arith.constant 64 : index
        %get3A_1902 = tpu.vector_load %arg5[%get3A_1900, %get3A_1901] {strides = array<i32>} : memref<256x128xf32, #tpu.memory_space<vmem>>, vector<16xf32>,
        %get3A_1903 = arith.index_cast %add3A_1820 : i32 to index
        %get3A_1904 = arith.constant 80 : index
        %get3A_1905 = tpu.vector_load %arg5[%get3A_1903, %get3A_1904] {strides = array<i32>} : memref<256x128xf32, #tpu.memory_space<vmem>>, vector<16xf32>,
        %bitcast3A_1906 = vector.bitcast %get3A_1902 : vector<16xf32> to vector<16xi32>
        %shift_right_logical3A_1907 = arith.constant 16 : i32
        %shift_right_logical3A_1908 = vector.broadcast %shift_right_logical3A_1907 : i32 to vector<16xi32>
        %shift_right_logical3A_1909 = arith.shrui %bitcast3A_1906, %shift_right_logical3A_1908 : vector<16xi32>
        %and3A_1910 = arith.constant 1 : i32
        %and3A_1911 = vector.broadcast %and3A_1910 : i32 to vector<16xi32>
        %and3A_1912 = arith.andi %shift_right_logical3A_1909, %and3A_1911 : vector<16xi32>
        %add3A_1913 = arith.constant 32767 : i32
        %add3A_1914 = vector.broadcast %add3A_1913 : i32 to vector<16xi32>
        %add3A_1915 = arith.addi %bitcast3A_1906, %add3A_1914 : vector<16xi32>
        %add3A_1916 = arith.addi %add3A_1915, %and3A_1912 : vector<16xi32>
        %and3A_1917 = arith.constant -65536 : i32
        %and3A_1918 = vector.broadcast %and3A_1917 : i32 to vector<16xi32>
        %and3A_1919 = arith.andi %add3A_1916, %and3A_1918 : vector<16xi32>
        %bitcast3A_1920 = vector.bitcast %and3A_1919 : vector<16xi32> to vector<16xf32>
        %bitcast3A_1921 = vector.bitcast %get3A_1905 : vector<16xf32> to vector<16xi32>
        %shift_right_logical3A_1922 = arith.constant 16 : i32
        %shift_right_logical3A_1923 = vector.broadcast %shift_right_logical3A_1922 : i32 to vector<16xi32>
        %shift_right_logical3A_1924 = arith.shrui %bitcast3A_1921, %shift_right_logical3A_1923 : vector<16xi32>
        %and3A_1925 = arith.constant 1 : i32
        %and3A_1926 = vector.broadcast %and3A_1925 : i32 to vector<16xi32>
        %and3A_1927 = arith.andi %shift_right_logical3A_1924, %and3A_1926 : vector<16xi32>
        %add3A_1928 = arith.constant 32767 : i32
        %add3A_1929 = vector.broadcast %add3A_1928 : i32 to vector<16xi32>
        %add3A_1930 = arith.addi %bitcast3A_1921, %add3A_1929 : vector<16xi32>
        %add3A_1931 = arith.addi %add3A_1930, %and3A_1927 : vector<16xi32>
        %and3A_1932 = arith.constant -65536 : i32
        %and3A_1933 = vector.broadcast %and3A_1932 : i32 to vector<16xi32>
        %and3A_1934 = arith.andi %add3A_1931, %and3A_1933 : vector<16xi32>
        %bitcast3A_1935 = vector.bitcast %and3A_1934 : vector<16xi32> to vector<16xf32>
        %mul3A_1936 = arith.mulf %bitcast3A_94, %bitcast3A_1920 : vector<16xf32>
        %mul3A_1937 = arith.mulf %bitcast3A_109, %bitcast3A_1935 : vector<16xf32>
        %add3A_1938 = arith.addf %mul3A_1936, %mul3A_1937 : vector<16xf32>
        %add3A_1939 = arith.addf %add3A_1899, %add3A_1938 : vector<16xf32>
        %get3A_1940 = arith.index_cast %add3A_1820 : i32 to index
        %get3A_1941 = arith.constant 96 : index
        %get3A_1942 = tpu.vector_load %arg5[%get3A_1940, %get3A_1941] {strides = array<i32>} : memref<256x128xf32, #tpu.memory_space<vmem>>, vector<16xf32>,
        %get3A_1943 = arith.index_cast %add3A_1820 : i32 to index
        %get3A_1944 = arith.constant 112 : index
        %get3A_1945 = tpu.vector_load %arg5[%get3A_1943, %get3A_1944] {strides = array<i32>} : memref<256x128xf32, #tpu.memory_space<vmem>>, vector<16xf32>,
        %bitcast3A_1946 = vector.bitcast %get3A_1942 : vector<16xf32> to vector<16xi32>
        %shift_right_logical3A_1947 = arith.constant 16 : i32
        %shift_right_logical3A_1948 = vector.broadcast %shift_right_logical3A_1947 : i32 to vector<16xi32>
        %shift_right_logical3A_1949 = arith.shrui %bitcast3A_1946, %shift_right_logical3A_1948 : vector<16xi32>
        %and3A_1950 = arith.constant 1 : i32
        %and3A_1951 = vector.broadcast %and3A_1950 : i32 to vector<16xi32>
        %and3A_1952 = arith.andi %shift_right_logical3A_1949, %and3A_1951 : vector<16xi32>
        %add3A_1953 = arith.constant 32767 : i32
        %add3A_1954 = vector.broadcast %add3A_1953 : i32 to vector<16xi32>
        %add3A_1955 = arith.addi %bitcast3A_1946, %add3A_1954 : vector<16xi32>
        %add3A_1956 = arith.addi %add3A_1955, %and3A_1952 : vector<16xi32>
        %and3A_1957 = arith.constant -65536 : i32
        %and3A_1958 = vector.broadcast %and3A_1957 : i32 to vector<16xi32>
        %and3A_1959 = arith.andi %add3A_1956, %and3A_1958 : vector<16xi32>
        %bitcast3A_1960 = vector.bitcast %and3A_1959 : vector<16xi32> to vector<16xf32>
        %bitcast3A_1961 = vector.bitcast %get3A_1945 : vector<16xf32> to vector<16xi32>
        %shift_right_logical3A_1962 = arith.constant 16 : i32
        %shift_right_logical3A_1963 = vector.broadcast %shift_right_logical3A_1962 : i32 to vector<16xi32>
        %shift_right_logical3A_1964 = arith.shrui %bitcast3A_1961, %shift_right_logical3A_1963 : vector<16xi32>
        %and3A_1965 = arith.constant 1 : i32
        %and3A_1966 = vector.broadcast %and3A_1965 : i32 to vector<16xi32>
        %and3A_1967 = arith.andi %shift_right_logical3A_1964, %and3A_1966 : vector<16xi32>
        %add3A_1968 = arith.constant 32767 : i32
        %add3A_1969 = vector.broadcast %add3A_1968 : i32 to vector<16xi32>
        %add3A_1970 = arith.addi %bitcast3A_1961, %add3A_1969 : vector<16xi32>
        %add3A_1971 = arith.addi %add3A_1970, %and3A_1967 : vector<16xi32>
        %and3A_1972 = arith.constant -65536 : i32
        %and3A_1973 = vector.broadcast %and3A_1972 : i32 to vector<16xi32>
        %and3A_1974 = arith.andi %add3A_1971, %and3A_1973 : vector<16xi32>
        %bitcast3A_1975 = vector.bitcast %and3A_1974 : vector<16xi32> to vector<16xf32>
        %mul3A_1976 = arith.mulf %bitcast3A_128, %bitcast3A_1960 : vector<16xf32>
        %mul3A_1977 = arith.mulf %bitcast3A_143, %bitcast3A_1975 : vector<16xf32>
        %add3A_1978 = arith.addf %mul3A_1976, %mul3A_1977 : vector<16xf32>
        %add3A_1979 = arith.addf %add3A_1939, %add3A_1978 : vector<16xf32>
        %swap3A_1980 = arith.constant 10 : i32
        %swap3A_1981 = arith.index_cast %swap3A_1980 : i32 to index
        %swap3A_1982 = arith.constant 0 : index
        %swap3A_1983 = tpu.vector_load %arg9[%swap3A_1981, %swap3A_1982] {strides = array<i32>} : memref<16x16xf32, #tpu.memory_space<vmem>>, vector<16xf32>,
        tpu.vector_store %arg9[%swap3A_1981, %swap3A_1982], %add3A_1979 {strides = array<i32>} : memref<16x16xf32, #tpu.memory_space<vmem>>, vector<16xf32>,
        %add3A_1984 = arith.constant 11 : i32
        %add3A_1985 = arith.addi %mul3A_169, %add3A_1984 : i32
        %get3A_1986 = arith.index_cast %add3A_1985 : i32 to index
        %get3A_1987 = arith.constant 0 : index
        %get3A_1988 = tpu.vector_load %arg5[%get3A_1986, %get3A_1987] {strides = array<i32>} : memref<256x128xf32, #tpu.memory_space<vmem>>, vector<16xf32>,
        %get3A_1989 = arith.index_cast %add3A_1985 : i32 to index
        %get3A_1990 = arith.constant 16 : index
        %get3A_1991 = tpu.vector_load %arg5[%get3A_1989, %get3A_1990] {strides = array<i32>} : memref<256x128xf32, #tpu.memory_space<vmem>>, vector<16xf32>,
        %bitcast3A_1992 = vector.bitcast %get3A_1988 : vector<16xf32> to vector<16xi32>
        %shift_right_logical3A_1993 = arith.constant 16 : i32
        %shift_right_logical3A_1994 = vector.broadcast %shift_right_logical3A_1993 : i32 to vector<16xi32>
        %shift_right_logical3A_1995 = arith.shrui %bitcast3A_1992, %shift_right_logical3A_1994 : vector<16xi32>
        %and3A_1996 = arith.constant 1 : i32
        %and3A_1997 = vector.broadcast %and3A_1996 : i32 to vector<16xi32>
        %and3A_1998 = arith.andi %shift_right_logical3A_1995, %and3A_1997 : vector<16xi32>
        %add3A_1999 = arith.constant 32767 : i32
        %add3A_2000 = vector.broadcast %add3A_1999 : i32 to vector<16xi32>
        %add3A_2001 = arith.addi %bitcast3A_1992, %add3A_2000 : vector<16xi32>
        %add3A_2002 = arith.addi %add3A_2001, %and3A_1998 : vector<16xi32>
        %and3A_2003 = arith.constant -65536 : i32
        %and3A_2004 = vector.broadcast %and3A_2003 : i32 to vector<16xi32>
        %and3A_2005 = arith.andi %add3A_2002, %and3A_2004 : vector<16xi32>
        %bitcast3A_2006 = vector.bitcast %and3A_2005 : vector<16xi32> to vector<16xf32>
        %bitcast3A_2007 = vector.bitcast %get3A_1991 : vector<16xf32> to vector<16xi32>
        %shift_right_logical3A_2008 = arith.constant 16 : i32
        %shift_right_logical3A_2009 = vector.broadcast %shift_right_logical3A_2008 : i32 to vector<16xi32>
        %shift_right_logical3A_2010 = arith.shrui %bitcast3A_2007, %shift_right_logical3A_2009 : vector<16xi32>
        %and3A_2011 = arith.constant 1 : i32
        %and3A_2012 = vector.broadcast %and3A_2011 : i32 to vector<16xi32>
        %and3A_2013 = arith.andi %shift_right_logical3A_2010, %and3A_2012 : vector<16xi32>
        %add3A_2014 = arith.constant 32767 : i32
        %add3A_2015 = vector.broadcast %add3A_2014 : i32 to vector<16xi32>
        %add3A_2016 = arith.addi %bitcast3A_2007, %add3A_2015 : vector<16xi32>
        %add3A_2017 = arith.addi %add3A_2016, %and3A_2013 : vector<16xi32>
        %and3A_2018 = arith.constant -65536 : i32
        %and3A_2019 = vector.broadcast %and3A_2018 : i32 to vector<16xi32>
        %and3A_2020 = arith.andi %add3A_2017, %and3A_2019 : vector<16xi32>
        %bitcast3A_2021 = vector.bitcast %and3A_2020 : vector<16xi32> to vector<16xf32>
        %mul3A_2022 = arith.mulf %bitcast3A_26, %bitcast3A_2006 : vector<16xf32>
        %mul3A_2023 = arith.mulf %bitcast3A_41, %bitcast3A_2021 : vector<16xf32>
        %add3A_2024 = arith.addf %mul3A_2022, %mul3A_2023 : vector<16xf32>
        %get3A_2025 = arith.index_cast %add3A_1985 : i32 to index
        %get3A_2026 = arith.constant 32 : index
        %get3A_2027 = tpu.vector_load %arg5[%get3A_2025, %get3A_2026] {strides = array<i32>} : memref<256x128xf32, #tpu.memory_space<vmem>>, vector<16xf32>,
        %get3A_2028 = arith.index_cast %add3A_1985 : i32 to index
        %get3A_2029 = arith.constant 48 : index
        %get3A_2030 = tpu.vector_load %arg5[%get3A_2028, %get3A_2029] {strides = array<i32>} : memref<256x128xf32, #tpu.memory_space<vmem>>, vector<16xf32>,
        %bitcast3A_2031 = vector.bitcast %get3A_2027 : vector<16xf32> to vector<16xi32>
        %shift_right_logical3A_2032 = arith.constant 16 : i32
        %shift_right_logical3A_2033 = vector.broadcast %shift_right_logical3A_2032 : i32 to vector<16xi32>
        %shift_right_logical3A_2034 = arith.shrui %bitcast3A_2031, %shift_right_logical3A_2033 : vector<16xi32>
        %and3A_2035 = arith.constant 1 : i32
        %and3A_2036 = vector.broadcast %and3A_2035 : i32 to vector<16xi32>
        %and3A_2037 = arith.andi %shift_right_logical3A_2034, %and3A_2036 : vector<16xi32>
        %add3A_2038 = arith.constant 32767 : i32
        %add3A_2039 = vector.broadcast %add3A_2038 : i32 to vector<16xi32>
        %add3A_2040 = arith.addi %bitcast3A_2031, %add3A_2039 : vector<16xi32>
        %add3A_2041 = arith.addi %add3A_2040, %and3A_2037 : vector<16xi32>
        %and3A_2042 = arith.constant -65536 : i32
        %and3A_2043 = vector.broadcast %and3A_2042 : i32 to vector<16xi32>
        %and3A_2044 = arith.andi %add3A_2041, %and3A_2043 : vector<16xi32>
        %bitcast3A_2045 = vector.bitcast %and3A_2044 : vector<16xi32> to vector<16xf32>
        %bitcast3A_2046 = vector.bitcast %get3A_2030 : vector<16xf32> to vector<16xi32>
        %shift_right_logical3A_2047 = arith.constant 16 : i32
        %shift_right_logical3A_2048 = vector.broadcast %shift_right_logical3A_2047 : i32 to vector<16xi32>
        %shift_right_logical3A_2049 = arith.shrui %bitcast3A_2046, %shift_right_logical3A_2048 : vector<16xi32>
        %and3A_2050 = arith.constant 1 : i32
        %and3A_2051 = vector.broadcast %and3A_2050 : i32 to vector<16xi32>
        %and3A_2052 = arith.andi %shift_right_logical3A_2049, %and3A_2051 : vector<16xi32>
        %add3A_2053 = arith.constant 32767 : i32
        %add3A_2054 = vector.broadcast %add3A_2053 : i32 to vector<16xi32>
        %add3A_2055 = arith.addi %bitcast3A_2046, %add3A_2054 : vector<16xi32>
        %add3A_2056 = arith.addi %add3A_2055, %and3A_2052 : vector<16xi32>
        %and3A_2057 = arith.constant -65536 : i32
        %and3A_2058 = vector.broadcast %and3A_2057 : i32 to vector<16xi32>
        %and3A_2059 = arith.andi %add3A_2056, %and3A_2058 : vector<16xi32>
        %bitcast3A_2060 = vector.bitcast %and3A_2059 : vector<16xi32> to vector<16xf32>
        %mul3A_2061 = arith.mulf %bitcast3A_60, %bitcast3A_2045 : vector<16xf32>
        %mul3A_2062 = arith.mulf %bitcast3A_75, %bitcast3A_2060 : vector<16xf32>
        %add3A_2063 = arith.addf %mul3A_2061, %mul3A_2062 : vector<16xf32>
        %add3A_2064 = arith.addf %add3A_2024, %add3A_2063 : vector<16xf32>
        %get3A_2065 = arith.index_cast %add3A_1985 : i32 to index
        %get3A_2066 = arith.constant 64 : index
        %get3A_2067 = tpu.vector_load %arg5[%get3A_2065, %get3A_2066] {strides = array<i32>} : memref<256x128xf32, #tpu.memory_space<vmem>>, vector<16xf32>,
        %get3A_2068 = arith.index_cast %add3A_1985 : i32 to index
        %get3A_2069 = arith.constant 80 : index
        %get3A_2070 = tpu.vector_load %arg5[%get3A_2068, %get3A_2069] {strides = array<i32>} : memref<256x128xf32, #tpu.memory_space<vmem>>, vector<16xf32>,
        %bitcast3A_2071 = vector.bitcast %get3A_2067 : vector<16xf32> to vector<16xi32>
        %shift_right_logical3A_2072 = arith.constant 16 : i32
        %shift_right_logical3A_2073 = vector.broadcast %shift_right_logical3A_2072 : i32 to vector<16xi32>
        %shift_right_logical3A_2074 = arith.shrui %bitcast3A_2071, %shift_right_logical3A_2073 : vector<16xi32>
        %and3A_2075 = arith.constant 1 : i32
        %and3A_2076 = vector.broadcast %and3A_2075 : i32 to vector<16xi32>
        %and3A_2077 = arith.andi %shift_right_logical3A_2074, %and3A_2076 : vector<16xi32>
        %add3A_2078 = arith.constant 32767 : i32
        %add3A_2079 = vector.broadcast %add3A_2078 : i32 to vector<16xi32>
        %add3A_2080 = arith.addi %bitcast3A_2071, %add3A_2079 : vector<16xi32>
        %add3A_2081 = arith.addi %add3A_2080, %and3A_2077 : vector<16xi32>
        %and3A_2082 = arith.constant -65536 : i32
        %and3A_2083 = vector.broadcast %and3A_2082 : i32 to vector<16xi32>
        %and3A_2084 = arith.andi %add3A_2081, %and3A_2083 : vector<16xi32>
        %bitcast3A_2085 = vector.bitcast %and3A_2084 : vector<16xi32> to vector<16xf32>
        %bitcast3A_2086 = vector.bitcast %get3A_2070 : vector<16xf32> to vector<16xi32>
        %shift_right_logical3A_2087 = arith.constant 16 : i32
        %shift_right_logical3A_2088 = vector.broadcast %shift_right_logical3A_2087 : i32 to vector<16xi32>
        %shift_right_logical3A_2089 = arith.shrui %bitcast3A_2086, %shift_right_logical3A_2088 : vector<16xi32>
        %and3A_2090 = arith.constant 1 : i32
        %and3A_2091 = vector.broadcast %and3A_2090 : i32 to vector<16xi32>
        %and3A_2092 = arith.andi %shift_right_logical3A_2089, %and3A_2091 : vector<16xi32>
        %add3A_2093 = arith.constant 32767 : i32
        %add3A_2094 = vector.broadcast %add3A_2093 : i32 to vector<16xi32>
        %add3A_2095 = arith.addi %bitcast3A_2086, %add3A_2094 : vector<16xi32>
        %add3A_2096 = arith.addi %add3A_2095, %and3A_2092 : vector<16xi32>
        %and3A_2097 = arith.constant -65536 : i32
        %and3A_2098 = vector.broadcast %and3A_2097 : i32 to vector<16xi32>
        %and3A_2099 = arith.andi %add3A_2096, %and3A_2098 : vector<16xi32>
        %bitcast3A_2100 = vector.bitcast %and3A_2099 : vector<16xi32> to vector<16xf32>
        %mul3A_2101 = arith.mulf %bitcast3A_94, %bitcast3A_2085 : vector<16xf32>
        %mul3A_2102 = arith.mulf %bitcast3A_109, %bitcast3A_2100 : vector<16xf32>
        %add3A_2103 = arith.addf %mul3A_2101, %mul3A_2102 : vector<16xf32>
        %add3A_2104 = arith.addf %add3A_2064, %add3A_2103 : vector<16xf32>
        %get3A_2105 = arith.index_cast %add3A_1985 : i32 to index
        %get3A_2106 = arith.constant 96 : index
        %get3A_2107 = tpu.vector_load %arg5[%get3A_2105, %get3A_2106] {strides = array<i32>} : memref<256x128xf32, #tpu.memory_space<vmem>>, vector<16xf32>,
        %get3A_2108 = arith.index_cast %add3A_1985 : i32 to index
        %get3A_2109 = arith.constant 112 : index
        %get3A_2110 = tpu.vector_load %arg5[%get3A_2108, %get3A_2109] {strides = array<i32>} : memref<256x128xf32, #tpu.memory_space<vmem>>, vector<16xf32>,
        %bitcast3A_2111 = vector.bitcast %get3A_2107 : vector<16xf32> to vector<16xi32>
        %shift_right_logical3A_2112 = arith.constant 16 : i32
        %shift_right_logical3A_2113 = vector.broadcast %shift_right_logical3A_2112 : i32 to vector<16xi32>
        %shift_right_logical3A_2114 = arith.shrui %bitcast3A_2111, %shift_right_logical3A_2113 : vector<16xi32>
        %and3A_2115 = arith.constant 1 : i32
        %and3A_2116 = vector.broadcast %and3A_2115 : i32 to vector<16xi32>
        %and3A_2117 = arith.andi %shift_right_logical3A_2114, %and3A_2116 : vector<16xi32>
        %add3A_2118 = arith.constant 32767 : i32
        %add3A_2119 = vector.broadcast %add3A_2118 : i32 to vector<16xi32>
        %add3A_2120 = arith.addi %bitcast3A_2111, %add3A_2119 : vector<16xi32>
        %add3A_2121 = arith.addi %add3A_2120, %and3A_2117 : vector<16xi32>
        %and3A_2122 = arith.constant -65536 : i32
        %and3A_2123 = vector.broadcast %and3A_2122 : i32 to vector<16xi32>
        %and3A_2124 = arith.andi %add3A_2121, %and3A_2123 : vector<16xi32>
        %bitcast3A_2125 = vector.bitcast %and3A_2124 : vector<16xi32> to vector<16xf32>
        %bitcast3A_2126 = vector.bitcast %get3A_2110 : vector<16xf32> to vector<16xi32>
        %shift_right_logical3A_2127 = arith.constant 16 : i32
        %shift_right_logical3A_2128 = vector.broadcast %shift_right_logical3A_2127 : i32 to vector<16xi32>
        %shift_right_logical3A_2129 = arith.shrui %bitcast3A_2126, %shift_right_logical3A_2128 : vector<16xi32>
        %and3A_2130 = arith.constant 1 : i32
        %and3A_2131 = vector.broadcast %and3A_2130 : i32 to vector<16xi32>
        %and3A_2132 = arith.andi %shift_right_logical3A_2129, %and3A_2131 : vector<16xi32>
        %add3A_2133 = arith.constant 32767 : i32
        %add3A_2134 = vector.broadcast %add3A_2133 : i32 to vector<16xi32>
        %add3A_2135 = arith.addi %bitcast3A_2126, %add3A_2134 : vector<16xi32>
        %add3A_2136 = arith.addi %add3A_2135, %and3A_2132 : vector<16xi32>
        %and3A_2137 = arith.constant -65536 : i32
        %and3A_2138 = vector.broadcast %and3A_2137 : i32 to vector<16xi32>
        %and3A_2139 = arith.andi %add3A_2136, %and3A_2138 : vector<16xi32>
        %bitcast3A_2140 = vector.bitcast %and3A_2139 : vector<16xi32> to vector<16xf32>
        %mul3A_2141 = arith.mulf %bitcast3A_128, %bitcast3A_2125 : vector<16xf32>
        %mul3A_2142 = arith.mulf %bitcast3A_143, %bitcast3A_2140 : vector<16xf32>
        %add3A_2143 = arith.addf %mul3A_2141, %mul3A_2142 : vector<16xf32>
        %add3A_2144 = arith.addf %add3A_2104, %add3A_2143 : vector<16xf32>
        %swap3A_2145 = arith.constant 11 : i32
        %swap3A_2146 = arith.index_cast %swap3A_2145 : i32 to index
        %swap3A_2147 = arith.constant 0 : index
        %swap3A_2148 = tpu.vector_load %arg9[%swap3A_2146, %swap3A_2147] {strides = array<i32>} : memref<16x16xf32, #tpu.memory_space<vmem>>, vector<16xf32>,
        tpu.vector_store %arg9[%swap3A_2146, %swap3A_2147], %add3A_2144 {strides = array<i32>} : memref<16x16xf32, #tpu.memory_space<vmem>>, vector<16xf32>,
        %add3A_2149 = arith.constant 12 : i32
        %add3A_2150 = arith.addi %mul3A_169, %add3A_2149 : i32
        %get3A_2151 = arith.index_cast %add3A_2150 : i32 to index
        %get3A_2152 = arith.constant 0 : index
        %get3A_2153 = tpu.vector_load %arg5[%get3A_2151, %get3A_2152] {strides = array<i32>} : memref<256x128xf32, #tpu.memory_space<vmem>>, vector<16xf32>,
        %get3A_2154 = arith.index_cast %add3A_2150 : i32 to index
        %get3A_2155 = arith.constant 16 : index
        %get3A_2156 = tpu.vector_load %arg5[%get3A_2154, %get3A_2155] {strides = array<i32>} : memref<256x128xf32, #tpu.memory_space<vmem>>, vector<16xf32>,
        %bitcast3A_2157 = vector.bitcast %get3A_2153 : vector<16xf32> to vector<16xi32>
        %shift_right_logical3A_2158 = arith.constant 16 : i32
        %shift_right_logical3A_2159 = vector.broadcast %shift_right_logical3A_2158 : i32 to vector<16xi32>
        %shift_right_logical3A_2160 = arith.shrui %bitcast3A_2157, %shift_right_logical3A_2159 : vector<16xi32>
        %and3A_2161 = arith.constant 1 : i32
        %and3A_2162 = vector.broadcast %and3A_2161 : i32 to vector<16xi32>
        %and3A_2163 = arith.andi %shift_right_logical3A_2160, %and3A_2162 : vector<16xi32>
        %add3A_2164 = arith.constant 32767 : i32
        %add3A_2165 = vector.broadcast %add3A_2164 : i32 to vector<16xi32>
        %add3A_2166 = arith.addi %bitcast3A_2157, %add3A_2165 : vector<16xi32>
        %add3A_2167 = arith.addi %add3A_2166, %and3A_2163 : vector<16xi32>
        %and3A_2168 = arith.constant -65536 : i32
        %and3A_2169 = vector.broadcast %and3A_2168 : i32 to vector<16xi32>
        %and3A_2170 = arith.andi %add3A_2167, %and3A_2169 : vector<16xi32>
        %bitcast3A_2171 = vector.bitcast %and3A_2170 : vector<16xi32> to vector<16xf32>
        %bitcast3A_2172 = vector.bitcast %get3A_2156 : vector<16xf32> to vector<16xi32>
        %shift_right_logical3A_2173 = arith.constant 16 : i32
        %shift_right_logical3A_2174 = vector.broadcast %shift_right_logical3A_2173 : i32 to vector<16xi32>
        %shift_right_logical3A_2175 = arith.shrui %bitcast3A_2172, %shift_right_logical3A_2174 : vector<16xi32>
        %and3A_2176 = arith.constant 1 : i32
        %and3A_2177 = vector.broadcast %and3A_2176 : i32 to vector<16xi32>
        %and3A_2178 = arith.andi %shift_right_logical3A_2175, %and3A_2177 : vector<16xi32>
        %add3A_2179 = arith.constant 32767 : i32
        %add3A_2180 = vector.broadcast %add3A_2179 : i32 to vector<16xi32>
        %add3A_2181 = arith.addi %bitcast3A_2172, %add3A_2180 : vector<16xi32>
        %add3A_2182 = arith.addi %add3A_2181, %and3A_2178 : vector<16xi32>
        %and3A_2183 = arith.constant -65536 : i32
        %and3A_2184 = vector.broadcast %and3A_2183 : i32 to vector<16xi32>
        %and3A_2185 = arith.andi %add3A_2182, %and3A_2184 : vector<16xi32>
        %bitcast3A_2186 = vector.bitcast %and3A_2185 : vector<16xi32> to vector<16xf32>
        %mul3A_2187 = arith.mulf %bitcast3A_26, %bitcast3A_2171 : vector<16xf32>
        %mul3A_2188 = arith.mulf %bitcast3A_41, %bitcast3A_2186 : vector<16xf32>
        %add3A_2189 = arith.addf %mul3A_2187, %mul3A_2188 : vector<16xf32>
        %get3A_2190 = arith.index_cast %add3A_2150 : i32 to index
        %get3A_2191 = arith.constant 32 : index
        %get3A_2192 = tpu.vector_load %arg5[%get3A_2190, %get3A_2191] {strides = array<i32>} : memref<256x128xf32, #tpu.memory_space<vmem>>, vector<16xf32>,
        %get3A_2193 = arith.index_cast %add3A_2150 : i32 to index
        %get3A_2194 = arith.constant 48 : index
        %get3A_2195 = tpu.vector_load %arg5[%get3A_2193, %get3A_2194] {strides = array<i32>} : memref<256x128xf32, #tpu.memory_space<vmem>>, vector<16xf32>,
        %bitcast3A_2196 = vector.bitcast %get3A_2192 : vector<16xf32> to vector<16xi32>
        %shift_right_logical3A_2197 = arith.constant 16 : i32
        %shift_right_logical3A_2198 = vector.broadcast %shift_right_logical3A_2197 : i32 to vector<16xi32>
        %shift_right_logical3A_2199 = arith.shrui %bitcast3A_2196, %shift_right_logical3A_2198 : vector<16xi32>
        %and3A_2200 = arith.constant 1 : i32
        %and3A_2201 = vector.broadcast %and3A_2200 : i32 to vector<16xi32>
        %and3A_2202 = arith.andi %shift_right_logical3A_2199, %and3A_2201 : vector<16xi32>
        %add3A_2203 = arith.constant 32767 : i32
        %add3A_2204 = vector.broadcast %add3A_2203 : i32 to vector<16xi32>
        %add3A_2205 = arith.addi %bitcast3A_2196, %add3A_2204 : vector<16xi32>
        %add3A_2206 = arith.addi %add3A_2205, %and3A_2202 : vector<16xi32>
        %and3A_2207 = arith.constant -65536 : i32
        %and3A_2208 = vector.broadcast %and3A_2207 : i32 to vector<16xi32>
        %and3A_2209 = arith.andi %add3A_2206, %and3A_2208 : vector<16xi32>
        %bitcast3A_2210 = vector.bitcast %and3A_2209 : vector<16xi32> to vector<16xf32>
        %bitcast3A_2211 = vector.bitcast %get3A_2195 : vector<16xf32> to vector<16xi32>
        %shift_right_logical3A_2212 = arith.constant 16 : i32
        %shift_right_logical3A_2213 = vector.broadcast %shift_right_logical3A_2212 : i32 to vector<16xi32>
        %shift_right_logical3A_2214 = arith.shrui %bitcast3A_2211, %shift_right_logical3A_2213 : vector<16xi32>
        %and3A_2215 = arith.constant 1 : i32
        %and3A_2216 = vector.broadcast %and3A_2215 : i32 to vector<16xi32>
        %and3A_2217 = arith.andi %shift_right_logical3A_2214, %and3A_2216 : vector<16xi32>
        %add3A_2218 = arith.constant 32767 : i32
        %add3A_2219 = vector.broadcast %add3A_2218 : i32 to vector<16xi32>
        %add3A_2220 = arith.addi %bitcast3A_2211, %add3A_2219 : vector<16xi32>
        %add3A_2221 = arith.addi %add3A_2220, %and3A_2217 : vector<16xi32>
        %and3A_2222 = arith.constant -65536 : i32
        %and3A_2223 = vector.broadcast %and3A_2222 : i32 to vector<16xi32>
        %and3A_2224 = arith.andi %add3A_2221, %and3A_2223 : vector<16xi32>
        %bitcast3A_2225 = vector.bitcast %and3A_2224 : vector<16xi32> to vector<16xf32>
        %mul3A_2226 = arith.mulf %bitcast3A_60, %bitcast3A_2210 : vector<16xf32>
        %mul3A_2227 = arith.mulf %bitcast3A_75, %bitcast3A_2225 : vector<16xf32>
        %add3A_2228 = arith.addf %mul3A_2226, %mul3A_2227 : vector<16xf32>
        %add3A_2229 = arith.addf %add3A_2189, %add3A_2228 : vector<16xf32>
        %get3A_2230 = arith.index_cast %add3A_2150 : i32 to index
        %get3A_2231 = arith.constant 64 : index
        %get3A_2232 = tpu.vector_load %arg5[%get3A_2230, %get3A_2231] {strides = array<i32>} : memref<256x128xf32, #tpu.memory_space<vmem>>, vector<16xf32>,
        %get3A_2233 = arith.index_cast %add3A_2150 : i32 to index
        %get3A_2234 = arith.constant 80 : index
        %get3A_2235 = tpu.vector_load %arg5[%get3A_2233, %get3A_2234] {strides = array<i32>} : memref<256x128xf32, #tpu.memory_space<vmem>>, vector<16xf32>,
        %bitcast3A_2236 = vector.bitcast %get3A_2232 : vector<16xf32> to vector<16xi32>
        %shift_right_logical3A_2237 = arith.constant 16 : i32
        %shift_right_logical3A_2238 = vector.broadcast %shift_right_logical3A_2237 : i32 to vector<16xi32>
        %shift_right_logical3A_2239 = arith.shrui %bitcast3A_2236, %shift_right_logical3A_2238 : vector<16xi32>
        %and3A_2240 = arith.constant 1 : i32
        %and3A_2241 = vector.broadcast %and3A_2240 : i32 to vector<16xi32>
        %and3A_2242 = arith.andi %shift_right_logical3A_2239, %and3A_2241 : vector<16xi32>
        %add3A_2243 = arith.constant 32767 : i32
        %add3A_2244 = vector.broadcast %add3A_2243 : i32 to vector<16xi32>
        %add3A_2245 = arith.addi %bitcast3A_2236, %add3A_2244 : vector<16xi32>
        %add3A_2246 = arith.addi %add3A_2245, %and3A_2242 : vector<16xi32>
        %and3A_2247 = arith.constant -65536 : i32
        %and3A_2248 = vector.broadcast %and3A_2247 : i32 to vector<16xi32>
        %and3A_2249 = arith.andi %add3A_2246, %and3A_2248 : vector<16xi32>
        %bitcast3A_2250 = vector.bitcast %and3A_2249 : vector<16xi32> to vector<16xf32>
        %bitcast3A_2251 = vector.bitcast %get3A_2235 : vector<16xf32> to vector<16xi32>
        %shift_right_logical3A_2252 = arith.constant 16 : i32
        %shift_right_logical3A_2253 = vector.broadcast %shift_right_logical3A_2252 : i32 to vector<16xi32>
        %shift_right_logical3A_2254 = arith.shrui %bitcast3A_2251, %shift_right_logical3A_2253 : vector<16xi32>
        %and3A_2255 = arith.constant 1 : i32
        %and3A_2256 = vector.broadcast %and3A_2255 : i32 to vector<16xi32>
        %and3A_2257 = arith.andi %shift_right_logical3A_2254, %and3A_2256 : vector<16xi32>
        %add3A_2258 = arith.constant 32767 : i32
        %add3A_2259 = vector.broadcast %add3A_2258 : i32 to vector<16xi32>
        %add3A_2260 = arith.addi %bitcast3A_2251, %add3A_2259 : vector<16xi32>
        %add3A_2261 = arith.addi %add3A_2260, %and3A_2257 : vector<16xi32>
        %and3A_2262 = arith.constant -65536 : i32
        %and3A_2263 = vector.broadcast %and3A_2262 : i32 to vector<16xi32>
        %and3A_2264 = arith.andi %add3A_2261, %and3A_2263 : vector<16xi32>
        %bitcast3A_2265 = vector.bitcast %and3A_2264 : vector<16xi32> to vector<16xf32>
        %mul3A_2266 = arith.mulf %bitcast3A_94, %bitcast3A_2250 : vector<16xf32>
        %mul3A_2267 = arith.mulf %bitcast3A_109, %bitcast3A_2265 : vector<16xf32>
        %add3A_2268 = arith.addf %mul3A_2266, %mul3A_2267 : vector<16xf32>
        %add3A_2269 = arith.addf %add3A_2229, %add3A_2268 : vector<16xf32>
        %get3A_2270 = arith.index_cast %add3A_2150 : i32 to index
        %get3A_2271 = arith.constant 96 : index
        %get3A_2272 = tpu.vector_load %arg5[%get3A_2270, %get3A_2271] {strides = array<i32>} : memref<256x128xf32, #tpu.memory_space<vmem>>, vector<16xf32>,
        %get3A_2273 = arith.index_cast %add3A_2150 : i32 to index
        %get3A_2274 = arith.constant 112 : index
        %get3A_2275 = tpu.vector_load %arg5[%get3A_2273, %get3A_2274] {strides = array<i32>} : memref<256x128xf32, #tpu.memory_space<vmem>>, vector<16xf32>,
        %bitcast3A_2276 = vector.bitcast %get3A_2272 : vector<16xf32> to vector<16xi32>
        %shift_right_logical3A_2277 = arith.constant 16 : i32
        %shift_right_logical3A_2278 = vector.broadcast %shift_right_logical3A_2277 : i32 to vector<16xi32>
        %shift_right_logical3A_2279 = arith.shrui %bitcast3A_2276, %shift_right_logical3A_2278 : vector<16xi32>
        %and3A_2280 = arith.constant 1 : i32
        %and3A_2281 = vector.broadcast %and3A_2280 : i32 to vector<16xi32>
        %and3A_2282 = arith.andi %shift_right_logical3A_2279, %and3A_2281 : vector<16xi32>
        %add3A_2283 = arith.constant 32767 : i32
        %add3A_2284 = vector.broadcast %add3A_2283 : i32 to vector<16xi32>
        %add3A_2285 = arith.addi %bitcast3A_2276, %add3A_2284 : vector<16xi32>
        %add3A_2286 = arith.addi %add3A_2285, %and3A_2282 : vector<16xi32>
        %and3A_2287 = arith.constant -65536 : i32
        %and3A_2288 = vector.broadcast %and3A_2287 : i32 to vector<16xi32>
        %and3A_2289 = arith.andi %add3A_2286, %and3A_2288 : vector<16xi32>
        %bitcast3A_2290 = vector.bitcast %and3A_2289 : vector<16xi32> to vector<16xf32>
        %bitcast3A_2291 = vector.bitcast %get3A_2275 : vector<16xf32> to vector<16xi32>
        %shift_right_logical3A_2292 = arith.constant 16 : i32
        %shift_right_logical3A_2293 = vector.broadcast %shift_right_logical3A_2292 : i32 to vector<16xi32>
        %shift_right_logical3A_2294 = arith.shrui %bitcast3A_2291, %shift_right_logical3A_2293 : vector<16xi32>
        %and3A_2295 = arith.constant 1 : i32
        %and3A_2296 = vector.broadcast %and3A_2295 : i32 to vector<16xi32>
        %and3A_2297 = arith.andi %shift_right_logical3A_2294, %and3A_2296 : vector<16xi32>
        %add3A_2298 = arith.constant 32767 : i32
        %add3A_2299 = vector.broadcast %add3A_2298 : i32 to vector<16xi32>
        %add3A_2300 = arith.addi %bitcast3A_2291, %add3A_2299 : vector<16xi32>
        %add3A_2301 = arith.addi %add3A_2300, %and3A_2297 : vector<16xi32>
        %and3A_2302 = arith.constant -65536 : i32
        %and3A_2303 = vector.broadcast %and3A_2302 : i32 to vector<16xi32>
        %and3A_2304 = arith.andi %add3A_2301, %and3A_2303 : vector<16xi32>
        %bitcast3A_2305 = vector.bitcast %and3A_2304 : vector<16xi32> to vector<16xf32>
        %mul3A_2306 = arith.mulf %bitcast3A_128, %bitcast3A_2290 : vector<16xf32>
        %mul3A_2307 = arith.mulf %bitcast3A_143, %bitcast3A_2305 : vector<16xf32>
        %add3A_2308 = arith.addf %mul3A_2306, %mul3A_2307 : vector<16xf32>
        %add3A_2309 = arith.addf %add3A_2269, %add3A_2308 : vector<16xf32>
        %swap3A_2310 = arith.constant 12 : i32
        %swap3A_2311 = arith.index_cast %swap3A_2310 : i32 to index
        %swap3A_2312 = arith.constant 0 : index
        %swap3A_2313 = tpu.vector_load %arg9[%swap3A_2311, %swap3A_2312] {strides = array<i32>} : memref<16x16xf32, #tpu.memory_space<vmem>>, vector<16xf32>,
        tpu.vector_store %arg9[%swap3A_2311, %swap3A_2312], %add3A_2309 {strides = array<i32>} : memref<16x16xf32, #tpu.memory_space<vmem>>, vector<16xf32>,
        %add3A_2314 = arith.constant 13 : i32
        %add3A_2315 = arith.addi %mul3A_169, %add3A_2314 : i32
        %get3A_2316 = arith.index_cast %add3A_2315 : i32 to index
        %get3A_2317 = arith.constant 0 : index
        %get3A_2318 = tpu.vector_load %arg5[%get3A_2316, %get3A_2317] {strides = array<i32>} : memref<256x128xf32, #tpu.memory_space<vmem>>, vector<16xf32>,
        %get3A_2319 = arith.index_cast %add3A_2315 : i32 to index
        %get3A_2320 = arith.constant 16 : index
        %get3A_2321 = tpu.vector_load %arg5[%get3A_2319, %get3A_2320] {strides = array<i32>} : memref<256x128xf32, #tpu.memory_space<vmem>>, vector<16xf32>,
        %bitcast3A_2322 = vector.bitcast %get3A_2318 : vector<16xf32> to vector<16xi32>
        %shift_right_logical3A_2323 = arith.constant 16 : i32
        %shift_right_logical3A_2324 = vector.broadcast %shift_right_logical3A_2323 : i32 to vector<16xi32>
        %shift_right_logical3A_2325 = arith.shrui %bitcast3A_2322, %shift_right_logical3A_2324 : vector<16xi32>
        %and3A_2326 = arith.constant 1 : i32
        %and3A_2327 = vector.broadcast %and3A_2326 : i32 to vector<16xi32>
        %and3A_2328 = arith.andi %shift_right_logical3A_2325, %and3A_2327 : vector<16xi32>
        %add3A_2329 = arith.constant 32767 : i32
        %add3A_2330 = vector.broadcast %add3A_2329 : i32 to vector<16xi32>
        %add3A_2331 = arith.addi %bitcast3A_2322, %add3A_2330 : vector<16xi32>
        %add3A_2332 = arith.addi %add3A_2331, %and3A_2328 : vector<16xi32>
        %and3A_2333 = arith.constant -65536 : i32
        %and3A_2334 = vector.broadcast %and3A_2333 : i32 to vector<16xi32>
        %and3A_2335 = arith.andi %add3A_2332, %and3A_2334 : vector<16xi32>
        %bitcast3A_2336 = vector.bitcast %and3A_2335 : vector<16xi32> to vector<16xf32>
        %bitcast3A_2337 = vector.bitcast %get3A_2321 : vector<16xf32> to vector<16xi32>
        %shift_right_logical3A_2338 = arith.constant 16 : i32
        %shift_right_logical3A_2339 = vector.broadcast %shift_right_logical3A_2338 : i32 to vector<16xi32>
        %shift_right_logical3A_2340 = arith.shrui %bitcast3A_2337, %shift_right_logical3A_2339 : vector<16xi32>
        %and3A_2341 = arith.constant 1 : i32
        %and3A_2342 = vector.broadcast %and3A_2341 : i32 to vector<16xi32>
        %and3A_2343 = arith.andi %shift_right_logical3A_2340, %and3A_2342 : vector<16xi32>
        %add3A_2344 = arith.constant 32767 : i32
        %add3A_2345 = vector.broadcast %add3A_2344 : i32 to vector<16xi32>
        %add3A_2346 = arith.addi %bitcast3A_2337, %add3A_2345 : vector<16xi32>
        %add3A_2347 = arith.addi %add3A_2346, %and3A_2343 : vector<16xi32>
        %and3A_2348 = arith.constant -65536 : i32
        %and3A_2349 = vector.broadcast %and3A_2348 : i32 to vector<16xi32>
        %and3A_2350 = arith.andi %add3A_2347, %and3A_2349 : vector<16xi32>
        %bitcast3A_2351 = vector.bitcast %and3A_2350 : vector<16xi32> to vector<16xf32>
        %mul3A_2352 = arith.mulf %bitcast3A_26, %bitcast3A_2336 : vector<16xf32>
        %mul3A_2353 = arith.mulf %bitcast3A_41, %bitcast3A_2351 : vector<16xf32>
        %add3A_2354 = arith.addf %mul3A_2352, %mul3A_2353 : vector<16xf32>
        %get3A_2355 = arith.index_cast %add3A_2315 : i32 to index
        %get3A_2356 = arith.constant 32 : index
        %get3A_2357 = tpu.vector_load %arg5[%get3A_2355, %get3A_2356] {strides = array<i32>} : memref<256x128xf32, #tpu.memory_space<vmem>>, vector<16xf32>,
        %get3A_2358 = arith.index_cast %add3A_2315 : i32 to index
        %get3A_2359 = arith.constant 48 : index
        %get3A_2360 = tpu.vector_load %arg5[%get3A_2358, %get3A_2359] {strides = array<i32>} : memref<256x128xf32, #tpu.memory_space<vmem>>, vector<16xf32>,
        %bitcast3A_2361 = vector.bitcast %get3A_2357 : vector<16xf32> to vector<16xi32>
        %shift_right_logical3A_2362 = arith.constant 16 : i32
        %shift_right_logical3A_2363 = vector.broadcast %shift_right_logical3A_2362 : i32 to vector<16xi32>
        %shift_right_logical3A_2364 = arith.shrui %bitcast3A_2361, %shift_right_logical3A_2363 : vector<16xi32>
        %and3A_2365 = arith.constant 1 : i32
        %and3A_2366 = vector.broadcast %and3A_2365 : i32 to vector<16xi32>
        %and3A_2367 = arith.andi %shift_right_logical3A_2364, %and3A_2366 : vector<16xi32>
        %add3A_2368 = arith.constant 32767 : i32
        %add3A_2369 = vector.broadcast %add3A_2368 : i32 to vector<16xi32>
        %add3A_2370 = arith.addi %bitcast3A_2361, %add3A_2369 : vector<16xi32>
        %add3A_2371 = arith.addi %add3A_2370, %and3A_2367 : vector<16xi32>
        %and3A_2372 = arith.constant -65536 : i32
        %and3A_2373 = vector.broadcast %and3A_2372 : i32 to vector<16xi32>
        %and3A_2374 = arith.andi %add3A_2371, %and3A_2373 : vector<16xi32>
        %bitcast3A_2375 = vector.bitcast %and3A_2374 : vector<16xi32> to vector<16xf32>
        %bitcast3A_2376 = vector.bitcast %get3A_2360 : vector<16xf32> to vector<16xi32>
        %shift_right_logical3A_2377 = arith.constant 16 : i32
        %shift_right_logical3A_2378 = vector.broadcast %shift_right_logical3A_2377 : i32 to vector<16xi32>
        %shift_right_logical3A_2379 = arith.shrui %bitcast3A_2376, %shift_right_logical3A_2378 : vector<16xi32>
        %and3A_2380 = arith.constant 1 : i32
        %and3A_2381 = vector.broadcast %and3A_2380 : i32 to vector<16xi32>
        %and3A_2382 = arith.andi %shift_right_logical3A_2379, %and3A_2381 : vector<16xi32>
        %add3A_2383 = arith.constant 32767 : i32
        %add3A_2384 = vector.broadcast %add3A_2383 : i32 to vector<16xi32>
        %add3A_2385 = arith.addi %bitcast3A_2376, %add3A_2384 : vector<16xi32>
        %add3A_2386 = arith.addi %add3A_2385, %and3A_2382 : vector<16xi32>
        %and3A_2387 = arith.constant -65536 : i32
        %and3A_2388 = vector.broadcast %and3A_2387 : i32 to vector<16xi32>
        %and3A_2389 = arith.andi %add3A_2386, %and3A_2388 : vector<16xi32>
        %bitcast3A_2390 = vector.bitcast %and3A_2389 : vector<16xi32> to vector<16xf32>
        %mul3A_2391 = arith.mulf %bitcast3A_60, %bitcast3A_2375 : vector<16xf32>
        %mul3A_2392 = arith.mulf %bitcast3A_75, %bitcast3A_2390 : vector<16xf32>
        %add3A_2393 = arith.addf %mul3A_2391, %mul3A_2392 : vector<16xf32>
        %add3A_2394 = arith.addf %add3A_2354, %add3A_2393 : vector<16xf32>
        %get3A_2395 = arith.index_cast %add3A_2315 : i32 to index
        %get3A_2396 = arith.constant 64 : index
        %get3A_2397 = tpu.vector_load %arg5[%get3A_2395, %get3A_2396] {strides = array<i32>} : memref<256x128xf32, #tpu.memory_space<vmem>>, vector<16xf32>,
        %get3A_2398 = arith.index_cast %add3A_2315 : i32 to index
        %get3A_2399 = arith.constant 80 : index
        %get3A_2400 = tpu.vector_load %arg5[%get3A_2398, %get3A_2399] {strides = array<i32>} : memref<256x128xf32, #tpu.memory_space<vmem>>, vector<16xf32>,
        %bitcast3A_2401 = vector.bitcast %get3A_2397 : vector<16xf32> to vector<16xi32>
        %shift_right_logical3A_2402 = arith.constant 16 : i32
        %shift_right_logical3A_2403 = vector.broadcast %shift_right_logical3A_2402 : i32 to vector<16xi32>
        %shift_right_logical3A_2404 = arith.shrui %bitcast3A_2401, %shift_right_logical3A_2403 : vector<16xi32>
        %and3A_2405 = arith.constant 1 : i32
        %and3A_2406 = vector.broadcast %and3A_2405 : i32 to vector<16xi32>
        %and3A_2407 = arith.andi %shift_right_logical3A_2404, %and3A_2406 : vector<16xi32>
        %add3A_2408 = arith.constant 32767 : i32
        %add3A_2409 = vector.broadcast %add3A_2408 : i32 to vector<16xi32>
        %add3A_2410 = arith.addi %bitcast3A_2401, %add3A_2409 : vector<16xi32>
        %add3A_2411 = arith.addi %add3A_2410, %and3A_2407 : vector<16xi32>
        %and3A_2412 = arith.constant -65536 : i32
        %and3A_2413 = vector.broadcast %and3A_2412 : i32 to vector<16xi32>
        %and3A_2414 = arith.andi %add3A_2411, %and3A_2413 : vector<16xi32>
        %bitcast3A_2415 = vector.bitcast %and3A_2414 : vector<16xi32> to vector<16xf32>
        %bitcast3A_2416 = vector.bitcast %get3A_2400 : vector<16xf32> to vector<16xi32>
        %shift_right_logical3A_2417 = arith.constant 16 : i32
        %shift_right_logical3A_2418 = vector.broadcast %shift_right_logical3A_2417 : i32 to vector<16xi32>
        %shift_right_logical3A_2419 = arith.shrui %bitcast3A_2416, %shift_right_logical3A_2418 : vector<16xi32>
        %and3A_2420 = arith.constant 1 : i32
        %and3A_2421 = vector.broadcast %and3A_2420 : i32 to vector<16xi32>
        %and3A_2422 = arith.andi %shift_right_logical3A_2419, %and3A_2421 : vector<16xi32>
        %add3A_2423 = arith.constant 32767 : i32
        %add3A_2424 = vector.broadcast %add3A_2423 : i32 to vector<16xi32>
        %add3A_2425 = arith.addi %bitcast3A_2416, %add3A_2424 : vector<16xi32>
        %add3A_2426 = arith.addi %add3A_2425, %and3A_2422 : vector<16xi32>
        %and3A_2427 = arith.constant -65536 : i32
        %and3A_2428 = vector.broadcast %and3A_2427 : i32 to vector<16xi32>
        %and3A_2429 = arith.andi %add3A_2426, %and3A_2428 : vector<16xi32>
        %bitcast3A_2430 = vector.bitcast %and3A_2429 : vector<16xi32> to vector<16xf32>
        %mul3A_2431 = arith.mulf %bitcast3A_94, %bitcast3A_2415 : vector<16xf32>
        %mul3A_2432 = arith.mulf %bitcast3A_109, %bitcast3A_2430 : vector<16xf32>
        %add3A_2433 = arith.addf %mul3A_2431, %mul3A_2432 : vector<16xf32>
        %add3A_2434 = arith.addf %add3A_2394, %add3A_2433 : vector<16xf32>
        %get3A_2435 = arith.index_cast %add3A_2315 : i32 to index
        %get3A_2436 = arith.constant 96 : index
        %get3A_2437 = tpu.vector_load %arg5[%get3A_2435, %get3A_2436] {strides = array<i32>} : memref<256x128xf32, #tpu.memory_space<vmem>>, vector<16xf32>,
        %get3A_2438 = arith.index_cast %add3A_2315 : i32 to index
        %get3A_2439 = arith.constant 112 : index
        %get3A_2440 = tpu.vector_load %arg5[%get3A_2438, %get3A_2439] {strides = array<i32>} : memref<256x128xf32, #tpu.memory_space<vmem>>, vector<16xf32>,
        %bitcast3A_2441 = vector.bitcast %get3A_2437 : vector<16xf32> to vector<16xi32>
        %shift_right_logical3A_2442 = arith.constant 16 : i32
        %shift_right_logical3A_2443 = vector.broadcast %shift_right_logical3A_2442 : i32 to vector<16xi32>
        %shift_right_logical3A_2444 = arith.shrui %bitcast3A_2441, %shift_right_logical3A_2443 : vector<16xi32>
        %and3A_2445 = arith.constant 1 : i32
        %and3A_2446 = vector.broadcast %and3A_2445 : i32 to vector<16xi32>
        %and3A_2447 = arith.andi %shift_right_logical3A_2444, %and3A_2446 : vector<16xi32>
        %add3A_2448 = arith.constant 32767 : i32
        %add3A_2449 = vector.broadcast %add3A_2448 : i32 to vector<16xi32>
        %add3A_2450 = arith.addi %bitcast3A_2441, %add3A_2449 : vector<16xi32>
        %add3A_2451 = arith.addi %add3A_2450, %and3A_2447 : vector<16xi32>
        %and3A_2452 = arith.constant -65536 : i32
        %and3A_2453 = vector.broadcast %and3A_2452 : i32 to vector<16xi32>
        %and3A_2454 = arith.andi %add3A_2451, %and3A_2453 : vector<16xi32>
        %bitcast3A_2455 = vector.bitcast %and3A_2454 : vector<16xi32> to vector<16xf32>
        %bitcast3A_2456 = vector.bitcast %get3A_2440 : vector<16xf32> to vector<16xi32>
        %shift_right_logical3A_2457 = arith.constant 16 : i32
        %shift_right_logical3A_2458 = vector.broadcast %shift_right_logical3A_2457 : i32 to vector<16xi32>
        %shift_right_logical3A_2459 = arith.shrui %bitcast3A_2456, %shift_right_logical3A_2458 : vector<16xi32>
        %and3A_2460 = arith.constant 1 : i32
        %and3A_2461 = vector.broadcast %and3A_2460 : i32 to vector<16xi32>
        %and3A_2462 = arith.andi %shift_right_logical3A_2459, %and3A_2461 : vector<16xi32>
        %add3A_2463 = arith.constant 32767 : i32
        %add3A_2464 = vector.broadcast %add3A_2463 : i32 to vector<16xi32>
        %add3A_2465 = arith.addi %bitcast3A_2456, %add3A_2464 : vector<16xi32>
        %add3A_2466 = arith.addi %add3A_2465, %and3A_2462 : vector<16xi32>
        %and3A_2467 = arith.constant -65536 : i32
        %and3A_2468 = vector.broadcast %and3A_2467 : i32 to vector<16xi32>
        %and3A_2469 = arith.andi %add3A_2466, %and3A_2468 : vector<16xi32>
        %bitcast3A_2470 = vector.bitcast %and3A_2469 : vector<16xi32> to vector<16xf32>
        %mul3A_2471 = arith.mulf %bitcast3A_128, %bitcast3A_2455 : vector<16xf32>
        %mul3A_2472 = arith.mulf %bitcast3A_143, %bitcast3A_2470 : vector<16xf32>
        %add3A_2473 = arith.addf %mul3A_2471, %mul3A_2472 : vector<16xf32>
        %add3A_2474 = arith.addf %add3A_2434, %add3A_2473 : vector<16xf32>
        %swap3A_2475 = arith.constant 13 : i32
        %swap3A_2476 = arith.index_cast %swap3A_2475 : i32 to index
        %swap3A_2477 = arith.constant 0 : index
        %swap3A_2478 = tpu.vector_load %arg9[%swap3A_2476, %swap3A_2477] {strides = array<i32>} : memref<16x16xf32, #tpu.memory_space<vmem>>, vector<16xf32>,
        tpu.vector_store %arg9[%swap3A_2476, %swap3A_2477], %add3A_2474 {strides = array<i32>} : memref<16x16xf32, #tpu.memory_space<vmem>>, vector<16xf32>,
        %add3A_2479 = arith.constant 14 : i32
        %add3A_2480 = arith.addi %mul3A_169, %add3A_2479 : i32
        %get3A_2481 = arith.index_cast %add3A_2480 : i32 to index
        %get3A_2482 = arith.constant 0 : index
        %get3A_2483 = tpu.vector_load %arg5[%get3A_2481, %get3A_2482] {strides = array<i32>} : memref<256x128xf32, #tpu.memory_space<vmem>>, vector<16xf32>,
        %get3A_2484 = arith.index_cast %add3A_2480 : i32 to index
        %get3A_2485 = arith.constant 16 : index
        %get3A_2486 = tpu.vector_load %arg5[%get3A_2484, %get3A_2485] {strides = array<i32>} : memref<256x128xf32, #tpu.memory_space<vmem>>, vector<16xf32>,
        %bitcast3A_2487 = vector.bitcast %get3A_2483 : vector<16xf32> to vector<16xi32>
        %shift_right_logical3A_2488 = arith.constant 16 : i32
        %shift_right_logical3A_2489 = vector.broadcast %shift_right_logical3A_2488 : i32 to vector<16xi32>
        %shift_right_logical3A_2490 = arith.shrui %bitcast3A_2487, %shift_right_logical3A_2489 : vector<16xi32>
        %and3A_2491 = arith.constant 1 : i32
        %and3A_2492 = vector.broadcast %and3A_2491 : i32 to vector<16xi32>
        %and3A_2493 = arith.andi %shift_right_logical3A_2490, %and3A_2492 : vector<16xi32>
        %add3A_2494 = arith.constant 32767 : i32
        %add3A_2495 = vector.broadcast %add3A_2494 : i32 to vector<16xi32>
        %add3A_2496 = arith.addi %bitcast3A_2487, %add3A_2495 : vector<16xi32>
        %add3A_2497 = arith.addi %add3A_2496, %and3A_2493 : vector<16xi32>
        %and3A_2498 = arith.constant -65536 : i32
        %and3A_2499 = vector.broadcast %and3A_2498 : i32 to vector<16xi32>
        %and3A_2500 = arith.andi %add3A_2497, %and3A_2499 : vector<16xi32>
        %bitcast3A_2501 = vector.bitcast %and3A_2500 : vector<16xi32> to vector<16xf32>
        %bitcast3A_2502 = vector.bitcast %get3A_2486 : vector<16xf32> to vector<16xi32>
        %shift_right_logical3A_2503 = arith.constant 16 : i32
        %shift_right_logical3A_2504 = vector.broadcast %shift_right_logical3A_2503 : i32 to vector<16xi32>
        %shift_right_logical3A_2505 = arith.shrui %bitcast3A_2502, %shift_right_logical3A_2504 : vector<16xi32>
        %and3A_2506 = arith.constant 1 : i32
        %and3A_2507 = vector.broadcast %and3A_2506 : i32 to vector<16xi32>
        %and3A_2508 = arith.andi %shift_right_logical3A_2505, %and3A_2507 : vector<16xi32>
        %add3A_2509 = arith.constant 32767 : i32
        %add3A_2510 = vector.broadcast %add3A_2509 : i32 to vector<16xi32>
        %add3A_2511 = arith.addi %bitcast3A_2502, %add3A_2510 : vector<16xi32>
        %add3A_2512 = arith.addi %add3A_2511, %and3A_2508 : vector<16xi32>
        %and3A_2513 = arith.constant -65536 : i32
        %and3A_2514 = vector.broadcast %and3A_2513 : i32 to vector<16xi32>
        %and3A_2515 = arith.andi %add3A_2512, %and3A_2514 : vector<16xi32>
        %bitcast3A_2516 = vector.bitcast %and3A_2515 : vector<16xi32> to vector<16xf32>
        %mul3A_2517 = arith.mulf %bitcast3A_26, %bitcast3A_2501 : vector<16xf32>
        %mul3A_2518 = arith.mulf %bitcast3A_41, %bitcast3A_2516 : vector<16xf32>
        %add3A_2519 = arith.addf %mul3A_2517, %mul3A_2518 : vector<16xf32>
        %get3A_2520 = arith.index_cast %add3A_2480 : i32 to index
        %get3A_2521 = arith.constant 32 : index
        %get3A_2522 = tpu.vector_load %arg5[%get3A_2520, %get3A_2521] {strides = array<i32>} : memref<256x128xf32, #tpu.memory_space<vmem>>, vector<16xf32>,
        %get3A_2523 = arith.index_cast %add3A_2480 : i32 to index
        %get3A_2524 = arith.constant 48 : index
        %get3A_2525 = tpu.vector_load %arg5[%get3A_2523, %get3A_2524] {strides = array<i32>} : memref<256x128xf32, #tpu.memory_space<vmem>>, vector<16xf32>,
        %bitcast3A_2526 = vector.bitcast %get3A_2522 : vector<16xf32> to vector<16xi32>
        %shift_right_logical3A_2527 = arith.constant 16 : i32
        %shift_right_logical3A_2528 = vector.broadcast %shift_right_logical3A_2527 : i32 to vector<16xi32>
        %shift_right_logical3A_2529 = arith.shrui %bitcast3A_2526, %shift_right_logical3A_2528 : vector<16xi32>
        %and3A_2530 = arith.constant 1 : i32
        %and3A_2531 = vector.broadcast %and3A_2530 : i32 to vector<16xi32>
        %and3A_2532 = arith.andi %shift_right_logical3A_2529, %and3A_2531 : vector<16xi32>
        %add3A_2533 = arith.constant 32767 : i32
        %add3A_2534 = vector.broadcast %add3A_2533 : i32 to vector<16xi32>
        %add3A_2535 = arith.addi %bitcast3A_2526, %add3A_2534 : vector<16xi32>
        %add3A_2536 = arith.addi %add3A_2535, %and3A_2532 : vector<16xi32>
        %and3A_2537 = arith.constant -65536 : i32
        %and3A_2538 = vector.broadcast %and3A_2537 : i32 to vector<16xi32>
        %and3A_2539 = arith.andi %add3A_2536, %and3A_2538 : vector<16xi32>
        %bitcast3A_2540 = vector.bitcast %and3A_2539 : vector<16xi32> to vector<16xf32>
        %bitcast3A_2541 = vector.bitcast %get3A_2525 : vector<16xf32> to vector<16xi32>
        %shift_right_logical3A_2542 = arith.constant 16 : i32
        %shift_right_logical3A_2543 = vector.broadcast %shift_right_logical3A_2542 : i32 to vector<16xi32>
        %shift_right_logical3A_2544 = arith.shrui %bitcast3A_2541, %shift_right_logical3A_2543 : vector<16xi32>
        %and3A_2545 = arith.constant 1 : i32
        %and3A_2546 = vector.broadcast %and3A_2545 : i32 to vector<16xi32>
        %and3A_2547 = arith.andi %shift_right_logical3A_2544, %and3A_2546 : vector<16xi32>
        %add3A_2548 = arith.constant 32767 : i32
        %add3A_2549 = vector.broadcast %add3A_2548 : i32 to vector<16xi32>
        %add3A_2550 = arith.addi %bitcast3A_2541, %add3A_2549 : vector<16xi32>
        %add3A_2551 = arith.addi %add3A_2550, %and3A_2547 : vector<16xi32>
        %and3A_2552 = arith.constant -65536 : i32
        %and3A_2553 = vector.broadcast %and3A_2552 : i32 to vector<16xi32>
        %and3A_2554 = arith.andi %add3A_2551, %and3A_2553 : vector<16xi32>
        %bitcast3A_2555 = vector.bitcast %and3A_2554 : vector<16xi32> to vector<16xf32>
        %mul3A_2556 = arith.mulf %bitcast3A_60, %bitcast3A_2540 : vector<16xf32>
        %mul3A_2557 = arith.mulf %bitcast3A_75, %bitcast3A_2555 : vector<16xf32>
        %add3A_2558 = arith.addf %mul3A_2556, %mul3A_2557 : vector<16xf32>
        %add3A_2559 = arith.addf %add3A_2519, %add3A_2558 : vector<16xf32>
        %get3A_2560 = arith.index_cast %add3A_2480 : i32 to index
        %get3A_2561 = arith.constant 64 : index
        %get3A_2562 = tpu.vector_load %arg5[%get3A_2560, %get3A_2561] {strides = array<i32>} : memref<256x128xf32, #tpu.memory_space<vmem>>, vector<16xf32>,
        %get3A_2563 = arith.index_cast %add3A_2480 : i32 to index
        %get3A_2564 = arith.constant 80 : index
        %get3A_2565 = tpu.vector_load %arg5[%get3A_2563, %get3A_2564] {strides = array<i32>} : memref<256x128xf32, #tpu.memory_space<vmem>>, vector<16xf32>,
        %bitcast3A_2566 = vector.bitcast %get3A_2562 : vector<16xf32> to vector<16xi32>
        %shift_right_logical3A_2567 = arith.constant 16 : i32
        %shift_right_logical3A_2568 = vector.broadcast %shift_right_logical3A_2567 : i32 to vector<16xi32>
        %shift_right_logical3A_2569 = arith.shrui %bitcast3A_2566, %shift_right_logical3A_2568 : vector<16xi32>
        %and3A_2570 = arith.constant 1 : i32
        %and3A_2571 = vector.broadcast %and3A_2570 : i32 to vector<16xi32>
        %and3A_2572 = arith.andi %shift_right_logical3A_2569, %and3A_2571 : vector<16xi32>
        %add3A_2573 = arith.constant 32767 : i32
        %add3A_2574 = vector.broadcast %add3A_2573 : i32 to vector<16xi32>
        %add3A_2575 = arith.addi %bitcast3A_2566, %add3A_2574 : vector<16xi32>
        %add3A_2576 = arith.addi %add3A_2575, %and3A_2572 : vector<16xi32>
        %and3A_2577 = arith.constant -65536 : i32
        %and3A_2578 = vector.broadcast %and3A_2577 : i32 to vector<16xi32>
        %and3A_2579 = arith.andi %add3A_2576, %and3A_2578 : vector<16xi32>
        %bitcast3A_2580 = vector.bitcast %and3A_2579 : vector<16xi32> to vector<16xf32>
        %bitcast3A_2581 = vector.bitcast %get3A_2565 : vector<16xf32> to vector<16xi32>
        %shift_right_logical3A_2582 = arith.constant 16 : i32
        %shift_right_logical3A_2583 = vector.broadcast %shift_right_logical3A_2582 : i32 to vector<16xi32>
        %shift_right_logical3A_2584 = arith.shrui %bitcast3A_2581, %shift_right_logical3A_2583 : vector<16xi32>
        %and3A_2585 = arith.constant 1 : i32
        %and3A_2586 = vector.broadcast %and3A_2585 : i32 to vector<16xi32>
        %and3A_2587 = arith.andi %shift_right_logical3A_2584, %and3A_2586 : vector<16xi32>
        %add3A_2588 = arith.constant 32767 : i32
        %add3A_2589 = vector.broadcast %add3A_2588 : i32 to vector<16xi32>
        %add3A_2590 = arith.addi %bitcast3A_2581, %add3A_2589 : vector<16xi32>
        %add3A_2591 = arith.addi %add3A_2590, %and3A_2587 : vector<16xi32>
        %and3A_2592 = arith.constant -65536 : i32
        %and3A_2593 = vector.broadcast %and3A_2592 : i32 to vector<16xi32>
        %and3A_2594 = arith.andi %add3A_2591, %and3A_2593 : vector<16xi32>
        %bitcast3A_2595 = vector.bitcast %and3A_2594 : vector<16xi32> to vector<16xf32>
        %mul3A_2596 = arith.mulf %bitcast3A_94, %bitcast3A_2580 : vector<16xf32>
        %mul3A_2597 = arith.mulf %bitcast3A_109, %bitcast3A_2595 : vector<16xf32>
        %add3A_2598 = arith.addf %mul3A_2596, %mul3A_2597 : vector<16xf32>
        %add3A_2599 = arith.addf %add3A_2559, %add3A_2598 : vector<16xf32>
        %get3A_2600 = arith.index_cast %add3A_2480 : i32 to index
        %get3A_2601 = arith.constant 96 : index
        %get3A_2602 = tpu.vector_load %arg5[%get3A_2600, %get3A_2601] {strides = array<i32>} : memref<256x128xf32, #tpu.memory_space<vmem>>, vector<16xf32>,
        %get3A_2603 = arith.index_cast %add3A_2480 : i32 to index
        %get3A_2604 = arith.constant 112 : index
        %get3A_2605 = tpu.vector_load %arg5[%get3A_2603, %get3A_2604] {strides = array<i32>} : memref<256x128xf32, #tpu.memory_space<vmem>>, vector<16xf32>,
        %bitcast3A_2606 = vector.bitcast %get3A_2602 : vector<16xf32> to vector<16xi32>
        %shift_right_logical3A_2607 = arith.constant 16 : i32
        %shift_right_logical3A_2608 = vector.broadcast %shift_right_logical3A_2607 : i32 to vector<16xi32>
        %shift_right_logical3A_2609 = arith.shrui %bitcast3A_2606, %shift_right_logical3A_2608 : vector<16xi32>
        %and3A_2610 = arith.constant 1 : i32
        %and3A_2611 = vector.broadcast %and3A_2610 : i32 to vector<16xi32>
        %and3A_2612 = arith.andi %shift_right_logical3A_2609, %and3A_2611 : vector<16xi32>
        %add3A_2613 = arith.constant 32767 : i32
        %add3A_2614 = vector.broadcast %add3A_2613 : i32 to vector<16xi32>
        %add3A_2615 = arith.addi %bitcast3A_2606, %add3A_2614 : vector<16xi32>
        %add3A_2616 = arith.addi %add3A_2615, %and3A_2612 : vector<16xi32>
        %and3A_2617 = arith.constant -65536 : i32
        %and3A_2618 = vector.broadcast %and3A_2617 : i32 to vector<16xi32>
        %and3A_2619 = arith.andi %add3A_2616, %and3A_2618 : vector<16xi32>
        %bitcast3A_2620 = vector.bitcast %and3A_2619 : vector<16xi32> to vector<16xf32>
        %bitcast3A_2621 = vector.bitcast %get3A_2605 : vector<16xf32> to vector<16xi32>
        %shift_right_logical3A_2622 = arith.constant 16 : i32
        %shift_right_logical3A_2623 = vector.broadcast %shift_right_logical3A_2622 : i32 to vector<16xi32>
        %shift_right_logical3A_2624 = arith.shrui %bitcast3A_2621, %shift_right_logical3A_2623 : vector<16xi32>
        %and3A_2625 = arith.constant 1 : i32
        %and3A_2626 = vector.broadcast %and3A_2625 : i32 to vector<16xi32>
        %and3A_2627 = arith.andi %shift_right_logical3A_2624, %and3A_2626 : vector<16xi32>
        %add3A_2628 = arith.constant 32767 : i32
        %add3A_2629 = vector.broadcast %add3A_2628 : i32 to vector<16xi32>
        %add3A_2630 = arith.addi %bitcast3A_2621, %add3A_2629 : vector<16xi32>
        %add3A_2631 = arith.addi %add3A_2630, %and3A_2627 : vector<16xi32>
        %and3A_2632 = arith.constant -65536 : i32
        %and3A_2633 = vector.broadcast %and3A_2632 : i32 to vector<16xi32>
        %and3A_2634 = arith.andi %add3A_2631, %and3A_2633 : vector<16xi32>
        %bitcast3A_2635 = vector.bitcast %and3A_2634 : vector<16xi32> to vector<16xf32>
        %mul3A_2636 = arith.mulf %bitcast3A_128, %bitcast3A_2620 : vector<16xf32>
        %mul3A_2637 = arith.mulf %bitcast3A_143, %bitcast3A_2635 : vector<16xf32>
        %add3A_2638 = arith.addf %mul3A_2636, %mul3A_2637 : vector<16xf32>
        %add3A_2639 = arith.addf %add3A_2599, %add3A_2638 : vector<16xf32>
        %swap3A_2640 = arith.constant 14 : i32
        %swap3A_2641 = arith.index_cast %swap3A_2640 : i32 to index
        %swap3A_2642 = arith.constant 0 : index
        %swap3A_2643 = tpu.vector_load %arg9[%swap3A_2641, %swap3A_2642] {strides = array<i32>} : memref<16x16xf32, #tpu.memory_space<vmem>>, vector<16xf32>,
        tpu.vector_store %arg9[%swap3A_2641, %swap3A_2642], %add3A_2639 {strides = array<i32>} : memref<16x16xf32, #tpu.memory_space<vmem>>, vector<16xf32>,
        %add3A_2644 = arith.constant 15 : i32
        %add3A_2645 = arith.addi %mul3A_169, %add3A_2644 : i32
        %get3A_2646 = arith.index_cast %add3A_2645 : i32 to index
        %get3A_2647 = arith.constant 0 : index
        %get3A_2648 = tpu.vector_load %arg5[%get3A_2646, %get3A_2647] {strides = array<i32>} : memref<256x128xf32, #tpu.memory_space<vmem>>, vector<16xf32>,
        %get3A_2649 = arith.index_cast %add3A_2645 : i32 to index
        %get3A_2650 = arith.constant 16 : index
        %get3A_2651 = tpu.vector_load %arg5[%get3A_2649, %get3A_2650] {strides = array<i32>} : memref<256x128xf32, #tpu.memory_space<vmem>>, vector<16xf32>,
        %bitcast3A_2652 = vector.bitcast %get3A_2648 : vector<16xf32> to vector<16xi32>
        %shift_right_logical3A_2653 = arith.constant 16 : i32
        %shift_right_logical3A_2654 = vector.broadcast %shift_right_logical3A_2653 : i32 to vector<16xi32>
        %shift_right_logical3A_2655 = arith.shrui %bitcast3A_2652, %shift_right_logical3A_2654 : vector<16xi32>
        %and3A_2656 = arith.constant 1 : i32
        %and3A_2657 = vector.broadcast %and3A_2656 : i32 to vector<16xi32>
        %and3A_2658 = arith.andi %shift_right_logical3A_2655, %and3A_2657 : vector<16xi32>
        %add3A_2659 = arith.constant 32767 : i32
        %add3A_2660 = vector.broadcast %add3A_2659 : i32 to vector<16xi32>
        %add3A_2661 = arith.addi %bitcast3A_2652, %add3A_2660 : vector<16xi32>
        %add3A_2662 = arith.addi %add3A_2661, %and3A_2658 : vector<16xi32>
        %and3A_2663 = arith.constant -65536 : i32
        %and3A_2664 = vector.broadcast %and3A_2663 : i32 to vector<16xi32>
        %and3A_2665 = arith.andi %add3A_2662, %and3A_2664 : vector<16xi32>
        %bitcast3A_2666 = vector.bitcast %and3A_2665 : vector<16xi32> to vector<16xf32>
        %bitcast3A_2667 = vector.bitcast %get3A_2651 : vector<16xf32> to vector<16xi32>
        %shift_right_logical3A_2668 = arith.constant 16 : i32
        %shift_right_logical3A_2669 = vector.broadcast %shift_right_logical3A_2668 : i32 to vector<16xi32>
        %shift_right_logical3A_2670 = arith.shrui %bitcast3A_2667, %shift_right_logical3A_2669 : vector<16xi32>
        %and3A_2671 = arith.constant 1 : i32
        %and3A_2672 = vector.broadcast %and3A_2671 : i32 to vector<16xi32>
        %and3A_2673 = arith.andi %shift_right_logical3A_2670, %and3A_2672 : vector<16xi32>
        %add3A_2674 = arith.constant 32767 : i32
        %add3A_2675 = vector.broadcast %add3A_2674 : i32 to vector<16xi32>
        %add3A_2676 = arith.addi %bitcast3A_2667, %add3A_2675 : vector<16xi32>
        %add3A_2677 = arith.addi %add3A_2676, %and3A_2673 : vector<16xi32>
        %and3A_2678 = arith.constant -65536 : i32
        %and3A_2679 = vector.broadcast %and3A_2678 : i32 to vector<16xi32>
        %and3A_2680 = arith.andi %add3A_2677, %and3A_2679 : vector<16xi32>
        %bitcast3A_2681 = vector.bitcast %and3A_2680 : vector<16xi32> to vector<16xf32>
        %mul3A_2682 = arith.mulf %bitcast3A_26, %bitcast3A_2666 : vector<16xf32>
        %mul3A_2683 = arith.mulf %bitcast3A_41, %bitcast3A_2681 : vector<16xf32>
        %add3A_2684 = arith.addf %mul3A_2682, %mul3A_2683 : vector<16xf32>
        %get3A_2685 = arith.index_cast %add3A_2645 : i32 to index
        %get3A_2686 = arith.constant 32 : index
        %get3A_2687 = tpu.vector_load %arg5[%get3A_2685, %get3A_2686] {strides = array<i32>} : memref<256x128xf32, #tpu.memory_space<vmem>>, vector<16xf32>,
        %get3A_2688 = arith.index_cast %add3A_2645 : i32 to index
        %get3A_2689 = arith.constant 48 : index
        %get3A_2690 = tpu.vector_load %arg5[%get3A_2688, %get3A_2689] {strides = array<i32>} : memref<256x128xf32, #tpu.memory_space<vmem>>, vector<16xf32>,
        %bitcast3A_2691 = vector.bitcast %get3A_2687 : vector<16xf32> to vector<16xi32>
        %shift_right_logical3A_2692 = arith.constant 16 : i32
        %shift_right_logical3A_2693 = vector.broadcast %shift_right_logical3A_2692 : i32 to vector<16xi32>
        %shift_right_logical3A_2694 = arith.shrui %bitcast3A_2691, %shift_right_logical3A_2693 : vector<16xi32>
        %and3A_2695 = arith.constant 1 : i32
        %and3A_2696 = vector.broadcast %and3A_2695 : i32 to vector<16xi32>
        %and3A_2697 = arith.andi %shift_right_logical3A_2694, %and3A_2696 : vector<16xi32>
        %add3A_2698 = arith.constant 32767 : i32
        %add3A_2699 = vector.broadcast %add3A_2698 : i32 to vector<16xi32>
        %add3A_2700 = arith.addi %bitcast3A_2691, %add3A_2699 : vector<16xi32>
        %add3A_2701 = arith.addi %add3A_2700, %and3A_2697 : vector<16xi32>
        %and3A_2702 = arith.constant -65536 : i32
        %and3A_2703 = vector.broadcast %and3A_2702 : i32 to vector<16xi32>
        %and3A_2704 = arith.andi %add3A_2701, %and3A_2703 : vector<16xi32>
        %bitcast3A_2705 = vector.bitcast %and3A_2704 : vector<16xi32> to vector<16xf32>
        %bitcast3A_2706 = vector.bitcast %get3A_2690 : vector<16xf32> to vector<16xi32>
        %shift_right_logical3A_2707 = arith.constant 16 : i32
        %shift_right_logical3A_2708 = vector.broadcast %shift_right_logical3A_2707 : i32 to vector<16xi32>
        %shift_right_logical3A_2709 = arith.shrui %bitcast3A_2706, %shift_right_logical3A_2708 : vector<16xi32>
        %and3A_2710 = arith.constant 1 : i32
        %and3A_2711 = vector.broadcast %and3A_2710 : i32 to vector<16xi32>
        %and3A_2712 = arith.andi %shift_right_logical3A_2709, %and3A_2711 : vector<16xi32>
        %add3A_2713 = arith.constant 32767 : i32
        %add3A_2714 = vector.broadcast %add3A_2713 : i32 to vector<16xi32>
        %add3A_2715 = arith.addi %bitcast3A_2706, %add3A_2714 : vector<16xi32>
        %add3A_2716 = arith.addi %add3A_2715, %and3A_2712 : vector<16xi32>
        %and3A_2717 = arith.constant -65536 : i32
        %and3A_2718 = vector.broadcast %and3A_2717 : i32 to vector<16xi32>
        %and3A_2719 = arith.andi %add3A_2716, %and3A_2718 : vector<16xi32>
        %bitcast3A_2720 = vector.bitcast %and3A_2719 : vector<16xi32> to vector<16xf32>
        %mul3A_2721 = arith.mulf %bitcast3A_60, %bitcast3A_2705 : vector<16xf32>
        %mul3A_2722 = arith.mulf %bitcast3A_75, %bitcast3A_2720 : vector<16xf32>
        %add3A_2723 = arith.addf %mul3A_2721, %mul3A_2722 : vector<16xf32>
        %add3A_2724 = arith.addf %add3A_2684, %add3A_2723 : vector<16xf32>
        %get3A_2725 = arith.index_cast %add3A_2645 : i32 to index
        %get3A_2726 = arith.constant 64 : index
        %get3A_2727 = tpu.vector_load %arg5[%get3A_2725, %get3A_2726] {strides = array<i32>} : memref<256x128xf32, #tpu.memory_space<vmem>>, vector<16xf32>,
        %get3A_2728 = arith.index_cast %add3A_2645 : i32 to index
        %get3A_2729 = arith.constant 80 : index
        %get3A_2730 = tpu.vector_load %arg5[%get3A_2728, %get3A_2729] {strides = array<i32>} : memref<256x128xf32, #tpu.memory_space<vmem>>, vector<16xf32>,
        %bitcast3A_2731 = vector.bitcast %get3A_2727 : vector<16xf32> to vector<16xi32>
        %shift_right_logical3A_2732 = arith.constant 16 : i32
        %shift_right_logical3A_2733 = vector.broadcast %shift_right_logical3A_2732 : i32 to vector<16xi32>
        %shift_right_logical3A_2734 = arith.shrui %bitcast3A_2731, %shift_right_logical3A_2733 : vector<16xi32>
        %and3A_2735 = arith.constant 1 : i32
        %and3A_2736 = vector.broadcast %and3A_2735 : i32 to vector<16xi32>
        %and3A_2737 = arith.andi %shift_right_logical3A_2734, %and3A_2736 : vector<16xi32>
        %add3A_2738 = arith.constant 32767 : i32
        %add3A_2739 = vector.broadcast %add3A_2738 : i32 to vector<16xi32>
        %add3A_2740 = arith.addi %bitcast3A_2731, %add3A_2739 : vector<16xi32>
        %add3A_2741 = arith.addi %add3A_2740, %and3A_2737 : vector<16xi32>
        %and3A_2742 = arith.constant -65536 : i32
        %and3A_2743 = vector.broadcast %and3A_2742 : i32 to vector<16xi32>
        %and3A_2744 = arith.andi %add3A_2741, %and3A_2743 : vector<16xi32>
        %bitcast3A_2745 = vector.bitcast %and3A_2744 : vector<16xi32> to vector<16xf32>
        %bitcast3A_2746 = vector.bitcast %get3A_2730 : vector<16xf32> to vector<16xi32>
        %shift_right_logical3A_2747 = arith.constant 16 : i32
        %shift_right_logical3A_2748 = vector.broadcast %shift_right_logical3A_2747 : i32 to vector<16xi32>
        %shift_right_logical3A_2749 = arith.shrui %bitcast3A_2746, %shift_right_logical3A_2748 : vector<16xi32>
        %and3A_2750 = arith.constant 1 : i32
        %and3A_2751 = vector.broadcast %and3A_2750 : i32 to vector<16xi32>
        %and3A_2752 = arith.andi %shift_right_logical3A_2749, %and3A_2751 : vector<16xi32>
        %add3A_2753 = arith.constant 32767 : i32
        %add3A_2754 = vector.broadcast %add3A_2753 : i32 to vector<16xi32>
        %add3A_2755 = arith.addi %bitcast3A_2746, %add3A_2754 : vector<16xi32>
        %add3A_2756 = arith.addi %add3A_2755, %and3A_2752 : vector<16xi32>
        %and3A_2757 = arith.constant -65536 : i32
        %and3A_2758 = vector.broadcast %and3A_2757 : i32 to vector<16xi32>
        %and3A_2759 = arith.andi %add3A_2756, %and3A_2758 : vector<16xi32>
        %bitcast3A_2760 = vector.bitcast %and3A_2759 : vector<16xi32> to vector<16xf32>
        %mul3A_2761 = arith.mulf %bitcast3A_94, %bitcast3A_2745 : vector<16xf32>
        %mul3A_2762 = arith.mulf %bitcast3A_109, %bitcast3A_2760 : vector<16xf32>
        %add3A_2763 = arith.addf %mul3A_2761, %mul3A_2762 : vector<16xf32>
        %add3A_2764 = arith.addf %add3A_2724, %add3A_2763 : vector<16xf32>
        %get3A_2765 = arith.index_cast %add3A_2645 : i32 to index
        %get3A_2766 = arith.constant 96 : index
        %get3A_2767 = tpu.vector_load %arg5[%get3A_2765, %get3A_2766] {strides = array<i32>} : memref<256x128xf32, #tpu.memory_space<vmem>>, vector<16xf32>,
        %get3A_2768 = arith.index_cast %add3A_2645 : i32 to index
        %get3A_2769 = arith.constant 112 : index
        %get3A_2770 = tpu.vector_load %arg5[%get3A_2768, %get3A_2769] {strides = array<i32>} : memref<256x128xf32, #tpu.memory_space<vmem>>, vector<16xf32>,
        %bitcast3A_2771 = vector.bitcast %get3A_2767 : vector<16xf32> to vector<16xi32>
        %shift_right_logical3A_2772 = arith.constant 16 : i32
        %shift_right_logical3A_2773 = vector.broadcast %shift_right_logical3A_2772 : i32 to vector<16xi32>
        %shift_right_logical3A_2774 = arith.shrui %bitcast3A_2771, %shift_right_logical3A_2773 : vector<16xi32>
        %and3A_2775 = arith.constant 1 : i32
        %and3A_2776 = vector.broadcast %and3A_2775 : i32 to vector<16xi32>
        %and3A_2777 = arith.andi %shift_right_logical3A_2774, %and3A_2776 : vector<16xi32>
        %add3A_2778 = arith.constant 32767 : i32
        %add3A_2779 = vector.broadcast %add3A_2778 : i32 to vector<16xi32>
        %add3A_2780 = arith.addi %bitcast3A_2771, %add3A_2779 : vector<16xi32>
        %add3A_2781 = arith.addi %add3A_2780, %and3A_2777 : vector<16xi32>
        %and3A_2782 = arith.constant -65536 : i32
        %and3A_2783 = vector.broadcast %and3A_2782 : i32 to vector<16xi32>
        %and3A_2784 = arith.andi %add3A_2781, %and3A_2783 : vector<16xi32>
        %bitcast3A_2785 = vector.bitcast %and3A_2784 : vector<16xi32> to vector<16xf32>
        %bitcast3A_2786 = vector.bitcast %get3A_2770 : vector<16xf32> to vector<16xi32>
        %shift_right_logical3A_2787 = arith.constant 16 : i32
        %shift_right_logical3A_2788 = vector.broadcast %shift_right_logical3A_2787 : i32 to vector<16xi32>
        %shift_right_logical3A_2789 = arith.shrui %bitcast3A_2786, %shift_right_logical3A_2788 : vector<16xi32>
        %and3A_2790 = arith.constant 1 : i32
        %and3A_2791 = vector.broadcast %and3A_2790 : i32 to vector<16xi32>
        %and3A_2792 = arith.andi %shift_right_logical3A_2789, %and3A_2791 : vector<16xi32>
        %add3A_2793 = arith.constant 32767 : i32
        %add3A_2794 = vector.broadcast %add3A_2793 : i32 to vector<16xi32>
        %add3A_2795 = arith.addi %bitcast3A_2786, %add3A_2794 : vector<16xi32>
        %add3A_2796 = arith.addi %add3A_2795, %and3A_2792 : vector<16xi32>
        %and3A_2797 = arith.constant -65536 : i32
        %and3A_2798 = vector.broadcast %and3A_2797 : i32 to vector<16xi32>
        %and3A_2799 = arith.andi %add3A_2796, %and3A_2798 : vector<16xi32>
        %bitcast3A_2800 = vector.bitcast %and3A_2799 : vector<16xi32> to vector<16xf32>
        %mul3A_2801 = arith.mulf %bitcast3A_128, %bitcast3A_2785 : vector<16xf32>
        %mul3A_2802 = arith.mulf %bitcast3A_143, %bitcast3A_2800 : vector<16xf32>
        %add3A_2803 = arith.addf %mul3A_2801, %mul3A_2802 : vector<16xf32>
        %add3A_2804 = arith.addf %add3A_2764, %add3A_2803 : vector<16xf32>
        %swap3A_2805 = arith.constant 15 : i32
        %swap3A_2806 = arith.index_cast %swap3A_2805 : i32 to index
        %swap3A_2807 = arith.constant 0 : index
        %swap3A_2808 = tpu.vector_load %arg9[%swap3A_2806, %swap3A_2807] {strides = array<i32>} : memref<16x16xf32, #tpu.memory_space<vmem>>, vector<16xf32>,
        tpu.vector_store %arg9[%swap3A_2806, %swap3A_2807], %add3A_2804 {strides = array<i32>} : memref<16x16xf32, #tpu.memory_space<vmem>>, vector<16xf32>,
        %broadcast_in_dim3A = arith.constant 0 : i32
        %broadcast_in_dim3A_2809 = vector.broadcast %broadcast_in_dim3A : i32 to vector<16xi32>
        %gather3A = tpu.vector_load_idx %arg9[%iota3A, %broadcast_in_dim3A_2809] : memref<16x16xf32, #tpu.memory_space<vmem>>[vector<16xi32>, vector<16xi32>], vector<16xf32>,
        %broadcast_in_dim3A_2810 = arith.constant 1 : i32
        %broadcast_in_dim3A_2811 = vector.broadcast %broadcast_in_dim3A_2810 : i32 to vector<16xi32>
        %gather3A_2812 = tpu.vector_load_idx %arg9[%iota3A, %broadcast_in_dim3A_2811] : memref<16x16xf32, #tpu.memory_space<vmem>>[vector<16xi32>, vector<16xi32>], vector<16xf32>,
        %add3A_2813 = arith.addf %gather3A, %gather3A_2812 : vector<16xf32>
        %broadcast_in_dim3A_2814 = arith.constant 2 : i32
        %broadcast_in_dim3A_2815 = vector.broadcast %broadcast_in_dim3A_2814 : i32 to vector<16xi32>
        %gather3A_2816 = tpu.vector_load_idx %arg9[%iota3A, %broadcast_in_dim3A_2815] : memref<16x16xf32, #tpu.memory_space<vmem>>[vector<16xi32>, vector<16xi32>], vector<16xf32>,
        %add3A_2817 = arith.addf %add3A_2813, %gather3A_2816 : vector<16xf32>
        %broadcast_in_dim3A_2818 = arith.constant 3 : i32
        %broadcast_in_dim3A_2819 = vector.broadcast %broadcast_in_dim3A_2818 : i32 to vector<16xi32>
        %gather3A_2820 = tpu.vector_load_idx %arg9[%iota3A, %broadcast_in_dim3A_2819] : memref<16x16xf32, #tpu.memory_space<vmem>>[vector<16xi32>, vector<16xi32>], vector<16xf32>,
        %add3A_2821 = arith.addf %add3A_2817, %gather3A_2820 : vector<16xf32>
        %broadcast_in_dim3A_2822 = arith.constant 4 : i32
        %broadcast_in_dim3A_2823 = vector.broadcast %broadcast_in_dim3A_2822 : i32 to vector<16xi32>
        %gather3A_2824 = tpu.vector_load_idx %arg9[%iota3A, %broadcast_in_dim3A_2823] : memref<16x16xf32, #tpu.memory_space<vmem>>[vector<16xi32>, vector<16xi32>], vector<16xf32>,
        %add3A_2825 = arith.addf %add3A_2821, %gather3A_2824 : vector<16xf32>
        %broadcast_in_dim3A_2826 = arith.constant 5 : i32
        %broadcast_in_dim3A_2827 = vector.broadcast %broadcast_in_dim3A_2826 : i32 to vector<16xi32>
        %gather3A_2828 = tpu.vector_load_idx %arg9[%iota3A, %broadcast_in_dim3A_2827] : memref<16x16xf32, #tpu.memory_space<vmem>>[vector<16xi32>, vector<16xi32>], vector<16xf32>,
        %add3A_2829 = arith.addf %add3A_2825, %gather3A_2828 : vector<16xf32>
        %broadcast_in_dim3A_2830 = arith.constant 6 : i32
        %broadcast_in_dim3A_2831 = vector.broadcast %broadcast_in_dim3A_2830 : i32 to vector<16xi32>
        %gather3A_2832 = tpu.vector_load_idx %arg9[%iota3A, %broadcast_in_dim3A_2831] : memref<16x16xf32, #tpu.memory_space<vmem>>[vector<16xi32>, vector<16xi32>], vector<16xf32>,
        %add3A_2833 = arith.addf %add3A_2829, %gather3A_2832 : vector<16xf32>
        %broadcast_in_dim3A_2834 = arith.constant 7 : i32
        %broadcast_in_dim3A_2835 = vector.broadcast %broadcast_in_dim3A_2834 : i32 to vector<16xi32>
        %gather3A_2836 = tpu.vector_load_idx %arg9[%iota3A, %broadcast_in_dim3A_2835] : memref<16x16xf32, #tpu.memory_space<vmem>>[vector<16xi32>, vector<16xi32>], vector<16xf32>,
        %add3A_2837 = arith.addf %add3A_2833, %gather3A_2836 : vector<16xf32>
        %broadcast_in_dim3A_2838 = arith.constant 8 : i32
        %broadcast_in_dim3A_2839 = vector.broadcast %broadcast_in_dim3A_2838 : i32 to vector<16xi32>
        %gather3A_2840 = tpu.vector_load_idx %arg9[%iota3A, %broadcast_in_dim3A_2839] : memref<16x16xf32, #tpu.memory_space<vmem>>[vector<16xi32>, vector<16xi32>], vector<16xf32>,
        %add3A_2841 = arith.addf %add3A_2837, %gather3A_2840 : vector<16xf32>
        %broadcast_in_dim3A_2842 = arith.constant 9 : i32
        %broadcast_in_dim3A_2843 = vector.broadcast %broadcast_in_dim3A_2842 : i32 to vector<16xi32>
        %gather3A_2844 = tpu.vector_load_idx %arg9[%iota3A, %broadcast_in_dim3A_2843] : memref<16x16xf32, #tpu.memory_space<vmem>>[vector<16xi32>, vector<16xi32>], vector<16xf32>,
        %add3A_2845 = arith.addf %add3A_2841, %gather3A_2844 : vector<16xf32>
        %broadcast_in_dim3A_2846 = arith.constant 10 : i32
        %broadcast_in_dim3A_2847 = vector.broadcast %broadcast_in_dim3A_2846 : i32 to vector<16xi32>
        %gather3A_2848 = tpu.vector_load_idx %arg9[%iota3A, %broadcast_in_dim3A_2847] : memref<16x16xf32, #tpu.memory_space<vmem>>[vector<16xi32>, vector<16xi32>], vector<16xf32>,
        %add3A_2849 = arith.addf %add3A_2845, %gather3A_2848 : vector<16xf32>
        %broadcast_in_dim3A_2850 = arith.constant 11 : i32
        %broadcast_in_dim3A_2851 = vector.broadcast %broadcast_in_dim3A_2850 : i32 to vector<16xi32>
        %gather3A_2852 = tpu.vector_load_idx %arg9[%iota3A, %broadcast_in_dim3A_2851] : memref<16x16xf32, #tpu.memory_space<vmem>>[vector<16xi32>, vector<16xi32>], vector<16xf32>,
        %add3A_2853 = arith.addf %add3A_2849, %gather3A_2852 : vector<16xf32>
        %broadcast_in_dim3A_2854 = arith.constant 12 : i32
        %broadcast_in_dim3A_2855 = vector.broadcast %broadcast_in_dim3A_2854 : i32 to vector<16xi32>
        %gather3A_2856 = tpu.vector_load_idx %arg9[%iota3A, %broadcast_in_dim3A_2855] : memref<16x16xf32, #tpu.memory_space<vmem>>[vector<16xi32>, vector<16xi32>], vector<16xf32>,
        %add3A_2857 = arith.addf %add3A_2853, %gather3A_2856 : vector<16xf32>
        %broadcast_in_dim3A_2858 = arith.constant 13 : i32
        %broadcast_in_dim3A_2859 = vector.broadcast %broadcast_in_dim3A_2858 : i32 to vector<16xi32>
        %gather3A_2860 = tpu.vector_load_idx %arg9[%iota3A, %broadcast_in_dim3A_2859] : memref<16x16xf32, #tpu.memory_space<vmem>>[vector<16xi32>, vector<16xi32>], vector<16xf32>,
        %add3A_2861 = arith.addf %add3A_2857, %gather3A_2860 : vector<16xf32>
        %broadcast_in_dim3A_2862 = arith.constant 14 : i32
        %broadcast_in_dim3A_2863 = vector.broadcast %broadcast_in_dim3A_2862 : i32 to vector<16xi32>
        %gather3A_2864 = tpu.vector_load_idx %arg9[%iota3A, %broadcast_in_dim3A_2863] : memref<16x16xf32, #tpu.memory_space<vmem>>[vector<16xi32>, vector<16xi32>], vector<16xf32>,
        %add3A_2865 = arith.addf %add3A_2861, %gather3A_2864 : vector<16xf32>
        %broadcast_in_dim3A_2866 = arith.constant 15 : i32
        %broadcast_in_dim3A_2867 = vector.broadcast %broadcast_in_dim3A_2866 : i32 to vector<16xi32>
        %gather3A_2868 = tpu.vector_load_idx %arg9[%iota3A, %broadcast_in_dim3A_2867] : memref<16x16xf32, #tpu.memory_space<vmem>>[vector<16xi32>, vector<16xi32>], vector<16xf32>,
        %add3A_2869 = arith.addf %add3A_2865, %gather3A_2868 : vector<16xf32>
        %add3A_2870 = arith.constant 0 : i32
        %add3A_2871 = arith.addi %add3A_2870, %mul3A_169 : i32
        %swap3A_2872 = arith.index_cast %add3A_2871 : i32 to index
        %swap3A_2873 = tpu.vector_load %arg8[%swap3A_2872] {strides = array<i32>} : memref<256xf32, #tpu.memory_space<vmem>>, vector<16xf32>,
        tpu.vector_store %arg8[%swap3A_2872], %add3A_2869 {strides = array<i32>} : memref<256xf32, #tpu.memory_space<vmem>>, vector<16xf32>,
        %scan3A_2874 = arith.constant 0 : i32
        scf.yield %scan3A_2874 : i32
      }
      %scan3A_164 = arith.constant 16 : i32
      "tpu.region"() ({
        %run_scoped3A = tpu.sem_alloc : memref<!tpu.dma_semaphore, #tpu.memory_space<semaphore_mem>>
        %dma_start3A_166 = arith.constant 0 : i32
        %dma_start3A_167 = tpu.memref_slice %arg4[%add3A_11, %dma_start3A_166] : memref<64x256xf32, #tpu.memory_space<hbm>> -> memref<1x256xf32, #tpu.memory_space<hbm>>
        %dma_start3A_168 = tpu.memref_squeeze %dma_start3A_167 : memref<1x256xf32, #tpu.memory_space<hbm>> -> memref<256xf32, #tpu.memory_space<hbm>>
        %dma_start3A_169 = arith.constant 0 : i32
        %dma_start3A_170 = tpu.memref_slice %arg4[%add3A_11, %dma_start3A_169] : memref<64x256xf32, #tpu.memory_space<hbm>> -> memref<1x256xf32, #tpu.memory_space<hbm>>
        %dma_start3A_171 = tpu.memref_squeeze %dma_start3A_170 : memref<1x256xf32, #tpu.memory_space<hbm>> -> memref<256xf32, #tpu.memory_space<hbm>>
        tpu.enqueue_dma source(%arg8 : memref<256xf32, #tpu.memory_space<vmem>>) target(%dma_start3A_171 : memref<256xf32, #tpu.memory_space<hbm>>) target_semaphore(%run_scoped3A : memref<!tpu.dma_semaphore, #tpu.memory_space<semaphore_mem>>)
        %dma_wait3A_172 = arith.constant 0 : i32
        %dma_wait3A_173 = tpu.memref_slice %arg4[%add3A_11, %dma_wait3A_172] : memref<64x256xf32, #tpu.memory_space<hbm>> -> memref<1x256xf32, #tpu.memory_space<hbm>>
        %dma_wait3A_174 = tpu.memref_squeeze %dma_wait3A_173 : memref<1x256xf32, #tpu.memory_space<hbm>> -> memref<256xf32, #tpu.memory_space<hbm>>
        %dma_wait3A_175 = arith.constant 0 : i32
        %dma_wait3A_176 = tpu.memref_slice %arg4[%add3A_11, %dma_wait3A_175] : memref<64x256xf32, #tpu.memory_space<hbm>> -> memref<1x256xf32, #tpu.memory_space<hbm>>
        %dma_wait3A_177 = tpu.memref_squeeze %dma_wait3A_176 : memref<1x256xf32, #tpu.memory_space<hbm>> -> memref<256xf32, #tpu.memory_space<hbm>>
        tpu.wait_dma2 semaphore(%run_scoped3A : memref<!tpu.dma_semaphore, #tpu.memory_space<semaphore_mem>>) src(%arg8 : memref<256xf32, #tpu.memory_space<vmem>>) dst(%dma_wait3A_177 : memref<256xf32, #tpu.memory_space<hbm>>)
        tpu.yield
      }) : () -> ()
      %scan3A_165 = arith.constant 0 : i32
      scf.yield %scan3A_165 : i32
    }
    %scan3A_6 = arith.constant 2 : i32
    return
  }
}

module attributes {stable_mosaic.version = 14 : i64} {
  func.func @_merge_body(%arg0: memref<64x256xf32, #tpu.memory_space<vmem>>, %arg1: memref<64x128xf32, #tpu.memory_space<vmem>>, %arg2: memref<64x128xf32, #tpu.memory_space<vmem>>, %arg3: memref<64x256xf32, #tpu.memory_space<vmem>>, %arg4: memref<64x128xf32, #tpu.memory_space<vmem>>, %arg5: memref<64x128xf32, #tpu.memory_space<vmem>>, %arg6: memref<64x128xi32, #tpu.memory_space<vmem>>) attributes {dimension_semantics = [], scalar_prefetch = 0 : i64, scratch_operands = 0 : i64, tpu.core_type = #tpu.core_type<tc>} {
    %get3A = arith.constant 0 : index
    %get3A_0 = arith.constant 0 : index
    %get3A_1 = vector.load %arg0[%get3A, %get3A_0] : memref<64x256xf32, #tpu.memory_space<vmem>>, vector<64x256xf32>
    %mul3A = arith.constant 1.000000e+00 : f32
    %mul3A_2 = vector.broadcast %mul3A : f32 to vector<64x256xf32>
    %mul3A_3 = arith.mulf %get3A_1, %mul3A_2 : vector<64x256xf32>
    %get3A_4 = arith.constant 0 : index
    %get3A_5 = arith.constant 0 : index
    %get3A_6 = vector.load %arg1[%get3A_4, %get3A_5] : memref<64x128xf32, #tpu.memory_space<vmem>>, vector<64x1xf32>
    %get3A_7 = arith.constant 0 : index
    %get3A_8 = arith.constant 1 : index
    %get3A_9 = vector.load %arg1[%get3A_7, %get3A_8] : memref<64x128xf32, #tpu.memory_space<vmem>>, vector<64x1xf32>
    %get3A_10 = arith.constant 0 : index
    %get3A_11 = arith.constant 2 : index
    %get3A_12 = vector.load %arg1[%get3A_10, %get3A_11] : memref<64x128xf32, #tpu.memory_space<vmem>>, vector<64x1xf32>
    %get3A_13 = arith.constant 0 : index
    %get3A_14 = arith.constant 3 : index
    %get3A_15 = vector.load %arg1[%get3A_13, %get3A_14] : memref<64x128xf32, #tpu.memory_space<vmem>>, vector<64x1xf32>
    %get3A_16 = arith.constant 0 : index
    %get3A_17 = arith.constant 4 : index
    %get3A_18 = vector.load %arg1[%get3A_16, %get3A_17] : memref<64x128xf32, #tpu.memory_space<vmem>>, vector<64x1xf32>
    %convert_element_type3A = arith.fptosi %get3A_18 : vector<64x1xf32> to vector<64x1xi32>
    %get3A_19 = arith.constant 0 : index
    %get3A_20 = arith.constant 0 : index
    %get3A_21 = vector.load %arg2[%get3A_19, %get3A_20] : memref<64x128xf32, #tpu.memory_space<vmem>>, vector<64x1xf32>
    %mul3A_22 = arith.constant 1.000000e+00 : f32
    %mul3A_23 = vector.broadcast %mul3A_22 : f32 to vector<64x1xf32>
    %mul3A_24 = arith.mulf %get3A_21, %mul3A_23 : vector<64x1xf32>
    %reduce_max3A = arith.constant dense<0xFF800000> : vector<64xf32>
    %reduce_max3A_25 = vector.multi_reduction <maximumf>, %mul3A_3, %reduce_max3A [1] : vector<64x256xf32> to vector<64xf32>
    %broadcast_in_dim3A = vector.shape_cast %reduce_max3A_25 : vector<64xf32> to vector<64x1xf32>
    %sub3A = vector.broadcast %broadcast_in_dim3A : vector<64x1xf32> to vector<64x256xf32>
    %sub3A_26 = arith.subf %mul3A_3, %sub3A : vector<64x256xf32>
    %exp3A = math.exp %sub3A_26 : vector<64x256xf32>
    %reduce_sum3A = arith.constant dense<0.000000e+00> : vector<64xf32>
    %reduce_sum3A_27 = vector.multi_reduction <add>, %exp3A, %reduce_sum3A [1] : vector<64x256xf32> to vector<64xf32>
    %broadcast_in_dim3A_28 = vector.shape_cast %reduce_sum3A_27 : vector<64xf32> to vector<64x1xf32>
    %get3A_29 = arith.constant 0 : index
    %get3A_30 = arith.constant 0 : index
    %get3A_31 = vector.load %arg3[%get3A_29, %get3A_30] : memref<64x256xf32, #tpu.memory_space<vmem>>, vector<64x256xf32>
    %add3A = arith.addf %mul3A_3, %get3A_31 : vector<64x256xf32>
    %reduce_max3A_32 = arith.constant dense<0xFF800000> : vector<64xf32>
    %reduce_max3A_33 = vector.multi_reduction <maximumf>, %add3A, %reduce_max3A_32 [1] : vector<64x256xf32> to vector<64xf32>
    %broadcast_in_dim3A_34 = vector.shape_cast %reduce_max3A_33 : vector<64xf32> to vector<64x1xf32>
    %iota3A = tpu.iota {dimensions = array<i32: 1>} : vector<64x256xi32>
    %eq3A = vector.broadcast %broadcast_in_dim3A_34 : vector<64x1xf32> to vector<64x256xf32>
    %eq3A_35 = arith.cmpf oeq, %add3A, %eq3A : vector<64x256xf32>
    %jit3A = arith.constant 256 : i32
    %broadcast_in_dim3A_36 = vector.broadcast %jit3A : i32 to vector<64x256xi32>
    %select_n3A = arith.select %eq3A_35, %iota3A, %broadcast_in_dim3A_36 : vector<64x256xi1>, vector<64x256xi32>
    %reduce_min3A = arith.constant dense<2147483647> : vector<64xi32>
    %reduce_min3A_37 = vector.multi_reduction <minsi>, %select_n3A, %reduce_min3A [1] : vector<64x256xi32> to vector<64xi32>
    %broadcast_in_dim3A_38 = vector.shape_cast %reduce_min3A_37 : vector<64xi32> to vector<64x1xi32>
    %eq3A_39 = vector.broadcast %broadcast_in_dim3A_38 : vector<64x1xi32> to vector<64x256xi32>
    %eq3A_40 = arith.cmpi eq, %iota3A, %eq3A_39 : vector<64x256xi32>
    %jit3A_41 = arith.constant 0xFF800000 : f32
    %broadcast_in_dim3A_42 = vector.broadcast %jit3A_41 : f32 to vector<64x256xf32>
    %select_n3A_43 = arith.select %eq3A_40, %mul3A_3, %broadcast_in_dim3A_42 : vector<64x256xi1>, vector<64x256xf32>
    %reduce_max3A_44 = arith.constant dense<0xFF800000> : vector<64xf32>
    %reduce_max3A_45 = vector.multi_reduction <maximumf>, %select_n3A_43, %reduce_max3A_44 [1] : vector<64x256xf32> to vector<64xf32>
    %broadcast_in_dim3A_46 = vector.shape_cast %reduce_max3A_45 : vector<64xf32> to vector<64x1xf32>
    %max3A = arith.maximumf %get3A_6, %broadcast_in_dim3A : vector<64x1xf32>
    %max3A_47 = arith.maximumf %max3A, %mul3A_24 : vector<64x1xf32>
    %sub3A_48 = arith.subf %get3A_6, %max3A_47 : vector<64x1xf32>
    %exp3A_49 = math.exp %sub3A_48 : vector<64x1xf32>
    %mul3A_50 = arith.mulf %get3A_9, %exp3A_49 : vector<64x1xf32>
    %sub3A_51 = arith.subf %broadcast_in_dim3A, %max3A_47 : vector<64x1xf32>
    %exp3A_52 = math.exp %sub3A_51 : vector<64x1xf32>
    %mul3A_53 = arith.mulf %broadcast_in_dim3A_28, %exp3A_52 : vector<64x1xf32>
    %add3A_54 = arith.addf %mul3A_50, %mul3A_53 : vector<64x1xf32>
    %sub3A_55 = arith.subf %mul3A_24, %max3A_47 : vector<64x1xf32>
    %exp3A_56 = math.exp %sub3A_55 : vector<64x1xf32>
    %add3A_57 = arith.addf %add3A_54, %exp3A_56 : vector<64x1xf32>
    %log3A = math.log %add3A_57 : vector<64x1xf32>
    %add3A_58 = arith.addf %max3A_47, %log3A : vector<64x1xf32>
    %ge3A = arith.cmpf oge, %get3A_12, %broadcast_in_dim3A_34 : vector<64x1xf32>
    %max3A_59 = arith.maximumf %get3A_12, %broadcast_in_dim3A_34 : vector<64x1xf32>
    %add3A_60 = arith.constant 3840 : i32
    %add3A_61 = vector.broadcast %add3A_60 : i32 to vector<64x1xi32>
    %add3A_62 = arith.addi %add3A_61, %broadcast_in_dim3A_38 : vector<64x1xi32>
    %select_n3A_63 = arith.select %ge3A, %convert_element_type3A, %add3A_62 : vector<64x1xi1>, vector<64x1xi32>
    %select_n3A_64 = arith.select %ge3A, %get3A_15, %broadcast_in_dim3A_46 : vector<64x1xi1>, vector<64x1xf32>
    %get3A_65 = arith.constant 0 : index
    %get3A_66 = arith.constant 0 : index
    %get3A_67 = vector.load %arg4[%get3A_65, %get3A_66] : memref<64x128xf32, #tpu.memory_space<vmem>>, vector<64x1xf32>
    %add3A_68 = arith.addf %mul3A_24, %get3A_67 : vector<64x1xf32>
    %gt3A = arith.cmpf ogt, %add3A_68, %max3A_59 : vector<64x1xf32>
    %jit3A_69 = arith.constant 4096 : i32
    %broadcast_in_dim3A_70 = vector.broadcast %jit3A_69 : i32 to vector<64x1xi32>
    %select_n3A_71 = arith.select %gt3A, %broadcast_in_dim3A_70, %select_n3A_63 : vector<64x1xi1>, vector<64x1xi32>
    %select_n3A_72 = arith.select %gt3A, %mul3A_24, %select_n3A_64 : vector<64x1xi1>, vector<64x1xf32>
    %sub3A_73 = arith.subf %select_n3A_72, %add3A_58 : vector<64x1xf32>
    %broadcast_in_dim3A_74 = vector.shape_cast %sub3A_73 : vector<64x1xf32> to vector<64x1xf32>
    %broadcast_in_dim3A_75 = vector.broadcast %broadcast_in_dim3A_74 : vector<64x1xf32> to vector<64x128xf32>
    %swap3A = arith.constant 0 : index
    %swap3A_76 = arith.constant 0 : index
    %swap3A_77 = vector.load %arg5[%swap3A, %swap3A_76] : memref<64x128xf32, #tpu.memory_space<vmem>>, vector<64x128xf32>
    tpu.vector_store %arg5[%swap3A, %swap3A_76], %broadcast_in_dim3A_75 {strides = array<i32>} : memref<64x128xf32, #tpu.memory_space<vmem>>, vector<64x128xf32>,
    %broadcast_in_dim3A_78 = vector.shape_cast %select_n3A_71 : vector<64x1xi32> to vector<64x1xi32>
    %broadcast_in_dim3A_79 = vector.broadcast %broadcast_in_dim3A_78 : vector<64x1xi32> to vector<64x128xi32>
    %swap3A_80 = arith.constant 0 : index
    %swap3A_81 = arith.constant 0 : index
    %swap3A_82 = vector.load %arg6[%swap3A_80, %swap3A_81] : memref<64x128xi32, #tpu.memory_space<vmem>>, vector<64x128xi32>
    tpu.vector_store %arg6[%swap3A_80, %swap3A_81], %broadcast_in_dim3A_79 {strides = array<i32>} : memref<64x128xi32, #tpu.memory_space<vmem>>, vector<64x128xi32>,
    return
  }
}

module attributes {stable_mosaic.version = 14 : i64} {
  func.func @_tc_edge_body(%arg0: i32, %arg1: memref<64x128xf32, #tpu.memory_space<vmem>>, %arg2: memref<8x3840x128xf32, #tpu.memory_space<vmem>>, %arg3: memref<8x3840xf32, #tpu.memory_space<vmem>>, %arg4: memref<8x128xf32, #tpu.memory_space<vmem>>, %arg5: memref<8x3840xf32, #tpu.memory_space<vmem>>) attributes {dimension_semantics = [#tpu.dimension_semantics<arbitrary>], iteration_bounds = array<i64: 8>, scalar_prefetch = 0 : i64, scratch_operands = 1 : i64, tpu.core_type = #tpu.core_type<tc>, window_params = [{pipeline_mode = #tpu.pipeline_mode<synchronous>, transform_indices = @transform_0, window_bounds = array<i64: 64, 128>}, {transform_indices = @transform_1, window_bounds = array<i64: 8, 3840, 128>}, {transform_indices = @transform_2, window_bounds = array<i64: 8, 3840>}, {transform_indices = @transform_3, window_bounds = array<i64: 8, 128>}]} {
    %mul3A = arith.constant 8 : i32
    %mul3A_0 = arith.muli %arg0, %mul3A : i32
    %add3A = arith.constant 0 : i32
    %add3A_1 = arith.addi %mul3A_0, %add3A : i32
    %get3A = arith.index_cast %add3A_1 : i32 to index
    %get3A_2 = arith.constant 0 : index
    %get3A_3 = vector.load %arg1[%get3A, %get3A_2] : memref<64x128xf32, #tpu.memory_space<vmem>>, vector<1x128xf32>
    %get3A_4 = arith.constant 0 : index
    %get3A_5 = arith.constant 0 : index
    %get3A_6 = arith.constant 0 : index
    %get3A_7 = vector.load %arg2[%get3A_4, %get3A_5, %get3A_6] : memref<8x3840x128xf32, #tpu.memory_space<vmem>>, vector<1x3840x128xf32>
    %get3A_8 = vector.shape_cast %get3A_7 : vector<1x3840x128xf32> to vector<3840x128xf32>
    %dot_general3A = arith.constant dense<0.000000e+00> : vector<1x3840xf32>
    %dot_general3A_9 = tpu.matmul %get3A_3, %get3A_8, %dot_general3A {dimension_numbers = #tpu.dot_dimension_numbers<[1], [1], [0], [0], [0, 0, 1, 0], [], []>, transpose_lhs_hint = false} : vector<1x128xf32>, vector<3840x128xf32>, vector<1x3840xf32> -> vector<1x3840xf32>
    %swap3A = arith.constant 0 : index
    %swap3A_10 = arith.constant 0 : index
    %swap3A_11 = vector.load %arg5[%swap3A, %swap3A_10] : memref<8x3840xf32, #tpu.memory_space<vmem>>, vector<1x3840xf32>
    tpu.vector_store %arg5[%swap3A, %swap3A_10], %dot_general3A_9 {strides = array<i32>} : memref<8x3840xf32, #tpu.memory_space<vmem>>, vector<1x3840xf32>,
    %add3A_12 = arith.constant 1 : i32
    %add3A_13 = arith.addi %mul3A_0, %add3A_12 : i32
    %get3A_14 = arith.index_cast %add3A_13 : i32 to index
    %get3A_15 = arith.constant 0 : index
    %get3A_16 = vector.load %arg1[%get3A_14, %get3A_15] : memref<64x128xf32, #tpu.memory_space<vmem>>, vector<1x128xf32>
    %get3A_17 = arith.constant 1 : index
    %get3A_18 = arith.constant 0 : index
    %get3A_19 = arith.constant 0 : index
    %get3A_20 = vector.load %arg2[%get3A_17, %get3A_18, %get3A_19] : memref<8x3840x128xf32, #tpu.memory_space<vmem>>, vector<1x3840x128xf32>
    %get3A_21 = vector.shape_cast %get3A_20 : vector<1x3840x128xf32> to vector<3840x128xf32>
    %dot_general3A_22 = arith.constant dense<0.000000e+00> : vector<1x3840xf32>
    %dot_general3A_23 = tpu.matmul %get3A_16, %get3A_21, %dot_general3A_22 {dimension_numbers = #tpu.dot_dimension_numbers<[1], [1], [0], [0], [0, 0, 1, 0], [], []>, transpose_lhs_hint = false} : vector<1x128xf32>, vector<3840x128xf32>, vector<1x3840xf32> -> vector<1x3840xf32>
    %swap3A_24 = arith.constant 1 : index
    %swap3A_25 = arith.constant 0 : index
    %swap3A_26 = vector.load %arg5[%swap3A_24, %swap3A_25] : memref<8x3840xf32, #tpu.memory_space<vmem>>, vector<1x3840xf32>
    tpu.vector_store %arg5[%swap3A_24, %swap3A_25], %dot_general3A_23 {strides = array<i32>} : memref<8x3840xf32, #tpu.memory_space<vmem>>, vector<1x3840xf32>,
    %add3A_27 = arith.constant 2 : i32
    %add3A_28 = arith.addi %mul3A_0, %add3A_27 : i32
    %get3A_29 = arith.index_cast %add3A_28 : i32 to index
    %get3A_30 = arith.constant 0 : index
    %get3A_31 = vector.load %arg1[%get3A_29, %get3A_30] : memref<64x128xf32, #tpu.memory_space<vmem>>, vector<1x128xf32>
    %get3A_32 = arith.constant 2 : index
    %get3A_33 = arith.constant 0 : index
    %get3A_34 = arith.constant 0 : index
    %get3A_35 = vector.load %arg2[%get3A_32, %get3A_33, %get3A_34] : memref<8x3840x128xf32, #tpu.memory_space<vmem>>, vector<1x3840x128xf32>
    %get3A_36 = vector.shape_cast %get3A_35 : vector<1x3840x128xf32> to vector<3840x128xf32>
    %dot_general3A_37 = arith.constant dense<0.000000e+00> : vector<1x3840xf32>
    %dot_general3A_38 = tpu.matmul %get3A_31, %get3A_36, %dot_general3A_37 {dimension_numbers = #tpu.dot_dimension_numbers<[1], [1], [0], [0], [0, 0, 1, 0], [], []>, transpose_lhs_hint = false} : vector<1x128xf32>, vector<3840x128xf32>, vector<1x3840xf32> -> vector<1x3840xf32>
    %swap3A_39 = arith.constant 2 : index
    %swap3A_40 = arith.constant 0 : index
    %swap3A_41 = vector.load %arg5[%swap3A_39, %swap3A_40] : memref<8x3840xf32, #tpu.memory_space<vmem>>, vector<1x3840xf32>
    tpu.vector_store %arg5[%swap3A_39, %swap3A_40], %dot_general3A_38 {strides = array<i32>} : memref<8x3840xf32, #tpu.memory_space<vmem>>, vector<1x3840xf32>,
    %add3A_42 = arith.constant 3 : i32
    %add3A_43 = arith.addi %mul3A_0, %add3A_42 : i32
    %get3A_44 = arith.index_cast %add3A_43 : i32 to index
    %get3A_45 = arith.constant 0 : index
    %get3A_46 = vector.load %arg1[%get3A_44, %get3A_45] : memref<64x128xf32, #tpu.memory_space<vmem>>, vector<1x128xf32>
    %get3A_47 = arith.constant 3 : index
    %get3A_48 = arith.constant 0 : index
    %get3A_49 = arith.constant 0 : index
    %get3A_50 = vector.load %arg2[%get3A_47, %get3A_48, %get3A_49] : memref<8x3840x128xf32, #tpu.memory_space<vmem>>, vector<1x3840x128xf32>
    %get3A_51 = vector.shape_cast %get3A_50 : vector<1x3840x128xf32> to vector<3840x128xf32>
    %dot_general3A_52 = arith.constant dense<0.000000e+00> : vector<1x3840xf32>
    %dot_general3A_53 = tpu.matmul %get3A_46, %get3A_51, %dot_general3A_52 {dimension_numbers = #tpu.dot_dimension_numbers<[1], [1], [0], [0], [0, 0, 1, 0], [], []>, transpose_lhs_hint = false} : vector<1x128xf32>, vector<3840x128xf32>, vector<1x3840xf32> -> vector<1x3840xf32>
    %swap3A_54 = arith.constant 3 : index
    %swap3A_55 = arith.constant 0 : index
    %swap3A_56 = vector.load %arg5[%swap3A_54, %swap3A_55] : memref<8x3840xf32, #tpu.memory_space<vmem>>, vector<1x3840xf32>
    tpu.vector_store %arg5[%swap3A_54, %swap3A_55], %dot_general3A_53 {strides = array<i32>} : memref<8x3840xf32, #tpu.memory_space<vmem>>, vector<1x3840xf32>,
    %add3A_57 = arith.constant 4 : i32
    %add3A_58 = arith.addi %mul3A_0, %add3A_57 : i32
    %get3A_59 = arith.index_cast %add3A_58 : i32 to index
    %get3A_60 = arith.constant 0 : index
    %get3A_61 = vector.load %arg1[%get3A_59, %get3A_60] : memref<64x128xf32, #tpu.memory_space<vmem>>, vector<1x128xf32>
    %get3A_62 = arith.constant 4 : index
    %get3A_63 = arith.constant 0 : index
    %get3A_64 = arith.constant 0 : index
    %get3A_65 = vector.load %arg2[%get3A_62, %get3A_63, %get3A_64] : memref<8x3840x128xf32, #tpu.memory_space<vmem>>, vector<1x3840x128xf32>
    %get3A_66 = vector.shape_cast %get3A_65 : vector<1x3840x128xf32> to vector<3840x128xf32>
    %dot_general3A_67 = arith.constant dense<0.000000e+00> : vector<1x3840xf32>
    %dot_general3A_68 = tpu.matmul %get3A_61, %get3A_66, %dot_general3A_67 {dimension_numbers = #tpu.dot_dimension_numbers<[1], [1], [0], [0], [0, 0, 1, 0], [], []>, transpose_lhs_hint = false} : vector<1x128xf32>, vector<3840x128xf32>, vector<1x3840xf32> -> vector<1x3840xf32>
    %swap3A_69 = arith.constant 4 : index
    %swap3A_70 = arith.constant 0 : index
    %swap3A_71 = vector.load %arg5[%swap3A_69, %swap3A_70] : memref<8x3840xf32, #tpu.memory_space<vmem>>, vector<1x3840xf32>
    tpu.vector_store %arg5[%swap3A_69, %swap3A_70], %dot_general3A_68 {strides = array<i32>} : memref<8x3840xf32, #tpu.memory_space<vmem>>, vector<1x3840xf32>,
    %add3A_72 = arith.constant 5 : i32
    %add3A_73 = arith.addi %mul3A_0, %add3A_72 : i32
    %get3A_74 = arith.index_cast %add3A_73 : i32 to index
    %get3A_75 = arith.constant 0 : index
    %get3A_76 = vector.load %arg1[%get3A_74, %get3A_75] : memref<64x128xf32, #tpu.memory_space<vmem>>, vector<1x128xf32>
    %get3A_77 = arith.constant 5 : index
    %get3A_78 = arith.constant 0 : index
    %get3A_79 = arith.constant 0 : index
    %get3A_80 = vector.load %arg2[%get3A_77, %get3A_78, %get3A_79] : memref<8x3840x128xf32, #tpu.memory_space<vmem>>, vector<1x3840x128xf32>
    %get3A_81 = vector.shape_cast %get3A_80 : vector<1x3840x128xf32> to vector<3840x128xf32>
    %dot_general3A_82 = arith.constant dense<0.000000e+00> : vector<1x3840xf32>
    %dot_general3A_83 = tpu.matmul %get3A_76, %get3A_81, %dot_general3A_82 {dimension_numbers = #tpu.dot_dimension_numbers<[1], [1], [0], [0], [0, 0, 1, 0], [], []>, transpose_lhs_hint = false} : vector<1x128xf32>, vector<3840x128xf32>, vector<1x3840xf32> -> vector<1x3840xf32>
    %swap3A_84 = arith.constant 5 : index
    %swap3A_85 = arith.constant 0 : index
    %swap3A_86 = vector.load %arg5[%swap3A_84, %swap3A_85] : memref<8x3840xf32, #tpu.memory_space<vmem>>, vector<1x3840xf32>
    tpu.vector_store %arg5[%swap3A_84, %swap3A_85], %dot_general3A_83 {strides = array<i32>} : memref<8x3840xf32, #tpu.memory_space<vmem>>, vector<1x3840xf32>,
    %add3A_87 = arith.constant 6 : i32
    %add3A_88 = arith.addi %mul3A_0, %add3A_87 : i32
    %get3A_89 = arith.index_cast %add3A_88 : i32 to index
    %get3A_90 = arith.constant 0 : index
    %get3A_91 = vector.load %arg1[%get3A_89, %get3A_90] : memref<64x128xf32, #tpu.memory_space<vmem>>, vector<1x128xf32>
    %get3A_92 = arith.constant 6 : index
    %get3A_93 = arith.constant 0 : index
    %get3A_94 = arith.constant 0 : index
    %get3A_95 = vector.load %arg2[%get3A_92, %get3A_93, %get3A_94] : memref<8x3840x128xf32, #tpu.memory_space<vmem>>, vector<1x3840x128xf32>
    %get3A_96 = vector.shape_cast %get3A_95 : vector<1x3840x128xf32> to vector<3840x128xf32>
    %dot_general3A_97 = arith.constant dense<0.000000e+00> : vector<1x3840xf32>
    %dot_general3A_98 = tpu.matmul %get3A_91, %get3A_96, %dot_general3A_97 {dimension_numbers = #tpu.dot_dimension_numbers<[1], [1], [0], [0], [0, 0, 1, 0], [], []>, transpose_lhs_hint = false} : vector<1x128xf32>, vector<3840x128xf32>, vector<1x3840xf32> -> vector<1x3840xf32>
    %swap3A_99 = arith.constant 6 : index
    %swap3A_100 = arith.constant 0 : index
    %swap3A_101 = vector.load %arg5[%swap3A_99, %swap3A_100] : memref<8x3840xf32, #tpu.memory_space<vmem>>, vector<1x3840xf32>
    tpu.vector_store %arg5[%swap3A_99, %swap3A_100], %dot_general3A_98 {strides = array<i32>} : memref<8x3840xf32, #tpu.memory_space<vmem>>, vector<1x3840xf32>,
    %add3A_102 = arith.constant 7 : i32
    %add3A_103 = arith.addi %mul3A_0, %add3A_102 : i32
    %get3A_104 = arith.index_cast %add3A_103 : i32 to index
    %get3A_105 = arith.constant 0 : index
    %get3A_106 = vector.load %arg1[%get3A_104, %get3A_105] : memref<64x128xf32, #tpu.memory_space<vmem>>, vector<1x128xf32>
    %get3A_107 = arith.constant 7 : index
    %get3A_108 = arith.constant 0 : index
    %get3A_109 = arith.constant 0 : index
    %get3A_110 = vector.load %arg2[%get3A_107, %get3A_108, %get3A_109] : memref<8x3840x128xf32, #tpu.memory_space<vmem>>, vector<1x3840x128xf32>
    %get3A_111 = vector.shape_cast %get3A_110 : vector<1x3840x128xf32> to vector<3840x128xf32>
    %dot_general3A_112 = arith.constant dense<0.000000e+00> : vector<1x3840xf32>
    %dot_general3A_113 = tpu.matmul %get3A_106, %get3A_111, %dot_general3A_112 {dimension_numbers = #tpu.dot_dimension_numbers<[1], [1], [0], [0], [0, 0, 1, 0], [], []>, transpose_lhs_hint = false} : vector<1x128xf32>, vector<3840x128xf32>, vector<1x3840xf32> -> vector<1x3840xf32>
    %swap3A_114 = arith.constant 7 : index
    %swap3A_115 = arith.constant 0 : index
    %swap3A_116 = vector.load %arg5[%swap3A_114, %swap3A_115] : memref<8x3840xf32, #tpu.memory_space<vmem>>, vector<1x3840xf32>
    tpu.vector_store %arg5[%swap3A_114, %swap3A_115], %dot_general3A_113 {strides = array<i32>} : memref<8x3840xf32, #tpu.memory_space<vmem>>, vector<1x3840xf32>,
    %get3A_117 = arith.constant 0 : index
    %get3A_118 = arith.constant 0 : index
    %get3A_119 = vector.load %arg5[%get3A_117, %get3A_118] : memref<8x3840xf32, #tpu.memory_space<vmem>>, vector<8x3840xf32>
    %mul3A_120 = arith.constant 1.000000e+00 : f32
    %mul3A_121 = vector.broadcast %mul3A_120 : f32 to vector<8x3840xf32>
    %mul3A_122 = arith.mulf %get3A_119, %mul3A_121 : vector<8x3840xf32>
    %reduce_max3A = arith.constant dense<0xFF800000> : vector<8xf32>
    %reduce_max3A_123 = vector.multi_reduction <maximumf>, %mul3A_122, %reduce_max3A [1] : vector<8x3840xf32> to vector<8xf32>
    %broadcast_in_dim3A = vector.shape_cast %reduce_max3A_123 : vector<8xf32> to vector<8x1xf32>
    %sub3A = vector.broadcast %broadcast_in_dim3A : vector<8x1xf32> to vector<8x3840xf32>
    %sub3A_124 = arith.subf %mul3A_122, %sub3A : vector<8x3840xf32>
    %exp3A = math.exp %sub3A_124 : vector<8x3840xf32>
    %reduce_sum3A = arith.constant dense<0.000000e+00> : vector<8xf32>
    %reduce_sum3A_125 = vector.multi_reduction <add>, %exp3A, %reduce_sum3A [1] : vector<8x3840xf32> to vector<8xf32>
    %broadcast_in_dim3A_126 = vector.shape_cast %reduce_sum3A_125 : vector<8xf32> to vector<8x1xf32>
    %get3A_127 = arith.constant 0 : index
    %get3A_128 = arith.constant 0 : index
    %get3A_129 = vector.load %arg3[%get3A_127, %get3A_128] : memref<8x3840xf32, #tpu.memory_space<vmem>>, vector<8x3840xf32>
    %add3A_130 = arith.addf %mul3A_122, %get3A_129 : vector<8x3840xf32>
    %reduce_max3A_131 = arith.constant dense<0xFF800000> : vector<8xf32>
    %reduce_max3A_132 = vector.multi_reduction <maximumf>, %add3A_130, %reduce_max3A_131 [1] : vector<8x3840xf32> to vector<8xf32>
    %broadcast_in_dim3A_133 = vector.shape_cast %reduce_max3A_132 : vector<8xf32> to vector<8x1xf32>
    %iota3A = tpu.iota {dimensions = array<i32: 1>} : vector<8x3840xi32>
    %eq3A = vector.broadcast %broadcast_in_dim3A_133 : vector<8x1xf32> to vector<8x3840xf32>
    %eq3A_134 = arith.cmpf oeq, %add3A_130, %eq3A : vector<8x3840xf32>
    %jit3A = arith.constant 3840 : i32
    %broadcast_in_dim3A_135 = vector.broadcast %jit3A : i32 to vector<8x3840xi32>
    %select_n3A = arith.select %eq3A_134, %iota3A, %broadcast_in_dim3A_135 : vector<8x3840xi1>, vector<8x3840xi32>
    %reduce_min3A = arith.constant dense<2147483647> : vector<8xi32>
    %reduce_min3A_136 = vector.multi_reduction <minsi>, %select_n3A, %reduce_min3A [1] : vector<8x3840xi32> to vector<8xi32>
    %broadcast_in_dim3A_137 = vector.shape_cast %reduce_min3A_136 : vector<8xi32> to vector<8x1xi32>
    %eq3A_138 = vector.broadcast %broadcast_in_dim3A_137 : vector<8x1xi32> to vector<8x3840xi32>
    %eq3A_139 = arith.cmpi eq, %iota3A, %eq3A_138 : vector<8x3840xi32>
    %jit3A_140 = arith.constant 0xFF800000 : f32
    %broadcast_in_dim3A_141 = vector.broadcast %jit3A_140 : f32 to vector<8x3840xf32>
    %select_n3A_142 = arith.select %eq3A_139, %mul3A_122, %broadcast_in_dim3A_141 : vector<8x3840xi1>, vector<8x3840xf32>
    %reduce_max3A_143 = arith.constant dense<0xFF800000> : vector<8xf32>
    %reduce_max3A_144 = vector.multi_reduction <maximumf>, %select_n3A_142, %reduce_max3A_143 [1] : vector<8x3840xf32> to vector<8xf32>
    %broadcast_in_dim3A_145 = vector.shape_cast %reduce_max3A_144 : vector<8xf32> to vector<8x1xf32>
    %convert_element_type3A = arith.sitofp %broadcast_in_dim3A_137 : vector<8x1xi32> to vector<8x1xf32>
    %broadcast_in_dim3A_146 = arith.constant 0.000000e+00 : f32
    %broadcast_in_dim3A_147 = vector.broadcast %broadcast_in_dim3A_146 : f32 to vector<8x123xf32>
    %concatenate3A = tpu.concatenate %broadcast_in_dim3A, %broadcast_in_dim3A_126, %broadcast_in_dim3A_133, %broadcast_in_dim3A_145, %convert_element_type3A, %broadcast_in_dim3A_147 in 1 : vector<8x1xf32>, vector<8x1xf32>, vector<8x1xf32>, vector<8x1xf32>, vector<8x1xf32>, vector<8x123xf32> -> vector<8x128xf32>
    %swap3A_148 = arith.constant 0 : index
    %swap3A_149 = arith.constant 0 : index
    %swap3A_150 = vector.load %arg4[%swap3A_148, %swap3A_149] : memref<8x128xf32, #tpu.memory_space<vmem>>, vector<8x128xf32>
    tpu.vector_store %arg4[%swap3A_148, %swap3A_149], %concatenate3A {strides = array<i32>} : memref<8x128xf32, #tpu.memory_space<vmem>>, vector<8x128xf32>,
    return
  }
  func.func @transform_0(%arg0: i32) -> (i32, i32) {
    %c0_i32 = arith.constant 0 : i32
    %c0_i32_0 = arith.constant 0 : i32
    %c0_i32_1 = arith.constant 0 : i32
    return %c0_i32, %c0_i32_0 : i32, i32
  }
  func.func @transform_1(%arg0: i32) -> (i32, i32, i32) {
    %c0_i32 = arith.constant 0 : i32
    %c0_i32_0 = arith.constant 0 : i32
    %c0_i32_1 = arith.constant 0 : i32
    return %arg0, %c0_i32, %c0_i32_0 : i32, i32, i32
  }
  func.func @transform_2(%arg0: i32) -> (i32, i32) {
    %c0_i32 = arith.constant 0 : i32
    %c0_i32_0 = arith.constant 0 : i32
    return %arg0, %c0_i32 : i32, i32
  }
  func.func @transform_3(%arg0: i32) -> (i32, i32) {
    %c0_i32 = arith.constant 0 : i32
    %c0_i32_0 = arith.constant 0 : i32
    return %arg0, %c0_i32 : i32, i32
  }
}

module attributes {stable_mosaic.version = 14 : i64} {
  func.func @_proj_body(%arg0: memref<64x1024xf32, #tpu.memory_space<vmem>>, %arg1: memref<1024x128xf32, #tpu.memory_space<vmem>>, %arg2: memref<1024x128xf32, #tpu.memory_space<vmem>>, %arg3: memref<1x1xf32, #tpu.memory_space<smem>>, %arg4: memref<64x128xf32, #tpu.memory_space<vmem>>, %arg5: memref<64x128xf32, #tpu.memory_space<vmem>>) attributes {dimension_semantics = [], scalar_prefetch = 0 : i64, scratch_operands = 0 : i64, tpu.core_type = #tpu.core_type<tc>} {
    %get3A = arith.constant 0 : index
    %get3A_0 = arith.constant 0 : index
    %get3A_1 = vector.load %arg0[%get3A, %get3A_0] : memref<64x1024xf32, #tpu.memory_space<vmem>>, vector<64x1024xf32>
    %get3A_2 = arith.constant 0 : index
    %get3A_3 = arith.constant 0 : index
    %get3A_4 = vector.load %arg1[%get3A_2, %get3A_3] : memref<1024x128xf32, #tpu.memory_space<vmem>>, vector<1024x128xf32>
    %dot_general3A = arith.constant dense<0.000000e+00> : vector<64x128xf32>
    %dot_general3A_5 = tpu.matmul %get3A_1, %get3A_4, %dot_general3A {dimension_numbers = #tpu.dot_dimension_numbers<[1], [0], [0], [1], [0, 0, 1, 1], [], []>, transpose_lhs_hint = false} : vector<64x1024xf32>, vector<1024x128xf32>, vector<64x128xf32> -> vector<64x128xf32>
    %swap3A = arith.constant 0 : index
    %swap3A_6 = arith.constant 0 : index
    %swap3A_7 = vector.load %arg4[%swap3A, %swap3A_6] : memref<64x128xf32, #tpu.memory_space<vmem>>, vector<64x128xf32>
    tpu.vector_store %arg4[%swap3A, %swap3A_6], %dot_general3A_5 {strides = array<i32>} : memref<64x128xf32, #tpu.memory_space<vmem>>, vector<64x128xf32>,
    %get3A_8 = arith.constant 0 : index
    %get3A_9 = arith.constant 0 : index
    %get3A_10 = vector.load %arg0[%get3A_8, %get3A_9] : memref<64x1024xf32, #tpu.memory_space<vmem>>, vector<64x1024xf32>
    %get3A_11 = arith.constant 0 : index
    %get3A_12 = arith.constant 0 : index
    %get3A_13 = vector.load %arg2[%get3A_11, %get3A_12] : memref<1024x128xf32, #tpu.memory_space<vmem>>, vector<1024x128xf32>
    %dot_general3A_14 = arith.constant dense<0.000000e+00> : vector<64x128xf32>
    %dot_general3A_15 = tpu.matmul %get3A_10, %get3A_13, %dot_general3A_14 {dimension_numbers = #tpu.dot_dimension_numbers<[1], [0], [0], [1], [0, 0, 1, 1], [], []>, transpose_lhs_hint = false} : vector<64x1024xf32>, vector<1024x128xf32>, vector<64x128xf32> -> vector<64x128xf32>
    %get3A_16 = arith.constant 0 : index
    %get3A_17 = arith.constant 0 : index
    %get3A_18 = memref.load %arg3[%get3A_16, %get3A_17] : memref<1x1xf32, #tpu.memory_space<smem>>
    %add3A = vector.broadcast %get3A_18 : f32 to vector<64x128xf32>
    %add3A_19 = arith.addf %dot_general3A_15, %add3A : vector<64x128xf32>
    %swap3A_20 = arith.constant 0 : index
    %swap3A_21 = arith.constant 0 : index
    %swap3A_22 = vector.load %arg5[%swap3A_20, %swap3A_21] : memref<64x128xf32, #tpu.memory_space<vmem>>, vector<64x128xf32>
    tpu.vector_store %arg5[%swap3A_20, %swap3A_21], %add3A_19 {strides = array<i32>} : memref<64x128xf32, #tpu.memory_space<vmem>>, vector<64x128xf32>,
    return
  }
}

</mosaic_0001>

<sc_bundles>
// kernel: _run.6.cloned.1.call-start
scs
__scs_entry_jumppad:
0x0: {  	(pc) =	sbr.rel $0x88, $3  }
0x1: {  	(tag) =	ssettag $0x0;
	lr =	simm.s32 $0x1  }
0x2: {  	[smem:$0x3F99] =	sst lr;
	_ =	strace $0xD0000000  }
0x3: {  	_ = 	snop  }
0x4: {  	_ = 	snop  }
0x5: {  	_ = 	snop  }
0x6: {  	_ = 	snop  }
0x7: {  	_ = 	snop  }
__scs_overlays_trampoline_lowered:
0x8: {  	[smem:$0x3FA8] =	sst s0  }
0x9: {  	[smem:$0x3FA9] =	sst s1  }
0xa: {  	[smem:$0x3FAA] =	sst s2  }
0xb: {  	[smem:$0x3FAB] =	sst s3  }
0xc: {  	[smem:$0x3FAC] =	sst s4  }
0xd: {  	[smem:$0x3FAD] =	sst s5  }
0xe: {  	[smem:$0x3FAE] =	sst s6  }
0xf: {  	[smem:$0x3FAF] =	sst s7  }
0x10: {  	[smem:$0x3FB0] =	sst s8  }
0x11: {  	[smem:$0x3FB1] =	sst s9;
	s0 =	simm.s32 @!p0 $0x0  }
0x12: {  	s1 =	sld [smem:$0x3F97];
	s0 =	simm.s32 @p0 $0x1  }
0x13: {  	[smem:$0x3FB2] =	sst s0;
	s0 =	simm.s32 @!p1 $0x0  }
0x14: {  	s2 =	sld [smem:$0x3F96];
	s0 =	simm.s32 @p1 $0x1  }
0x15: {  	[smem:$0x3FB3] =	sst s0;
	s0 =	simm.s32 @!p2 $0x0  }
0x16: {  	s3 =	sld [smem:$0x3FDB];
	s0 =	simm.s32 @p2 $0x1  }
0x17: {  	s4 =	simm.s32 $0x1BF5;
	[smem:$0x3FB5] =	sst s0  }
0x18: {  	s0 =	sld [smem:$0x3F98];
	_ =	swait.ge [sflag:s4], $0x0  }
0x19: {  	s7 =	sld [smem:$0x3F99]  }
0x1a: {  	s8 =	sadd.s32 $0xFFFFE003, lr  }
0x1b: {  	s9 =	sadd.s32 $0xFFFFFEF7, lr;
	s5 =	simm.s32 $0xFFFFFFFF;
	p2 =	slt.u32 s8, $0xFFFFF086  }
0x1c: {  	p1 =	slt.u32 s9, $0xF7A;
	s5 =	simm.s32 @!p2 $0x0  }
0x1d: {  	s5 =	simm.s32 @p1 $0x1;
	p0 =	seq.s32 s7, s2  }
0x1e: {  	s7 =	smul.u32 @!p0 $0xF7A, s2;
	p2 =	seq.s32 @!p0 s5, $0x0  }
0x1f: {  	s9 =	smul.u32 $0xF7A, s1;
	s8 =	simm.s32 @!p0 $0x1BF5;
	p2 =	por !p2, p0  }
0x20: {  	[sflag:s8] =	ssyncset.s32 @!p0 $0xFFFFF086;
	s6 =	sadd.s32 @!p0 s3, s7;
	s7 =	simm.s32 @!p0 $0x108  }
0x21: {  	s3 =	sadd.s32 s3, s9;
	s6 =	sadd.s32 @!p0 $0x88, s6;
	s7 =	simm.s32 @p2 $0x1082  }
0x22: {  	[simem:s7], [sflag:s8] =	dma.local @!p0 [hbm:s6], $0xF7A  }
0x23: {  	s9 =	sor.u32 $0xD0000000, s2;
	s6 =	simm.s32 $0x108;
	_ =	swait.ge @!p0 [sflag:s8], $0x0  }
0x24: {  	s3 =	sadd.s32 $0x88, s3;
	s6 =	simm.s32 @!p1 $0x1082;
	[sflag:s4] =	ssyncset.s32 $0xFFFFF086  }
0x25: {  	[simem:s6], [sflag:s4] =	dma.local [hbm:s3], $0xF7A  }
0x26: {  	[smem:$0x3F99] =	sst s1;
	(tag) =	ssettag s2;
	_ =	strace s9  }
0x27: {  	s1 =	sld [smem:$0x3FA9]  }
0x28: {  	s2 =	sld [smem:$0x3FAA]  }
0x29: {  	s4 =	sld [smem:$0x3FAC]  }
0x2a: {  	p0 =	seq.s32 s5, $0x0;
	s5 =	sld [smem:$0x3FAD]  }
0x2b: {  	s6 =	sld [smem:$0x3FAE]  }
0x2c: {  	s7 =	sld [smem:$0x3FAF]  }
0x2d: {  	s3 =	simm.s32 $0x108;
	s8 =	sld [smem:$0x3FB0]  }
0x2e: {  	s3 =	simm.s32 @!p0 $0x1082;
	s9 =	sld [smem:$0x3FB1]  }
0x2f: {  	lr =	sadd.s32 s0, s3;
	s0 =	sld [smem:$0x3FA8]  }
0x30: {  	s3 =	sld [smem:$0x3FAB]  }
0x31: {  	[smem:$0x3FB4] =	sst s10  }
0x32: {  	s10 =	sld [smem:$0x3FB2];
	_ =	sdelay $0x3  }
0x33: {  	p0 =	seq.s32 s10, $0x1;
	s10 =	sld [smem:$0x3FB4];
	_ =	sdelay $0x3  }
0x34: {  	[smem:$0x3FB4] =	sst s10  }
0x35: {  	s10 =	sld [smem:$0x3FB3];
	_ =	sdelay $0x3  }
0x36: {  	p1 =	seq.s32 s10, $0x1;
	s10 =	sld [smem:$0x3FB4];
	_ =	sdelay $0x3  }
0x37: {  	[smem:$0x3FB4] =	sst s10  }
0x38: {  	s10 =	sld [smem:$0x3FB5]  }
0x39: {  	_ = 	snop;
	(pc) =	sbr.ind lr, $3  }
0x3a: {  	_ = 	snop  }
0x3b: {  	_ = 	snop  }
0x3c: {  	p2 =	seq.s32 s10, $0x1;
	s10 =	sld [smem:$0x3FB4]  }
0x3d: {  	_ =	shalt  }
0x3e: {  	_ =	shalt  }
0x3f: {  	_ =	shalt  }
0x40: {  	_ =	shalt  }
0x41: {  	_ =	shalt  }
0x42: {  	_ =	shalt  }
0x43: {  	_ =	shalt  }
0x44: {  	_ =	shalt  }
0x45: {  	_ =	shalt  }
0x46: {  	_ =	shalt  }
0x47: {  	_ =	shalt  }
0x48: {  	_ =	shalt  }
0x49: {  	_ =	shalt  }
0x4a: {  	_ =	shalt  }
0x4b: {  	_ =	shalt  }
0x4c: {  	_ =	shalt  }
0x4d: {  	_ =	shalt  }
0x4e: {  	_ =	shalt  }
0x4f: {  	_ =	shalt  }
0x50: {  	_ =	shalt  }
0x51: {  	_ =	shalt  }
0x52: {  	_ =	shalt  }
0x53: {  	_ =	shalt  }
0x54: {  	_ =	shalt  }
0x55: {  	_ =	shalt  }
0x56: {  	_ =	shalt  }
0x57: {  	_ =	shalt  }
0x58: {  	_ =	shalt  }
0x59: {  	_ =	shalt  }
0x5a: {  	_ =	shalt  }
0x5b: {  	_ =	shalt  }
0x5c: {  	_ =	shalt  }
0x5d: {  	_ =	shalt  }
0x5e: {  	_ =	shalt  }
0x5f: {  	_ =	shalt  }
0x60: {  	_ =	shalt  }
0x61: {  	_ =	shalt  }
0x62: {  	_ =	shalt  }
0x63: {  	_ =	shalt  }
0x64: {  	_ =	shalt  }
0x65: {  	_ =	shalt  }
0x66: {  	_ =	shalt  }
0x67: {  	_ =	shalt  }
0x68: {  	_ =	shalt  }
0x69: {  	_ =	shalt  }
0x6a: {  	_ =	shalt  }
0x6b: {  	_ =	shalt  }
0x6c: {  	_ =	shalt  }
0x6d: {  	_ =	shalt  }
0x6e: {  	_ =	shalt  }
0x6f: {  	_ =	shalt  }
0x70: {  	_ =	shalt  }
0x71: {  	_ =	shalt  }
0x72: {  	_ =	shalt  }
0x73: {  	_ =	shalt  }
0x74: {  	_ =	shalt  }
0x75: {  	_ =	shalt  }
0x76: {  	_ =	shalt  }
0x77: {  	_ =	shalt  }
0x78: {  	_ =	shalt  }
0x79: {  	_ =	shalt  }
0x7a: {  	_ =	shalt  }
0x7b: {  	_ =	shalt  }
0x7c: {  	_ =	shalt  }
0x7d: {  	_ =	shalt  }
0x7e: {  	_ =	shalt  }
0x7f: {  	_ =	shalt  }
0x80: {  	_ =	shalt  }
0x81: {  	_ =	shalt  }
0x82: {  	_ =	shalt  }
0x83: {  	_ =	shalt  }
0x84: {  	_ =	shalt  }
0x85: {  	_ =	shalt  }
0x86: {  	_ =	shalt  }
0x87: {  	_ =	shalt  }
.Lfunc_end0:
.L_simem_size_0:
called_computation_lowered:
.L_overlay_start_0:
0x88: {  	s2 =	sld [smem:$0x3FD9]  }
0x89: {  	s3 =	sld [smem:$0x3FFE];
	_ =	sdelay $0x1  }
0x8a: {  	s1 =	srdreg.scid  }
0x8b: {  	s0 =	sand.u32 $0x1, s1  }
0x8c: {  	s17 =	sshll.u32 s0, $0xA;
	s2 =	sadd.s32 s3, s2  }
0x8d: {  	s2 =	sadd.s32 s2, s17  }
0x8e: {  	[smem:$0x3FC0] =	sst s2  }
0x8f: {  	_ = 	snop  }
0x90: {  	s2 =	sld [smem:$0x3FC8];
	(tm) =	ssettm $0x1  }
0x91: {  	s18 =	sld [smem:$0x3FFB];
	_ =	sdelay $0x3  }
0x92: {  	_ =	strace s18  }
0x93: {  	s3 =	sld [smem:$0x3FFC];
	_ =	sdelay $0x3  }
0x94: {  	_ =	strace s3  }
0x95: {  	s3 =	sld [smem:$0x3FFD];
	_ =	sdelay $0x3  }
0x96: {  	_ =	strace s3  }
0x97: {  	_ =	strace $0x8FFFFFFF  }
0x98: {  	s19 =	sld [smem:$0x3FDB];
	_ =	sdelay $0x1  }
0x99: {  	s4 =	simm.s32 $_scs_section_size  }
0x9a: {  	s5 =	simm.s32 $_size__tile_overlayer_lowered;
	s6 =	simm.s32 $_tile_overlayer_lowered  }
0x9b: {  	s22 =	simm.s32 $0x1BFF;
	s21 =	sshll.u32 s6, $0x1;
	s3 =	sadd.s32 s4, s19  }
0x9c: {  	s7 =	simm.s32 $0x0;
	s20 =	sshll.u32 s5, $0x1;
	s5 =	sadd.s32 s21, s3  }
0x9d: {  	[timem:s7], [sflag:s22] =	dma.local [hbm:s5], s20  }
0x9e: {  	_ =	swait.ge [sflag:s22], s20  }
0x9f: {  	s4 =	ssub.s32 $0x0, s20;
	[sflag:s22] =	ssyncset.done $0x0  }
0xa0: {  	[sflag:s22] =	ssyncadd.s32 s4;
	_ =	sdelay $0x1  }
0xa1: {  	s23 =	simm.s32 $0x1B8B  }
0xa2: {  	_ =	swait.ge [sflag:s23], $0x1  }
0xa3: {  	[sflag:s23] =	ssyncset.done $0x0  }
0xa4: {  	s25 =	simm.s32 $0x1B8E;
	s24 =	sld [smem:$0x3FFE];
	[sflag:s23] =	ssyncadd.s32 $0xFFFFFFFF  }
0xa5: {  	s26 =	simm.s32 $execute0_lowered;
	[smem:$0x3FD2] =	sst s25  }
0xa6: {  	s5 =	sshll.u32 s26, $0x1;
	_ =	strace $0x80000046;
	[dreg:$0x1] =	wrdreg $0xFFFFFFFF  }
0xa7: {  	s28 =	simm.s32 $_size_execute0_lowered;
	s3 =	sadd.s32 s3, s5;
	[dreg:$0x0] =	wrdreg $0x0  }
0xa8: {  	s5 =	sshll.u32 s28, $0x1;
	[dreg:$0x2] =	wrdreg s3  }
0xa9: {  	[dreg:$0x3] =	wrdreg s5  }
0xaa: {  	[dreg:$0x4] =	wrdreg $0xC0  }
0xab: {  	_ =	task [dreg:s7], $0x5FFFF  }
0xac: {  	[dreg:$0x1] =	wrdreg $0xFFFFFFFF  }
0xad: {  	[dreg:$0x0] =	wrdreg $0x60  }
0xae: {  	[dreg:$0x2] =	wrdreg s2  }
0xaf: {  	[dreg:$0x3] =	wrdreg s24  }
0xb0: {  	[dreg:$0x4] =	wrdreg $0x9  }
0xb1: {  	_ =	task.clear_ibuf [dreg:s7], $0x5FFFF;
	_ =	strace $0x90000046  }
0xb2: {  	s29 =	simm.s32 $0x9;
	_ =	strace $0x80000048  }
0xb3: {  	_ =	swait.ge [sflag:s29], $0x1  }
0xb4: {  	[sflag:s29] =	ssyncadd.s32 $0xFFFFFFFF  }
0xb5: {  	_ =	strace $0x90000048  }
0xb6: {  	_ =	sfence  }
0xb7: {  	s30 =	sld [smem:$0x0];
	_ =	sdelay $0x2  }
0xb8: {  	s31 =	sshll.u32 s1, $0xD;
	s1 =	sshrl.u32 s1, $0x2  }
0xb9: {  	s3 =	sand.u32 $0x4000, s31;
	s1 =	sadd.s32 s1, s30  }
0xba: {  	s0 =	sor.u32 s3, s0;
	s1 =	sshll.u32 s1, $0x11  }
0xbb: {  	s0 =	sor.u32 s1, s0  }
0xbc: {  	s0 =	sadd.s32 $0x8F2B, s0  }
0xbd: {  	[sflag:s0] =	ssyncadd.remote.s32 $0x1  }
0xbe: {  	_ =	sfence.sel $0xFFFF  }
0xbf: {  	[dreg:$0x0] =	wrdreg $0xFFFFFFFF;
	(pc) =	sbr.abs _section_cstart, $3  }
0xc0: {  	[dreg:$0x1] =	wrdreg $0xFFFFFFFF  }
0xc1: {  	_ =	task.clear_ibuf [dreg:s7], $0x2FFFF;
	_ =	strace $0x9FFFFFFF  }
0xc2: {  	(tm) =	ssettm $0x7FFFFFFF  }
0xc3: {  	_ =	shalt  }
tec
execute0_lowered:
.L_overlay_start_1:
0x0: {  	(tag) =	ssettag $0x1  }
0x1: {  	s7 =	rddreg [dreg:$0x0]  }
0x2: {  	s2 =	rddreg [dreg:$0x1]  }
0x3: {  	s3 =	srdreg.scid;
	s0 =	rddreg [dreg:$0x2];
	s1 =	simm.s32 $0x0  }
0x4: {  	v0 =	vlaneseq.u32;
	s10 =	simm.s32 $0x8000;
	s11 =	simm.s32 $0x2;
	s12 =	simm.s32 $0x1  }
0x5: {  	s13 =	simm.s32 $0x8180;
	s14 =	simm.s32 $0x80;
	s15 =	simm.s32 $0x400;
	v0 =	vmul.u32 $0x80, v0  }
0x6: {  	s16 =	simm.s32 $0x8080;
	s5 =	sand.u32 $0x1, s3;
	[smem:$0x7FF] =	sst s1  }
0x7: {  	s3 =	sadd.s32 $0x1400, s2;
	s4 =	sadd.s32 $0x1C00, s2;
	s2 =	stileid.u32;
	v1 =	vor.u32 $0x1, v0;
	v2 =	vor.u32 $0x2, v0;
	v3 =	vor.u32 $0x3, v0  }
0x8: {  	s7 =	sadd.s32 $0xF000, s7;
	s6 =	ssub.s32 $0x2, s5;
	_ =	strace $0x80000047;
	v4 =	vor.u32 $0x4, v0;
	v5 =	vor.u32 $0x5, v0;
	v6 =	vor.u32 $0x6, v0  }
0x9: {  	s30 =	sshll.u32 s2, $0x2;
	s5 =	sshll.u32 s5, $0x1;
	s8 =	sshrl.u32 s6, $0x1;
	v7 =	vor.u32 $0x7, v0;
	v8 =	vor.u32 $0x8, v0;
	v9 =	vor.u32 $0x9, v0  }
0xa: {  	s31 =	sshrl.u32 s2, $0x1;
	s5 =	sor.u32 s5, s30;
	v10 =	vor.u32 $0xA, v0;
	v11 =	vor.u32 $0xB, v0;
	v12 =	vor.u32 $0xC, v0;
	s9 =	ssub.s32 s6, s8  }
0xb: {  	v13 =	vor.u32 $0xD, v0;
	v14 =	vor.u32 $0xE, v0;
	v15 =	vor.u32 $0xF, v0;
	s6 =	sshll.u32 s31, $0xA;
	s8 =	sshll.u32 s31, $0xB;
	s9 =	smax.u32 s9, $0x1  }
.LBB2_1:
0xc: {  	p1 =	por $0x1, $0x1;
	s17 =	simm.s32 $0x0  }
.LBB2_2:
0xd: {  	s19 =	sor.u32 s5, s17  }
0xe: {  	s17 =	sshll.u32 s19, $0x7  }
0xf: {  	s17 =	sand.u32 $0x380, s17  }
0x10: {  	s18 =	sor.u32 s6, s17  }
0x11: {  	s18 =	sshrl.u32 s18, $0x3  }
0x12: {  	s20 =	sadd.s32 s3, s18;
	s18 =	simm.s32 $0x0  }
0x13: {  	[tilespmem:s10], [sflag:$0x2] =	stream.linear.gather [hbm4b:s20+s18], $0x80, $0x38;
	[tilespmem:$0x8980] =	vst v63  }
0x14: {  	_ =	swait.ge [sflag:s11], $0x80  }
0x15: {  	[sflag:s11] =	ssyncset.done $0x0  }
0x16: {  	[sflag:s11] =	ssyncadd.s32 $0xFFFFFF80  }
0x17: {  	v16 =	vld [tilespmem:$0x8000];
	_ =	sdelay $0x1  }
0x18: {  	v17 =	vld [tilespmem:$0x8010]  }
0x19: {  	v18 =	vld [tilespmem:$0x8020]  }
0x1a: {  	v19 =	vld [tilespmem:$0x8030]  }
0x1b: {  	v20 =	vshrl.u32 v16, $0x10  }
0x1c: {  	v21 =	vld [tilespmem:$0x8040];
	v20 =	vand.u32 $0x1, v20  }
0x1d: {  	v22 =	vld [tilespmem:$0x8050];
	v16 =	vadd.s32 v20, v16;
	v20 =	vshrl.u32 v17, $0x10  }
0x1e: {  	v23 =	vshrl.u32 v18, $0x10;
	v16 =	vadd.s32 $0x7FFF, v16;
	v20 =	vand.u32 $0x1, v20  }
0x1f: {  	v25 =	vld [tilespmem:$0x8070];
	v17 =	vadd.s32 v20, v17;
	v20 =	vand.u32 $0x1, v23;
	v23 =	vshrl.u32 v19, $0x10  }
0x20: {  	v24 =	vld [tilespmem:$0x8060];
	v16 =	vand.u32 $0xFFFF0000, v16;
	v18 =	vadd.s32 v20, v18;
	v20 =	vand.u32 $0x1, v23  }
0x21: {  	v23 =	vshrl.u32 v21, $0x10;
	v17 =	vadd.s32 $0x7FFF, v17;
	v19 =	vadd.s32 v20, v19  }
0x22: {  	v20 =	vand.u32 $0x1, v23;
	v23 =	vshrl.u32 v22, $0x10;
	v17 =	vand.u32 $0xFFFF0000, v17  }
0x23: {  	v18 =	vadd.s32 $0x7FFF, v18;
	v20 =	vadd.s32 v20, v21;
	v21 =	vand.u32 $0x1, v23  }
0x24: {  	s19 =	sshll.u32 s19, $0x10;
	v18 =	vand.u32 $0xFFFF0000, v18;
	v23 =	vshrl.u32 v25, $0x10;
	v19 =	vadd.s32 $0x7FFF, v19  }
0x25: {  	s19 =	sadd.s32 s19, s7;
	v21 =	vadd.s32 v21, v22;
	v22 =	vshrl.u32 v24, $0x10;
	v20 =	vadd.s32 $0x7FFF, v20  }
0x26: {  	[tilespmem:s18], [sflag:$0x1] =	stream.linear.gather [hbm4b:s19+s18], $0x8000, $0x38;
	v23 =	vand.u32 $0x1, v23;
	v19 =	vand.u32 $0xFFFF0000, v19;
	v22 =	vand.u32 $0x1, v22;
	[tilespmem:$0x8980] =	vst v63  }
0x27: {  	_ =	swait.ge [sflag:s12], $0x8000;
	v20 =	vand.u32 $0xFFFF0000, v20;
	v23 =	vadd.s32 v23, v25;
	v22 =	vadd.s32 v22, v24  }
0x28: {  	[sflag:s12] =	ssyncset.done $0x0;
	v21 =	vadd.s32 $0x7FFF, v21;
	v23 =	vadd.s32 $0x7FFF, v23;
	v22 =	vadd.s32 $0x7FFF, v22  }
0x29: {  	p0 =	por p1, p1;
	s19 =	simm.s32 $0x400;
	[sflag:s12] =	ssyncadd.s32 $0xFFFF8000;
	v21 =	vand.u32 $0xFFFF0000, v21;
	v23 =	vand.u32 $0xFFFF0000, v23;
	v22 =	vand.u32 $0xFFFF0000, v22  }
.LBB2_3:
0x2a: {  	v24 =	vld [tilespmem:s19+$0xFFFFFC00]  }
0x2b: {  	v25 =	vld [tilespmem:s19+$0xFFFFFC10]  }
0x2c: {  	v26 =	vld [tilespmem:s19+$0xFFFFFC20]  }
0x2d: {  	v28 =	vld [tilespmem:s19+$0xFFFFFC30]  }
0x2e: {  	v39 =	vld [tilespmem:s19+$0xFFFFFC40]  }
0x2f: {  	v31 =	vld [tilespmem:s19+$0xFFFFFC50]  }
0x30: {  	v42 =	vld [tilespmem:s19+$0xFFFFFC60]  }
0x31: {  	v32 =	vld [tilespmem:s19+$0xFFFFFC70];
	_ =	sdelay $0x2  }
0x32: {  	v27 =	vshrl.u32 v24, $0x10;
	v29 =	vshrl.u32 v25, $0x10  }
0x33: {  	v40 =	vshrl.u32 v26, $0x10;
	v30 =	vshrl.u32 v28, $0x10;
	v43 =	vshrl.u32 v39, $0x10  }
0x34: {  	v44 =	vshrl.u32 v31, $0x10;
	v47 =	vshrl.u32 v42, $0x10;
	v48 =	vshrl.u32 v32, $0x10  }
0x35: {  	v27 =	vand.u32 $0x1, v27;
	v38 =	vand.u32 $0x1, v29;
	v29 =	vand.u32 $0x1, v40  }
0x36: {  	v41 =	vand.u32 $0x1, v30;
	v30 =	vand.u32 $0x1, v43;
	v46 =	vand.u32 $0x1, v44  }
0x37: {  	v24 =	vadd.s32 v27, v24;
	v25 =	vadd.s32 v38, v25;
	v26 =	vadd.s32 v29, v26  }
0x38: {  	v28 =	vadd.s32 v41, v28;
	v27 =	vadd.s32 v30, v39;
	v30 =	vand.u32 $0x1, v48  }
0x39: {  	v24 =	vadd.s32 $0x7FFF, v24;
	v25 =	vadd.s32 $0x7FFF, v25;
	v26 =	vadd.s32 $0x7FFF, v26  }
0x3a: {  	v28 =	vadd.s32 $0x7FFF, v28;
	v45 =	vadd.s32 $0x7FFF, v27;
	v27 =	vadd.s32 v46, v31  }
0x3b: {  	v49 =	vadd.s32 v30, v32;
	v24 =	vand.u32 $0xFFFF0000, v24;
	v25 =	vand.u32 $0xFFFF0000, v25  }
0x3c: {  	v26 =	vand.u32 $0xFFFF0000, v26;
	v28 =	vand.u32 $0xFFFF0000, v28;
	v27 =	vadd.s32 $0x7FFF, v27  }
0x3d: {  	v29 =	vadd.s32 $0x7FFF, v49;
	v26 =	vmul.f32 v26, v18;
	v28 =	vmul.f32 v28, v19  }
0x3e: {  	v24 =	vmul.f32 v24, v16;
	v25 =	vmul.f32 v25, v17;
	v27 =	vand.u32 $0xFFFF0000, v27  }
0x3f: {  	v51 =	vand.u32 $0xFFFF0000, v29;
	v26 =	vadd.f32 v28, v26;
	v28 =	vand.u32 $0x1, v47  }
0x40: {  	v24 =	vadd.f32 v25, v24;
	v25 =	vand.u32 $0xFFFF0000, v45;
	v28 =	vadd.s32 v28, v42  }
0x41: {  	v27 =	vmul.f32 v27, v21;
	v25 =	vmul.f32 v25, v20;
	v28 =	vadd.s32 $0x7FFF, v28  }
0x42: {  	v52 =	vmul.f32 v51, v23;
	v50 =	vand.u32 $0xFFFF0000, v28  }
0x43: {  	v24 =	vadd.f32 v26, v24;
	v25 =	vadd.f32 v27, v25;
	v26 =	vmul.f32 v50, v22;
	_ =	sdelay $0x1  }
0x44: {  	v24 =	vadd.f32 v25, v24;
	v53 =	vadd.f32 v52, v26;
	_ =	sdelay $0x1  }
0x45: {  	v24 =	vadd.f32 v53, v24;
	_ =	sdelay $0x1  }
0x46: {  	[tilespmem:$0x8180] =	vst v24  }
0x47: {  	v24 =	vld [tilespmem:s19+$0xFFFFFC80]  }
0x48: {  	v54 =	vld [tilespmem:s19+$0xFFFFFC90]  }
0x49: {  	v55 =	vld [tilespmem:s19+$0xFFFFFCA0]  }
0x4a: {  	v57 =	vld [tilespmem:s19+$0xFFFFFCB0]  }
0x4b: {  	v60 =	vld [tilespmem:s19+$0xFFFFFCC0]  }
0x4c: {  	v63 =	vld [tilespmem:s19+$0xFFFFFCD0]  }
0x4d: {  	v37 =	vld [tilespmem:s19+$0xFFFFFCE0]  }
0x4e: {  	v39 =	vld [tilespmem:s19+$0xFFFFFCF0];
	_ =	sdelay $0x2  }
0x4f: {  	v56 =	vshrl.u32 v24, $0x10;
	v58 =	vshrl.u32 v54, $0x10  }
0x50: {  	v61 =	vshrl.u32 v55, $0x10;
	v62 =	vshrl.u32 v57, $0x10;
	v38 =	vshrl.u32 v60, $0x10  }
0x51: {  	v40 =	vshrl.u32 v63, $0x10;
	v43 =	vshrl.u32 v37, $0x10;
	v44 =	vshrl.u32 v39, $0x10  }
0x52: {  	v27 =	vand.u32 $0x1, v56;
	v59 =	vand.u32 $0x1, v58;
	v29 =	vand.u32 $0x1, v61  }
0x53: {  	v36 =	vand.u32 $0x1, v62;
	v30 =	vand.u32 $0x1, v38;
	v42 =	vand.u32 $0x1, v40  }
0x54: {  	v24 =	vadd.s32 v27, v24;
	v25 =	vadd.s32 v59, v54;
	v26 =	vadd.s32 v29, v55  }
0x55: {  	v28 =	vadd.s32 v36, v57;
	v27 =	vadd.s32 v30, v60;
	v30 =	vand.u32 $0x1, v44  }
0x56: {  	v24 =	vadd.s32 $0x7FFF, v24;
	v25 =	vadd.s32 $0x7FFF, v25;
	v26 =	vadd.s32 $0x7FFF, v26  }
0x57: {  	v28 =	vadd.s32 $0x7FFF, v28;
	v41 =	vadd.s32 $0x7FFF, v27;
	v27 =	vadd.s32 v42, v63  }
0x58: {  	v45 =	vadd.s32 v30, v39;
	v24 =	vand.u32 $0xFFFF0000, v24;
	v25 =	vand.u32 $0xFFFF0000, v25  }
0x59: {  	v26 =	vand.u32 $0xFFFF0000, v26;
	v28 =	vand.u32 $0xFFFF0000, v28;
	v27 =	vadd.s32 $0x7FFF, v27  }
0x5a: {  	v29 =	vadd.s32 $0x7FFF, v45;
	v26 =	vmul.f32 v26, v18;
	v28 =	vmul.f32 v28, v19  }
0x5b: {  	v24 =	vmul.f32 v24, v16;
	v25 =	vmul.f32 v25, v17;
	v27 =	vand.u32 $0xFFFF0000, v27  }
0x5c: {  	v47 =	vand.u32 $0xFFFF0000, v29;
	v26 =	vadd.f32 v28, v26;
	v28 =	vand.u32 $0x1, v43  }
0x5d: {  	v24 =	vadd.f32 v25, v24;
	v25 =	vand.u32 $0xFFFF0000, v41;
	v28 =	vadd.s32 v28, v37  }
0x5e: {  	v27 =	vmul.f32 v27, v21;
	v25 =	vmul.f32 v25, v20;
	v28 =	vadd.s32 $0x7FFF, v28  }
0x5f: {  	v48 =	vmul.f32 v47, v23;
	v46 =	vand.u32 $0xFFFF0000, v28  }
0x60: {  	v24 =	vadd.f32 v26, v24;
	v25 =	vadd.f32 v27, v25;
	v26 =	vmul.f32 v46, v22;
	_ =	sdelay $0x1  }
0x61: {  	v24 =	vadd.f32 v25, v24;
	v49 =	vadd.f32 v48, v26;
	_ =	sdelay $0x1  }
0x62: {  	v24 =	vadd.f32 v49, v24;
	_ =	sdelay $0x1  }
0x63: {  	[tilespmem:$0x8200] =	vst v24  }
0x64: {  	v24 =	vld [tilespmem:s19+$0xFFFFFD00]  }
0x65: {  	v50 =	vld [tilespmem:s19+$0xFFFFFD10]  }
0x66: {  	v51 =	vld [tilespmem:s19+$0xFFFFFD20]  }
0x67: {  	v53 =	vld [tilespmem:s19+$0xFFFFFD30]  }
0x68: {  	v56 =	vld [tilespmem:s19+$0xFFFFFD40]  }
0x69: {  	v59 =	vld [tilespmem:s19+$0xFFFFFD50]  }
0x6a: {  	v61 =	vld [tilespmem:s19+$0xFFFFFD60]  }
0x6b: {  	v63 =	vld [tilespmem:s19+$0xFFFFFD70];
	_ =	sdelay $0x2  }
0x6c: {  	v52 =	vshrl.u32 v24, $0x10;
	v54 =	vshrl.u32 v50, $0x10  }
0x6d: {  	v57 =	vshrl.u32 v51, $0x10;
	v58 =	vshrl.u32 v53, $0x10;
	v62 =	vshrl.u32 v56, $0x10  }
0x6e: {  	v35 =	vshrl.u32 v59, $0x10;
	v38 =	vshrl.u32 v61, $0x10;
	v39 =	vshrl.u32 v63, $0x10  }
0x6f: {  	v27 =	vand.u32 $0x1, v52;
	v55 =	vand.u32 $0x1, v54;
	v29 =	vand.u32 $0x1, v57  }
0x70: {  	v60 =	vand.u32 $0x1, v58;
	v30 =	vand.u32 $0x1, v62;
	v37 =	vand.u32 $0x1, v35  }
0x71: {  	v24 =	vadd.s32 v27, v24;
	v25 =	vadd.s32 v55, v50;
	v26 =	vadd.s32 v29, v51  }
0x72: {  	v28 =	vadd.s32 v60, v53;
	v27 =	vadd.s32 v30, v56;
	v30 =	vand.u32 $0x1, v39  }
0x73: {  	v24 =	vadd.s32 $0x7FFF, v24;
	v25 =	vadd.s32 $0x7FFF, v25;
	v26 =	vadd.s32 $0x7FFF, v26  }
0x74: {  	v28 =	vadd.s32 $0x7FFF, v28;
	v36 =	vadd.s32 $0x7FFF, v27;
	v27 =	vadd.s32 v37, v59  }
0x75: {  	v40 =	vadd.s32 v30, v63;
	v24 =	vand.u32 $0xFFFF0000, v24;
	v25 =	vand.u32 $0xFFFF0000, v25  }
0x76: {  	v26 =	vand.u32 $0xFFFF0000, v26;
	v28 =	vand.u32 $0xFFFF0000, v28;
	v27 =	vadd.s32 $0x7FFF, v27  }
0x77: {  	v29 =	vadd.s32 $0x7FFF, v40;
	v26 =	vmul.f32 v26, v18;
	v28 =	vmul.f32 v28, v19  }
0x78: {  	v24 =	vmul.f32 v24, v16;
	v25 =	vmul.f32 v25, v17;
	v27 =	vand.u32 $0xFFFF0000, v27  }
0x79: {  	v42 =	vand.u32 $0xFFFF0000, v29;
	v26 =	vadd.f32 v28, v26;
	v28 =	vand.u32 $0x1, v38  }
0x7a: {  	v24 =	vadd.f32 v25, v24;
	v25 =	vand.u32 $0xFFFF0000, v36;
	v28 =	vadd.s32 v28, v61  }
0x7b: {  	v27 =	vmul.f32 v27, v21;
	v25 =	vmul.f32 v25, v20;
	v28 =	vadd.s32 $0x7FFF, v28  }
0x7c: {  	v43 =	vmul.f32 v42, v23;
	v41 =	vand.u32 $0xFFFF0000, v28  }
0x7d: {  	v24 =	vadd.f32 v26, v24;
	v25 =	vadd.f32 v27, v25;
	v26 =	vmul.f32 v41, v22;
	_ =	sdelay $0x1  }
0x7e: {  	v24 =	vadd.f32 v25, v24;
	v44 =	vadd.f32 v43, v26;
	_ =	sdelay $0x1  }
0x7f: {  	v24 =	vadd.f32 v44, v24;
	_ =	sdelay $0x1  }
0x80: {  	[tilespmem:$0x8280] =	vst v24  }
0x81: {  	v24 =	vld [tilespmem:s19+$0xFFFFFD80]  }
0x82: {  	v45 =	vld [tilespmem:s19+$0xFFFFFD90]  }
0x83: {  	v46 =	vld [tilespmem:s19+$0xFFFFFDA0]  }
0x84: {  	v48 =	vld [tilespmem:s19+$0xFFFFFDB0]  }
0x85: {  	v51 =	vld [tilespmem:s19+$0xFFFFFDC0]  }
0x86: {  	v54 =	vld [tilespmem:s19+$0xFFFFFDD0]  }
0x87: {  	v56 =	vld [tilespmem:s19+$0xFFFFFDE0]  }
0x88: {  	v58 =	vld [tilespmem:s19+$0xFFFFFDF0];
	_ =	sdelay $0x2  }
0x89: {  	v47 =	vshrl.u32 v24, $0x10;
	v49 =	vshrl.u32 v45, $0x10  }
0x8a: {  	v52 =	vshrl.u32 v46, $0x10;
	v53 =	vshrl.u32 v48, $0x10;
	v57 =	vshrl.u32 v51, $0x10  }
0x8b: {  	v59 =	vshrl.u32 v54, $0x10;
	v62 =	vshrl.u32 v56, $0x10;
	v63 =	vshrl.u32 v58, $0x10  }
0x8c: {  	v27 =	vand.u32 $0x1, v47;
	v50 =	vand.u32 $0x1, v49;
	v29 =	vand.u32 $0x1, v52  }
0x8d: {  	v55 =	vand.u32 $0x1, v53;
	v30 =	vand.u32 $0x1, v57;
	v61 =	vand.u32 $0x1, v59  }
0x8e: {  	v24 =	vadd.s32 v27, v24;
	v25 =	vadd.s32 v50, v45;
	v26 =	vadd.s32 v29, v46  }
0x8f: {  	v28 =	vadd.s32 v55, v48;
	v27 =	vadd.s32 v30, v51;
	v30 =	vand.u32 $0x1, v63  }
0x90: {  	v24 =	vadd.s32 $0x7FFF, v24;
	v25 =	vadd.s32 $0x7FFF, v25;
	v26 =	vadd.s32 $0x7FFF, v26  }
0x91: {  	v28 =	vadd.s32 $0x7FFF, v28;
	v60 =	vadd.s32 $0x7FFF, v27;
	v27 =	vadd.s32 v61, v54  }
0x92: {  	v33 =	vadd.s32 v30, v58;
	v24 =	vand.u32 $0xFFFF0000, v24;
	v25 =	vand.u32 $0xFFFF0000, v25  }
0x93: {  	v26 =	vand.u32 $0xFFFF0000, v26;
	v28 =	vand.u32 $0xFFFF0000, v28;
	v27 =	vadd.s32 $0x7FFF, v27  }
0x94: {  	v29 =	vadd.s32 $0x7FFF, v33;
	v26 =	vmul.f32 v26, v18;
	v28 =	vmul.f32 v28, v19  }
0x95: {  	v24 =	vmul.f32 v24, v16;
	v25 =	vmul.f32 v25, v17;
	v27 =	vand.u32 $0xFFFF0000, v27  }
0x96: {  	v35 =	vand.u32 $0xFFFF0000, v29;
	v26 =	vadd.f32 v28, v26;
	v28 =	vand.u32 $0x1, v62  }
0x97: {  	v24 =	vadd.f32 v25, v24;
	v25 =	vand.u32 $0xFFFF0000, v60;
	v28 =	vadd.s32 v28, v56  }
0x98: {  	v27 =	vmul.f32 v27, v21;
	v25 =	vmul.f32 v25, v20;
	v28 =	vadd.s32 $0x7FFF, v28  }
0x99: {  	v36 =	vmul.f32 v35, v23;
	v34 =	vand.u32 $0xFFFF0000, v28  }
0x9a: {  	v24 =	vadd.f32 v26, v24;
	v25 =	vadd.f32 v27, v25;
	v26 =	vmul.f32 v34, v22;
	_ =	sdelay $0x1  }
0x9b: {  	v24 =	vadd.f32 v25, v24;
	v37 =	vadd.f32 v36, v26;
	_ =	sdelay $0x1  }
0x9c: {  	v24 =	vadd.f32 v37, v24;
	_ =	sdelay $0x1  }
0x9d: {  	[tilespmem:$0x8300] =	vst v24  }
0x9e: {  	v24 =	vld [tilespmem:s19+$0xFFFFFE00]  }
0x9f: {  	v38 =	vld [tilespmem:s19+$0xFFFFFE10]  }
0xa0: {  	v39 =	vld [tilespmem:s19+$0xFFFFFE20]  }
0xa1: {  	v41 =	vld [tilespmem:s19+$0xFFFFFE30]  }
0xa2: {  	v44 =	vld [tilespmem:s19+$0xFFFFFE40]  }
0xa3: {  	v47 =	vld [tilespmem:s19+$0xFFFFFE50]  }
0xa4: {  	v49 =	vld [tilespmem:s19+$0xFFFFFE60]  }
0xa5: {  	v51 =	vld [tilespmem:s19+$0xFFFFFE70];
	_ =	sdelay $0x2  }
0xa6: {  	v40 =	vshrl.u32 v24, $0x10;
	v42 =	vshrl.u32 v38, $0x10  }
0xa7: {  	v45 =	vshrl.u32 v39, $0x10;
	v46 =	vshrl.u32 v41, $0x10;
	v50 =	vshrl.u32 v44, $0x10  }
0xa8: {  	v52 =	vshrl.u32 v47, $0x10;
	v55 =	vshrl.u32 v49, $0x10;
	v56 =	vshrl.u32 v51, $0x10  }
0xa9: {  	v27 =	vand.u32 $0x1, v40;
	v43 =	vand.u32 $0x1, v42;
	v29 =	vand.u32 $0x1, v45  }
0xaa: {  	v48 =	vand.u32 $0x1, v46;
	v30 =	vand.u32 $0x1, v50;
	v54 =	vand.u32 $0x1, v52  }
0xab: {  	v24 =	vadd.s32 v27, v24;
	v25 =	vadd.s32 v43, v38;
	v26 =	vadd.s32 v29, v39  }
0xac: {  	v28 =	vadd.s32 v48, v41;
	v27 =	vadd.s32 v30, v44;
	v30 =	vand.u32 $0x1, v56  }
0xad: {  	v24 =	vadd.s32 $0x7FFF, v24;
	v25 =	vadd.s32 $0x7FFF, v25;
	v26 =	vadd.s32 $0x7FFF, v26  }
0xae: {  	v28 =	vadd.s32 $0x7FFF, v28;
	v53 =	vadd.s32 $0x7FFF, v27;
	v27 =	vadd.s32 v54, v47  }
0xaf: {  	v57 =	vadd.s32 v30, v51;
	v24 =	vand.u32 $0xFFFF0000, v24;
	v25 =	vand.u32 $0xFFFF0000, v25  }
0xb0: {  	v26 =	vand.u32 $0xFFFF0000, v26;
	v28 =	vand.u32 $0xFFFF0000, v28;
	v27 =	vadd.s32 $0x7FFF, v27  }
0xb1: {  	v29 =	vadd.s32 $0x7FFF, v57;
	v26 =	vmul.f32 v26, v18;
	v28 =	vmul.f32 v28, v19  }
0xb2: {  	v24 =	vmul.f32 v24, v16;
	v25 =	vmul.f32 v25, v17;
	v27 =	vand.u32 $0xFFFF0000, v27  }
0xb3: {  	v59 =	vand.u32 $0xFFFF0000, v29;
	v26 =	vadd.f32 v28, v26;
	v28 =	vand.u32 $0x1, v55  }
0xb4: {  	v24 =	vadd.f32 v25, v24;
	v25 =	vand.u32 $0xFFFF0000, v53;
	v28 =	vadd.s32 v28, v49  }
0xb5: {  	v27 =	vmul.f32 v27, v21;
	v25 =	vmul.f32 v25, v20;
	v28 =	vadd.s32 $0x7FFF, v28  }
0xb6: {  	v60 =	vmul.f32 v59, v23;
	v58 =	vand.u32 $0xFFFF0000, v28  }
0xb7: {  	v24 =	vadd.f32 v26, v24;
	v25 =	vadd.f32 v27, v25;
	v26 =	vmul.f32 v58, v22;
	_ =	sdelay $0x1  }
0xb8: {  	v24 =	vadd.f32 v25, v24;
	v61 =	vadd.f32 v60, v26;
	_ =	sdelay $0x1  }
0xb9: {  	v24 =	vadd.f32 v61, v24;
	_ =	sdelay $0x1  }
0xba: {  	[tilespmem:$0x8380] =	vst v24  }
0xbb: {  	v24 =	vld [tilespmem:s19+$0xFFFFFE80]  }
0xbc: {  	v62 =	vld [tilespmem:s19+$0xFFFFFE90]  }
0xbd: {  	v63 =	vld [tilespmem:s19+$0xFFFFFEA0]  }
0xbe: {  	v33 =	vld [tilespmem:s19+$0xFFFFFEB0]  }
0xbf: {  	v36 =	vld [tilespmem:s19+$0xFFFFFEC0]  }
0xc0: {  	v39 =	vld [tilespmem:s19+$0xFFFFFED0]  }
0xc1: {  	v41 =	vld [tilespmem:s19+$0xFFFFFEE0]  }
0xc2: {  	v43 =	vld [tilespmem:s19+$0xFFFFFEF0];
	_ =	sdelay $0x2  }
0xc3: {  	v32 =	vshrl.u32 v24, $0x10;
	v34 =	vshrl.u32 v62, $0x10  }
0xc4: {  	v37 =	vshrl.u32 v63, $0x10;
	v38 =	vshrl.u32 v33, $0x10;
	v42 =	vshrl.u32 v36, $0x10  }
0xc5: {  	v44 =	vshrl.u32 v39, $0x10;
	v47 =	vshrl.u32 v41, $0x10;
	v48 =	vshrl.u32 v43, $0x10  }
0xc6: {  	v27 =	vand.u32 $0x1, v32;
	v35 =	vand.u32 $0x1, v34;
	v29 =	vand.u32 $0x1, v37  }
0xc7: {  	v40 =	vand.u32 $0x1, v38;
	v30 =	vand.u32 $0x1, v42;
	v46 =	vand.u32 $0x1, v44  }
0xc8: {  	v24 =	vadd.s32 v27, v24;
	v25 =	vadd.s32 v35, v62;
	v26 =	vadd.s32 v29, v63  }
0xc9: {  	v28 =	vadd.s32 v40, v33;
	v27 =	vadd.s32 v30, v36;
	v30 =	vand.u32 $0x1, v48  }
0xca: {  	v24 =	vadd.s32 $0x7FFF, v24;
	v25 =	vadd.s32 $0x7FFF, v25;
	v26 =	vadd.s32 $0x7FFF, v26  }
0xcb: {  	v28 =	vadd.s32 $0x7FFF, v28;
	v45 =	vadd.s32 $0x7FFF, v27;
	v27 =	vadd.s32 v46, v39  }
0xcc: {  	v49 =	vadd.s32 v30, v43;
	v24 =	vand.u32 $0xFFFF0000, v24;
	v25 =	vand.u32 $0xFFFF0000, v25  }
0xcd: {  	v26 =	vand.u32 $0xFFFF0000, v26;
	v28 =	vand.u32 $0xFFFF0000, v28;
	v27 =	vadd.s32 $0x7FFF, v27  }
0xce: {  	v29 =	vadd.s32 $0x7FFF, v49;
	v26 =	vmul.f32 v26, v18;
	v28 =	vmul.f32 v28, v19  }
0xcf: {  	v24 =	vmul.f32 v24, v16;
	v25 =	vmul.f32 v25, v17;
	v27 =	vand.u32 $0xFFFF0000, v27  }
0xd0: {  	v51 =	vand.u32 $0xFFFF0000, v29;
	v26 =	vadd.f32 v28, v26;
	v28 =	vand.u32 $0x1, v47  }
0xd1: {  	v24 =	vadd.f32 v25, v24;
	v25 =	vand.u32 $0xFFFF0000, v45;
	v28 =	vadd.s32 v28, v41  }
0xd2: {  	v27 =	vmul.f32 v27, v21;
	v25 =	vmul.f32 v25, v20;
	v28 =	vadd.s32 $0x7FFF, v28  }
0xd3: {  	v52 =	vmul.f32 v51, v23;
	v50 =	vand.u32 $0xFFFF0000, v28  }
0xd4: {  	v24 =	vadd.f32 v26, v24;
	v25 =	vadd.f32 v27, v25;
	v26 =	vmul.f32 v50, v22;
	_ =	sdelay $0x1  }
0xd5: {  	v24 =	vadd.f32 v25, v24;
	v53 =	vadd.f32 v52, v26;
	_ =	sdelay $0x1  }
0xd6: {  	v24 =	vadd.f32 v53, v24;
	_ =	sdelay $0x1  }
0xd7: {  	[tilespmem:$0x8400] =	vst v24  }
0xd8: {  	v24 =	vld [tilespmem:s19+$0xFFFFFF00]  }
0xd9: {  	v54 =	vld [tilespmem:s19+$0xFFFFFF10]  }
0xda: {  	v55 =	vld [tilespmem:s19+$0xFFFFFF20]  }
0xdb: {  	v57 =	vld [tilespmem:s19+$0xFFFFFF30]  }
0xdc: {  	v60 =	vld [tilespmem:s19+$0xFFFFFF40]  }
0xdd: {  	v63 =	vld [tilespmem:s19+$0xFFFFFF50]  }
0xde: {  	v37 =	vld [tilespmem:s19+$0xFFFFFF60]  }
0xdf: {  	v39 =	vld [tilespmem:s19+$0xFFFFFF70];
	_ =	sdelay $0x2  }
0xe0: {  	v56 =	vshrl.u32 v24, $0x10;
	v58 =	vshrl.u32 v54, $0x10  }
0xe1: {  	v61 =	vshrl.u32 v55, $0x10;
	v62 =	vshrl.u32 v57, $0x10;
	v38 =	vshrl.u32 v60, $0x10  }
0xe2: {  	v40 =	vshrl.u32 v63, $0x10;
	v43 =	vshrl.u32 v37, $0x10;
	v44 =	vshrl.u32 v39, $0x10  }
0xe3: {  	v27 =	vand.u32 $0x1, v56;
	v59 =	vand.u32 $0x1, v58;
	v29 =	vand.u32 $0x1, v61  }
0xe4: {  	v36 =	vand.u32 $0x1, v62;
	v30 =	vand.u32 $0x1, v38;
	v42 =	vand.u32 $0x1, v40  }
0xe5: {  	v24 =	vadd.s32 v27, v24;
	v25 =	vadd.s32 v59, v54;
	v26 =	vadd.s32 v29, v55  }
0xe6: {  	v28 =	vadd.s32 v36, v57;
	v27 =	vadd.s32 v30, v60;
	v30 =	vand.u32 $0x1, v44  }
0xe7: {  	v24 =	vadd.s32 $0x7FFF, v24;
	v25 =	vadd.s32 $0x7FFF, v25;
	v26 =	vadd.s32 $0x7FFF, v26  }
0xe8: {  	v28 =	vadd.s32 $0x7FFF, v28;
	v41 =	vadd.s32 $0x7FFF, v27;
	v27 =	vadd.s32 v42, v63  }
0xe9: {  	v45 =	vadd.s32 v30, v39;
	v24 =	vand.u32 $0xFFFF0000, v24;
	v25 =	vand.u32 $0xFFFF0000, v25  }
0xea: {  	v26 =	vand.u32 $0xFFFF0000, v26;
	v28 =	vand.u32 $0xFFFF0000, v28;
	v27 =	vadd.s32 $0x7FFF, v27  }
0xeb: {  	v29 =	vadd.s32 $0x7FFF, v45;
	v26 =	vmul.f32 v26, v18;
	v28 =	vmul.f32 v28, v19  }
0xec: {  	v24 =	vmul.f32 v24, v16;
	v25 =	vmul.f32 v25, v17;
	v27 =	vand.u32 $0xFFFF0000, v27  }
0xed: {  	v47 =	vand.u32 $0xFFFF0000, v29;
	v26 =	vadd.f32 v28, v26;
	v28 =	vand.u32 $0x1, v43  }
0xee: {  	v24 =	vadd.f32 v25, v24;
	v25 =	vand.u32 $0xFFFF0000, v41;
	v28 =	vadd.s32 v28, v37  }
0xef: {  	v27 =	vmul.f32 v27, v21;
	v25 =	vmul.f32 v25, v20;
	v28 =	vadd.s32 $0x7FFF, v28  }
0xf0: {  	v48 =	vmul.f32 v47, v23;
	v46 =	vand.u32 $0xFFFF0000, v28  }
0xf1: {  	v24 =	vadd.f32 v26, v24;
	v25 =	vadd.f32 v27, v25;
	v26 =	vmul.f32 v46, v22;
	_ =	sdelay $0x1  }
0xf2: {  	v24 =	vadd.f32 v25, v24;
	v49 =	vadd.f32 v48, v26;
	_ =	sdelay $0x1  }
0xf3: {  	v24 =	vadd.f32 v49, v24;
	_ =	sdelay $0x1  }
0xf4: {  	[tilespmem:$0x8480] =	vst v24  }
0xf5: {  	v24 =	vld [tilespmem:s19+$0xFFFFFF80]  }
0xf6: {  	v50 =	vld [tilespmem:s19+$0xFFFFFF90]  }
0xf7: {  	v51 =	vld [tilespmem:s19+$0xFFFFFFA0]  }
0xf8: {  	v53 =	vld [tilespmem:s19+$0xFFFFFFB0]  }
0xf9: {  	v56 =	vld [tilespmem:s19+$0xFFFFFFC0]  }
0xfa: {  	v59 =	vld [tilespmem:s19+$0xFFFFFFD0]  }
0xfb: {  	v61 =	vld [tilespmem:s19+$0xFFFFFFE0]  }
0xfc: {  	v63 =	vld [tilespmem:s19+$0xFFFFFFF0];
	_ =	sdelay $0x2  }
0xfd: {  	v52 =	vshrl.u32 v24, $0x10;
	v54 =	vshrl.u32 v50, $0x10  }
0xfe: {  	v57 =	vshrl.u32 v51, $0x10;
	v58 =	vshrl.u32 v53, $0x10;
	v62 =	vshrl.u32 v56, $0x10  }
0xff: {  	v35 =	vshrl.u32 v59, $0x10;
	v38 =	vshrl.u32 v61, $0x10;
	v39 =	vshrl.u32 v63, $0x10  }
0x100: {  	v27 =	vand.u32 $0x1, v52;
	v55 =	vand.u32 $0x1, v54;
	v29 =	vand.u32 $0x1, v57  }
0x101: {  	v60 =	vand.u32 $0x1, v58;
	v30 =	vand.u32 $0x1, v62;
	v37 =	vand.u32 $0x1, v35  }
0x102: {  	v24 =	vadd.s32 v27, v24;
	v25 =	vadd.s32 v55, v50;
	v26 =	vadd.s32 v29, v51  }
0x103: {  	v28 =	vadd.s32 v60, v53;
	v27 =	vadd.s32 v30, v56;
	v30 =	vand.u32 $0x1, v39  }
0x104: {  	v24 =	vadd.s32 $0x7FFF, v24;
	v25 =	vadd.s32 $0x7FFF, v25;
	v26 =	vadd.s32 $0x7FFF, v26  }
0x105: {  	v28 =	vadd.s32 $0x7FFF, v28;
	v36 =	vadd.s32 $0x7FFF, v27;
	v27 =	vadd.s32 v37, v59  }
0x106: {  	v40 =	vadd.s32 v30, v63;
	v24 =	vand.u32 $0xFFFF0000, v24;
	v25 =	vand.u32 $0xFFFF0000, v25  }
0x107: {  	v26 =	vand.u32 $0xFFFF0000, v26;
	v28 =	vand.u32 $0xFFFF0000, v28;
	v27 =	vadd.s32 $0x7FFF, v27  }
0x108: {  	v29 =	vadd.s32 $0x7FFF, v40;
	v26 =	vmul.f32 v26, v18;
	v28 =	vmul.f32 v28, v19  }
0x109: {  	v24 =	vmul.f32 v24, v16;
	v25 =	vmul.f32 v25, v17;
	v27 =	vand.u32 $0xFFFF0000, v27  }
0x10a: {  	v42 =	vand.u32 $0xFFFF0000, v29;
	v26 =	vadd.f32 v28, v26;
	v28 =	vand.u32 $0x1, v38  }
0x10b: {  	v24 =	vadd.f32 v25, v24;
	v25 =	vand.u32 $0xFFFF0000, v36;
	v28 =	vadd.s32 v28, v61  }
0x10c: {  	v27 =	vmul.f32 v27, v21;
	v25 =	vmul.f32 v25, v20;
	v28 =	vadd.s32 $0x7FFF, v28  }
0x10d: {  	v43 =	vmul.f32 v42, v23;
	v41 =	vand.u32 $0xFFFF0000, v28  }
0x10e: {  	v24 =	vadd.f32 v26, v24;
	v25 =	vadd.f32 v27, v25;
	v26 =	vmul.f32 v41, v22;
	_ =	sdelay $0x1  }
0x10f: {  	v24 =	vadd.f32 v25, v24;
	v44 =	vadd.f32 v43, v26;
	_ =	sdelay $0x1  }
0x110: {  	v24 =	vadd.f32 v44, v24;
	_ =	sdelay $0x1  }
0x111: {  	[tilespmem:$0x8500] =	vst v24  }
0x112: {  	v24 =	vld [tilespmem:s19+$0x0]  }
0x113: {  	v45 =	vld [tilespmem:s19+$0x10]  }
0x114: {  	v46 =	vld [tilespmem:s19+$0x20]  }
0x115: {  	v48 =	vld [tilespmem:s19+$0x30]  }
0x116: {  	v51 =	vld [tilespmem:s19+$0x40]  }
0x117: {  	v54 =	vld [tilespmem:s19+$0x50]  }
0x118: {  	v56 =	vld [tilespmem:s19+$0x60]  }
0x119: {  	v58 =	vld [tilespmem:s19+$0x70];
	_ =	sdelay $0x2  }
0x11a: {  	v47 =	vshrl.u32 v24, $0x10;
	v49 =	vshrl.u32 v45, $0x10  }
0x11b: {  	v52 =	vshrl.u32 v46, $0x10;
	v53 =	vshrl.u32 v48, $0x10;
	v57 =	vshrl.u32 v51, $0x10  }
0x11c: {  	v59 =	vshrl.u32 v54, $0x10;
	v62 =	vshrl.u32 v56, $0x10;
	v63 =	vshrl.u32 v58, $0x10  }
0x11d: {  	v27 =	vand.u32 $0x1, v47;
	v50 =	vand.u32 $0x1, v49;
	v29 =	vand.u32 $0x1, v52  }
0x11e: {  	v55 =	vand.u32 $0x1, v53;
	v30 =	vand.u32 $0x1, v57;
	v61 =	vand.u32 $0x1, v59  }
0x11f: {  	v24 =	vadd.s32 v27, v24;
	v25 =	vadd.s32 v50, v45;
	v26 =	vadd.s32 v29, v46  }
0x120: {  	v28 =	vadd.s32 v55, v48;
	v27 =	vadd.s32 v30, v51;
	v30 =	vand.u32 $0x1, v63  }
0x121: {  	v24 =	vadd.s32 $0x7FFF, v24;
	v25 =	vadd.s32 $0x7FFF, v25;
	v26 =	vadd.s32 $0x7FFF, v26  }
0x122: {  	v28 =	vadd.s32 $0x7FFF, v28;
	v60 =	vadd.s32 $0x7FFF, v27;
	v27 =	vadd.s32 v61, v54  }
0x123: {  	v33 =	vadd.s32 v30, v58;
	v24 =	vand.u32 $0xFFFF0000, v24;
	v25 =	vand.u32 $0xFFFF0000, v25  }
0x124: {  	v26 =	vand.u32 $0xFFFF0000, v26;
	v28 =	vand.u32 $0xFFFF0000, v28;
	v27 =	vadd.s32 $0x7FFF, v27  }
0x125: {  	v29 =	vadd.s32 $0x7FFF, v33;
	v26 =	vmul.f32 v26, v18;
	v28 =	vmul.f32 v28, v19  }
0x126: {  	v24 =	vmul.f32 v24, v16;
	v25 =	vmul.f32 v25, v17;
	v27 =	vand.u32 $0xFFFF0000, v27  }
0x127: {  	v35 =	vand.u32 $0xFFFF0000, v29;
	v26 =	vadd.f32 v28, v26;
	v28 =	vand.u32 $0x1, v62  }
0x128: {  	v24 =	vadd.f32 v25, v24;
	v25 =	vand.u32 $0xFFFF0000, v60;
	v28 =	vadd.s32 v28, v56  }
0x129: {  	v27 =	vmul.f32 v27, v21;
	v25 =	vmul.f32 v25, v20;
	v28 =	vadd.s32 $0x7FFF, v28  }
0x12a: {  	v36 =	vmul.f32 v35, v23;
	v34 =	vand.u32 $0xFFFF0000, v28  }
0x12b: {  	v24 =	vadd.f32 v26, v24;
	v25 =	vadd.f32 v27, v25;
	v26 =	vmul.f32 v34, v22;
	_ =	sdelay $0x1  }
0x12c: {  	v24 =	vadd.f32 v25, v24;
	v37 =	vadd.f32 v36, v26;
	_ =	sdelay $0x1  }
0x12d: {  	v24 =	vadd.f32 v37, v24;
	_ =	sdelay $0x1  }
0x12e: {  	[tilespmem:$0x8580] =	vst v24  }
0x12f: {  	v24 =	vld [tilespmem:s19+$0x80]  }
0x130: {  	v38 =	vld [tilespmem:s19+$0x90]  }
0x131: {  	v39 =	vld [tilespmem:s19+$0xA0]  }
0x132: {  	v41 =	vld [tilespmem:s19+$0xB0]  }
0x133: {  	v44 =	vld [tilespmem:s19+$0xC0]  }
0x134: {  	v47 =	vld [tilespmem:s19+$0xD0]  }
0x135: {  	v49 =	vld [tilespmem:s19+$0xE0]  }
0x136: {  	v51 =	vld [tilespmem:s19+$0xF0];
	_ =	sdelay $0x2  }
0x137: {  	v40 =	vshrl.u32 v24, $0x10;
	v42 =	vshrl.u32 v38, $0x10  }
0x138: {  	v45 =	vshrl.u32 v39, $0x10;
	v46 =	vshrl.u32 v41, $0x10;
	v50 =	vshrl.u32 v44, $0x10  }
0x139: {  	v52 =	vshrl.u32 v47, $0x10;
	v55 =	vshrl.u32 v49, $0x10;
	v56 =	vshrl.u32 v51, $0x10  }
0x13a: {  	v27 =	vand.u32 $0x1, v40;
	v43 =	vand.u32 $0x1, v42;
	v29 =	vand.u32 $0x1, v45  }
0x13b: {  	v48 =	vand.u32 $0x1, v46;
	v30 =	vand.u32 $0x1, v50;
	v54 =	vand.u32 $0x1, v52  }
0x13c: {  	v24 =	vadd.s32 v27, v24;
	v25 =	vadd.s32 v43, v38;
	v26 =	vadd.s32 v29, v39  }
0x13d: {  	v28 =	vadd.s32 v48, v41;
	v27 =	vadd.s32 v30, v44;
	v30 =	vand.u32 $0x1, v56  }
0x13e: {  	v24 =	vadd.s32 $0x7FFF, v24;
	v25 =	vadd.s32 $0x7FFF, v25;
	v26 =	vadd.s32 $0x7FFF, v26  }
0x13f: {  	v28 =	vadd.s32 $0x7FFF, v28;
	v53 =	vadd.s32 $0x7FFF, v27;
	v27 =	vadd.s32 v54, v47  }
0x140: {  	v57 =	vadd.s32 v30, v51;
	v24 =	vand.u32 $0xFFFF0000, v24;
	v25 =	vand.u32 $0xFFFF0000, v25  }
0x141: {  	v26 =	vand.u32 $0xFFFF0000, v26;
	v28 =	vand.u32 $0xFFFF0000, v28;
	v27 =	vadd.s32 $0x7FFF, v27  }
0x142: {  	v29 =	vadd.s32 $0x7FFF, v57;
	v26 =	vmul.f32 v26, v18;
	v28 =	vmul.f32 v28, v19  }
0x143: {  	v24 =	vmul.f32 v24, v16;
	v25 =	vmul.f32 v25, v17;
	v27 =	vand.u32 $0xFFFF0000, v27  }
0x144: {  	v59 =	vand.u32 $0xFFFF0000, v29;
	v26 =	vadd.f32 v28, v26;
	v28 =	vand.u32 $0x1, v55  }
0x145: {  	v24 =	vadd.f32 v25, v24;
	v25 =	vand.u32 $0xFFFF0000, v53;
	v28 =	vadd.s32 v28, v49  }
0x146: {  	v27 =	vmul.f32 v27, v21;
	v25 =	vmul.f32 v25, v20;
	v28 =	vadd.s32 $0x7FFF, v28  }
0x147: {  	v60 =	vmul.f32 v59, v23;
	v58 =	vand.u32 $0xFFFF0000, v28  }
0x148: {  	v24 =	vadd.f32 v26, v24;
	v25 =	vadd.f32 v27, v25;
	v26 =	vmul.f32 v58, v22;
	_ =	sdelay $0x1  }
0x149: {  	v24 =	vadd.f32 v25, v24;
	v61 =	vadd.f32 v60, v26;
	_ =	sdelay $0x1  }
0x14a: {  	v24 =	vadd.f32 v61, v24;
	_ =	sdelay $0x1  }
0x14b: {  	[tilespmem:$0x8600] =	vst v24  }
0x14c: {  	v24 =	vld [tilespmem:s19+$0x100]  }
0x14d: {  	v62 =	vld [tilespmem:s19+$0x110]  }
0x14e: {  	v63 =	vld [tilespmem:s19+$0x120]  }
0x14f: {  	v33 =	vld [tilespmem:s19+$0x130]  }
0x150: {  	v36 =	vld [tilespmem:s19+$0x140]  }
0x151: {  	v39 =	vld [tilespmem:s19+$0x150]  }
0x152: {  	v41 =	vld [tilespmem:s19+$0x160]  }
0x153: {  	v43 =	vld [tilespmem:s19+$0x170];
	_ =	sdelay $0x2  }
0x154: {  	v32 =	vshrl.u32 v24, $0x10;
	v34 =	vshrl.u32 v62, $0x10  }
0x155: {  	v37 =	vshrl.u32 v63, $0x10;
	v38 =	vshrl.u32 v33, $0x10;
	v42 =	vshrl.u32 v36, $0x10  }
0x156: {  	v44 =	vshrl.u32 v39, $0x10;
	v47 =	vshrl.u32 v41, $0x10;
	v48 =	vshrl.u32 v43, $0x10  }
0x157: {  	v27 =	vand.u32 $0x1, v32;
	v35 =	vand.u32 $0x1, v34;
	v29 =	vand.u32 $0x1, v37  }
0x158: {  	v40 =	vand.u32 $0x1, v38;
	v30 =	vand.u32 $0x1, v42;
	v46 =	vand.u32 $0x1, v44  }
0x159: {  	v24 =	vadd.s32 v27, v24;
	v25 =	vadd.s32 v35, v62;
	v26 =	vadd.s32 v29, v63  }
0x15a: {  	v28 =	vadd.s32 v40, v33;
	v27 =	vadd.s32 v30, v36;
	v30 =	vand.u32 $0x1, v48  }
0x15b: {  	v24 =	vadd.s32 $0x7FFF, v24;
	v25 =	vadd.s32 $0x7FFF, v25;
	v26 =	vadd.s32 $0x7FFF, v26  }
0x15c: {  	v28 =	vadd.s32 $0x7FFF, v28;
	v45 =	vadd.s32 $0x7FFF, v27;
	v27 =	vadd.s32 v46, v39  }
0x15d: {  	v49 =	vadd.s32 v30, v43;
	v24 =	vand.u32 $0xFFFF0000, v24;
	v25 =	vand.u32 $0xFFFF0000, v25  }
0x15e: {  	v26 =	vand.u32 $0xFFFF0000, v26;
	v28 =	vand.u32 $0xFFFF0000, v28;
	v27 =	vadd.s32 $0x7FFF, v27  }
0x15f: {  	v29 =	vadd.s32 $0x7FFF, v49;
	v26 =	vmul.f32 v26, v18;
	v28 =	vmul.f32 v28, v19  }
0x160: {  	v24 =	vmul.f32 v24, v16;
	v25 =	vmul.f32 v25, v17;
	v27 =	vand.u32 $0xFFFF0000, v27  }
0x161: {  	v51 =	vand.u32 $0xFFFF0000, v29;
	v26 =	vadd.f32 v28, v26;
	v28 =	vand.u32 $0x1, v47  }
0x162: {  	v24 =	vadd.f32 v25, v24;
	v25 =	vand.u32 $0xFFFF0000, v45;
	v28 =	vadd.s32 v28, v41  }
0x163: {  	v27 =	vmul.f32 v27, v21;
	v25 =	vmul.f32 v25, v20;
	v28 =	vadd.s32 $0x7FFF, v28  }
0x164: {  	v52 =	vmul.f32 v51, v23;
	v50 =	vand.u32 $0xFFFF0000, v28  }
0x165: {  	v24 =	vadd.f32 v26, v24;
	v25 =	vadd.f32 v27, v25;
	v26 =	vmul.f32 v50, v22;
	_ =	sdelay $0x1  }
0x166: {  	v24 =	vadd.f32 v25, v24;
	v53 =	vadd.f32 v52, v26;
	_ =	sdelay $0x1  }
0x167: {  	v24 =	vadd.f32 v53, v24;
	_ =	sdelay $0x1  }
0x168: {  	[tilespmem:$0x8680] =	vst v24  }
0x169: {  	v24 =	vld [tilespmem:s19+$0x180]  }
0x16a: {  	v54 =	vld [tilespmem:s19+$0x190]  }
0x16b: {  	v55 =	vld [tilespmem:s19+$0x1A0]  }
0x16c: {  	v57 =	vld [tilespmem:s19+$0x1B0]  }
0x16d: {  	v60 =	vld [tilespmem:s19+$0x1C0]  }
0x16e: {  	v63 =	vld [tilespmem:s19+$0x1D0]  }
0x16f: {  	v36 =	vld [tilespmem:s19+$0x1E0]  }
0x170: {  	v38 =	vld [tilespmem:s19+$0x1F0];
	_ =	sdelay $0x2  }
0x171: {  	v56 =	vshrl.u32 v24, $0x10;
	v58 =	vshrl.u32 v54, $0x10  }
0x172: {  	v61 =	vshrl.u32 v55, $0x10;
	v62 =	vshrl.u32 v57, $0x10;
	v37 =	vshrl.u32 v60, $0x10  }
0x173: {  	v39 =	vshrl.u32 v63, $0x10;
	v42 =	vshrl.u32 v36, $0x10;
	v43 =	vshrl.u32 v38, $0x10  }
0x174: {  	v27 =	vand.u32 $0x1, v56;
	v59 =	vand.u32 $0x1, v58;
	v29 =	vand.u32 $0x1, v61  }
0x175: {  	v35 =	vand.u32 $0x1, v62;
	v30 =	vand.u32 $0x1, v37;
	v41 =	vand.u32 $0x1, v39  }
0x176: {  	v24 =	vadd.s32 v27, v24;
	v25 =	vadd.s32 v59, v54;
	v26 =	vadd.s32 v29, v55  }
0x177: {  	v28 =	vadd.s32 v35, v57;
	v27 =	vadd.s32 v30, v60;
	v30 =	vand.u32 $0x1, v43  }
0x178: {  	v24 =	vadd.s32 $0x7FFF, v24;
	v25 =	vadd.s32 $0x7FFF, v25;
	v26 =	vadd.s32 $0x7FFF, v26  }
0x179: {  	v28 =	vadd.s32 $0x7FFF, v28;
	v40 =	vadd.s32 $0x7FFF, v27;
	v27 =	vadd.s32 v41, v63  }
0x17a: {  	v44 =	vadd.s32 v30, v38;
	v24 =	vand.u32 $0xFFFF0000, v24;
	v25 =	vand.u32 $0xFFFF0000, v25  }
0x17b: {  	v26 =	vand.u32 $0xFFFF0000, v26;
	v28 =	vand.u32 $0xFFFF0000, v28;
	v27 =	vadd.s32 $0x7FFF, v27  }
0x17c: {  	v29 =	vadd.s32 $0x7FFF, v44;
	v26 =	vmul.f32 v26, v18;
	v28 =	vmul.f32 v28, v19  }
0x17d: {  	v24 =	vmul.f32 v24, v16;
	v25 =	vmul.f32 v25, v17;
	v27 =	vand.u32 $0xFFFF0000, v27  }
0x17e: {  	v46 =	vand.u32 $0xFFFF0000, v29;
	v26 =	vadd.f32 v28, v26;
	v28 =	vand.u32 $0x1, v42  }
0x17f: {  	v24 =	vadd.f32 v25, v24;
	v25 =	vand.u32 $0xFFFF0000, v40;
	v28 =	vadd.s32 v28, v36  }
0x180: {  	v27 =	vmul.f32 v27, v21;
	v25 =	vmul.f32 v25, v20;
	v28 =	vadd.s32 $0x7FFF, v28  }
0x181: {  	v47 =	vmul.f32 v46, v23;
	v45 =	vand.u32 $0xFFFF0000, v28  }
0x182: {  	v24 =	vadd.f32 v26, v24;
	v25 =	vadd.f32 v27, v25;
	v26 =	vmul.f32 v45, v22;
	_ =	sdelay $0x1  }
0x183: {  	v24 =	vadd.f32 v25, v24;
	v48 =	vadd.f32 v47, v26;
	_ =	sdelay $0x1  }
0x184: {  	v24 =	vadd.f32 v48, v24;
	_ =	sdelay $0x1  }
0x185: {  	[tilespmem:$0x8700] =	vst v24  }
0x186: {  	v24 =	vld [tilespmem:s19+$0x200]  }
0x187: {  	v49 =	vld [tilespmem:s19+$0x210]  }
0x188: {  	v50 =	vld [tilespmem:s19+$0x220]  }
0x189: {  	v52 =	vld [tilespmem:s19+$0x230]  }
0x18a: {  	v55 =	vld [tilespmem:s19+$0x240]  }
0x18b: {  	v58 =	vld [tilespmem:s19+$0x250]  }
0x18c: {  	v60 =	vld [tilespmem:s19+$0x260]  }
0x18d: {  	v62 =	vld [tilespmem:s19+$0x270];
	_ =	sdelay $0x2  }
0x18e: {  	v51 =	vshrl.u32 v24, $0x10;
	v53 =	vshrl.u32 v49, $0x10  }
0x18f: {  	v56 =	vshrl.u32 v50, $0x10;
	v57 =	vshrl.u32 v52, $0x10;
	v61 =	vshrl.u32 v55, $0x10  }
0x190: {  	v63 =	vshrl.u32 v58, $0x10;
	v35 =	vshrl.u32 v60, $0x10;
	v36 =	vshrl.u32 v62, $0x10  }
0x191: {  	v27 =	vand.u32 $0x1, v51;
	v54 =	vand.u32 $0x1, v53;
	v29 =	vand.u32 $0x1, v56  }
0x192: {  	v59 =	vand.u32 $0x1, v57;
	v30 =	vand.u32 $0x1, v61;
	v34 =	vand.u32 $0x1, v63  }
0x193: {  	v24 =	vadd.s32 v27, v24;
	v25 =	vadd.s32 v54, v49;
	v26 =	vadd.s32 v29, v50  }
0x194: {  	v28 =	vadd.s32 v59, v52;
	v27 =	vadd.s32 v30, v55;
	v30 =	vand.u32 $0x1, v36  }
0x195: {  	v24 =	vadd.s32 $0x7FFF, v24;
	v25 =	vadd.s32 $0x7FFF, v25;
	v26 =	vadd.s32 $0x7FFF, v26  }
0x196: {  	v28 =	vadd.s32 $0x7FFF, v28;
	v33 =	vadd.s32 $0x7FFF, v27;
	v27 =	vadd.s32 v34, v58  }
0x197: {  	v37 =	vadd.s32 v30, v62;
	v24 =	vand.u32 $0xFFFF0000, v24;
	v25 =	vand.u32 $0xFFFF0000, v25  }
0x198: {  	v26 =	vand.u32 $0xFFFF0000, v26;
	v28 =	vand.u32 $0xFFFF0000, v28;
	v27 =	vadd.s32 $0x7FFF, v27  }
0x199: {  	v29 =	vadd.s32 $0x7FFF, v37;
	v26 =	vmul.f32 v26, v18;
	v28 =	vmul.f32 v28, v19  }
0x19a: {  	v24 =	vmul.f32 v24, v16;
	v25 =	vmul.f32 v25, v17;
	v27 =	vand.u32 $0xFFFF0000, v27  }
0x19b: {  	v39 =	vand.u32 $0xFFFF0000, v29;
	v26 =	vadd.f32 v28, v26;
	v28 =	vand.u32 $0x1, v35  }
0x19c: {  	v24 =	vadd.f32 v25, v24;
	v25 =	vand.u32 $0xFFFF0000, v33;
	v28 =	vadd.s32 v28, v60  }
0x19d: {  	v27 =	vmul.f32 v27, v21;
	v25 =	vmul.f32 v25, v20;
	v28 =	vadd.s32 $0x7FFF, v28  }
0x19e: {  	v40 =	vmul.f32 v39, v23;
	v38 =	vand.u32 $0xFFFF0000, v28  }
0x19f: {  	v24 =	vadd.f32 v26, v24;
	v25 =	vadd.f32 v27, v25;
	v26 =	vmul.f32 v38, v22;
	_ =	sdelay $0x1  }
0x1a0: {  	v24 =	vadd.f32 v25, v24;
	v41 =	vadd.f32 v40, v26;
	_ =	sdelay $0x1  }
0x1a1: {  	v24 =	vadd.f32 v41, v24;
	_ =	sdelay $0x1  }
0x1a2: {  	[tilespmem:$0x8780] =	vst v24  }
0x1a3: {  	v24 =	vld [tilespmem:s19+$0x280]  }
0x1a4: {  	v42 =	vld [tilespmem:s19+$0x290]  }
0x1a5: {  	v43 =	vld [tilespmem:s19+$0x2A0]  }
0x1a6: {  	v45 =	vld [tilespmem:s19+$0x2B0]  }
0x1a7: {  	v48 =	vld [tilespmem:s19+$0x2C0]  }
0x1a8: {  	v51 =	vld [tilespmem:s19+$0x2D0]  }
0x1a9: {  	v53 =	vld [tilespmem:s19+$0x2E0]  }
0x1aa: {  	v55 =	vld [tilespmem:s19+$0x2F0];
	_ =	sdelay $0x2  }
0x1ab: {  	v44 =	vshrl.u32 v24, $0x10;
	v46 =	vshrl.u32 v42, $0x10  }
0x1ac: {  	v49 =	vshrl.u32 v43, $0x10;
	v50 =	vshrl.u32 v45, $0x10;
	v54 =	vshrl.u32 v48, $0x10  }
0x1ad: {  	v56 =	vshrl.u32 v51, $0x10;
	v59 =	vshrl.u32 v53, $0x10;
	v60 =	vshrl.u32 v55, $0x10  }
0x1ae: {  	v27 =	vand.u32 $0x1, v44;
	v47 =	vand.u32 $0x1, v46;
	v29 =	vand.u32 $0x1, v49  }
0x1af: {  	v52 =	vand.u32 $0x1, v50;
	v30 =	vand.u32 $0x1, v54;
	v58 =	vand.u32 $0x1, v56  }
0x1b0: {  	v24 =	vadd.s32 v27, v24;
	v25 =	vadd.s32 v47, v42;
	v26 =	vadd.s32 v29, v43  }
0x1b1: {  	v28 =	vadd.s32 v52, v45;
	v27 =	vadd.s32 v30, v48;
	v30 =	vand.u32 $0x1, v60  }
0x1b2: {  	v24 =	vadd.s32 $0x7FFF, v24;
	v25 =	vadd.s32 $0x7FFF, v25;
	v26 =	vadd.s32 $0x7FFF, v26  }
0x1b3: {  	v28 =	vadd.s32 $0x7FFF, v28;
	v57 =	vadd.s32 $0x7FFF, v27;
	v27 =	vadd.s32 v58, v51  }
0x1b4: {  	v61 =	vadd.s32 v30, v55;
	v24 =	vand.u32 $0xFFFF0000, v24;
	v25 =	vand.u32 $0xFFFF0000, v25  }
0x1b5: {  	v26 =	vand.u32 $0xFFFF0000, v26;
	v28 =	vand.u32 $0xFFFF0000, v28;
	v27 =	vadd.s32 $0x7FFF, v27  }
0x1b6: {  	v29 =	vadd.s32 $0x7FFF, v61;
	v26 =	vmul.f32 v26, v18;
	v28 =	vmul.f32 v28, v19  }
0x1b7: {  	v24 =	vmul.f32 v24, v16;
	v25 =	vmul.f32 v25, v17;
	v27 =	vand.u32 $0xFFFF0000, v27  }
0x1b8: {  	v63 =	vand.u32 $0xFFFF0000, v29;
	v26 =	vadd.f32 v28, v26;
	v28 =	vand.u32 $0x1, v59  }
0x1b9: {  	v24 =	vadd.f32 v25, v24;
	v25 =	vand.u32 $0xFFFF0000, v57;
	v28 =	vadd.s32 v28, v53  }
0x1ba: {  	v27 =	vmul.f32 v27, v21;
	v25 =	vmul.f32 v25, v20;
	v28 =	vadd.s32 $0x7FFF, v28  }
0x1bb: {  	v30 =	vmul.f32 v63, v23;
	v62 =	vand.u32 $0xFFFF0000, v28  }
0x1bc: {  	v24 =	vadd.f32 v26, v24;
	v25 =	vadd.f32 v27, v25;
	v26 =	vmul.f32 v62, v22;
	_ =	sdelay $0x1  }
0x1bd: {  	v24 =	vadd.f32 v25, v24;
	v31 =	vadd.f32 v30, v26;
	_ =	sdelay $0x1  }
0x1be: {  	v24 =	vadd.f32 v31, v24;
	_ =	sdelay $0x1  }
0x1bf: {  	[tilespmem:$0x8800] =	vst v24  }
0x1c0: {  	v24 =	vld [tilespmem:s19+$0x300]  }
0x1c1: {  	v32 =	vld [tilespmem:s19+$0x310]  }
0x1c2: {  	v33 =	vld [tilespmem:s19+$0x320]  }
0x1c3: {  	v35 =	vld [tilespmem:s19+$0x330]  }
0x1c4: {  	v38 =	vld [tilespmem:s19+$0x340]  }
0x1c5: {  	v41 =	vld [tilespmem:s19+$0x350]  }
0x1c6: {  	v43 =	vld [tilespmem:s19+$0x360]  }
0x1c7: {  	v45 =	vld [tilespmem:s19+$0x370];
	_ =	sdelay $0x2  }
0x1c8: {  	v34 =	vshrl.u32 v24, $0x10;
	v36 =	vshrl.u32 v32, $0x10  }
0x1c9: {  	v39 =	vshrl.u32 v33, $0x10;
	v40 =	vshrl.u32 v35, $0x10;
	v44 =	vshrl.u32 v38, $0x10  }
0x1ca: {  	v46 =	vshrl.u32 v41, $0x10;
	v49 =	vshrl.u32 v43, $0x10;
	v50 =	vshrl.u32 v45, $0x10  }
0x1cb: {  	v27 =	vand.u32 $0x1, v34;
	v37 =	vand.u32 $0x1, v36;
	v29 =	vand.u32 $0x1, v39  }
0x1cc: {  	v42 =	vand.u32 $0x1, v40;
	v30 =	vand.u32 $0x1, v44;
	v48 =	vand.u32 $0x1, v46  }
0x1cd: {  	v24 =	vadd.s32 v27, v24;
	v25 =	vadd.s32 v37, v32;
	v26 =	vadd.s32 v29, v33  }
0x1ce: {  	v28 =	vadd.s32 v42, v35;
	v27 =	vadd.s32 v30, v38;
	v30 =	vand.u32 $0x1, v50  }
0x1cf: {  	v24 =	vadd.s32 $0x7FFF, v24;
	v25 =	vadd.s32 $0x7FFF, v25;
	v26 =	vadd.s32 $0x7FFF, v26  }
0x1d0: {  	v28 =	vadd.s32 $0x7FFF, v28;
	v47 =	vadd.s32 $0x7FFF, v27;
	v27 =	vadd.s32 v48, v41  }
0x1d1: {  	v51 =	vadd.s32 v30, v45;
	v24 =	vand.u32 $0xFFFF0000, v24;
	v25 =	vand.u32 $0xFFFF0000, v25  }
0x1d2: {  	v26 =	vand.u32 $0xFFFF0000, v26;
	v28 =	vand.u32 $0xFFFF0000, v28;
	v27 =	vadd.s32 $0x7FFF, v27  }
0x1d3: {  	v29 =	vadd.s32 $0x7FFF, v51;
	v26 =	vmul.f32 v26, v18;
	v28 =	vmul.f32 v28, v19  }
0x1d4: {  	v24 =	vmul.f32 v24, v16;
	v25 =	vmul.f32 v25, v17;
	v27 =	vand.u32 $0xFFFF0000, v27  }
0x1d5: {  	v53 =	vand.u32 $0xFFFF0000, v29;
	v26 =	vadd.f32 v28, v26;
	v28 =	vand.u32 $0x1, v49  }
0x1d6: {  	v24 =	vadd.f32 v25, v24;
	v25 =	vand.u32 $0xFFFF0000, v47;
	v28 =	vadd.s32 v28, v43  }
0x1d7: {  	v27 =	vmul.f32 v27, v21;
	v25 =	vmul.f32 v25, v20;
	v28 =	vadd.s32 $0x7FFF, v28  }
0x1d8: {  	v54 =	vmul.f32 v53, v23;
	v52 =	vand.u32 $0xFFFF0000, v28  }
0x1d9: {  	v24 =	vadd.f32 v26, v24;
	v25 =	vadd.f32 v27, v25;
	v26 =	vmul.f32 v52, v22;
	_ =	sdelay $0x1  }
0x1da: {  	v24 =	vadd.f32 v25, v24;
	v55 =	vadd.f32 v54, v26;
	_ =	sdelay $0x1  }
0x1db: {  	v24 =	vadd.f32 v55, v24;
	_ =	sdelay $0x1  }
0x1dc: {  	[tilespmem:$0x8880] =	vst v24  }
0x1dd: {  	v24 =	vld [tilespmem:s19+$0x380]  }
0x1de: {  	v56 =	vld [tilespmem:s19+$0x390]  }
0x1df: {  	v57 =	vld [tilespmem:s19+$0x3A0]  }
0x1e0: {  	v59 =	vld [tilespmem:s19+$0x3B0]  }
0x1e1: {  	v63 =	vld [tilespmem:s19+$0x3C0]  }
0x1e2: {  	v37 =	vld [tilespmem:s19+$0x3D0]  }
0x1e3: {  	v38 =	vld [tilespmem:s19+$0x3E0]  }
0x1e4: {  	v39 =	vld [tilespmem:s19+$0x3F0];
	_ =	sdelay $0x2  }
0x1e5: {  	v58 =	vshrl.u32 v24, $0x10;
	v60 =	vshrl.u32 v56, $0x10  }
0x1e6: {  	v61 =	vshrl.u32 v57, $0x10;
	v62 =	vshrl.u32 v59, $0x10;
	v41 =	vshrl.u32 v63, $0x10  }
0x1e7: {  	v42 =	vshrl.u32 v37, $0x10;
	v43 =	vshrl.u32 v38, $0x10;
	v45 =	vshrl.u32 v39, $0x10  }
0x1e8: {  	v27 =	vand.u32 $0x1, v58;
	v29 =	vand.u32 $0x1, v62;
	v44 =	vand.u32 $0x1, v43  }
0x1e9: {  	v24 =	vadd.s32 v27, v24;
	v27 =	vand.u32 $0x1, v60;
	v36 =	vadd.s32 v29, v59  }
0x1ea: {  	v28 =	vadd.s32 v44, v38;
	v25 =	vadd.s32 v27, v56;
	v27 =	vand.u32 $0x1, v61  }
0x1eb: {  	v29 =	vand.u32 $0x1, v45;
	v24 =	vadd.s32 $0x7FFF, v24;
	v26 =	vadd.s32 v27, v57  }
0x1ec: {  	v29 =	vadd.s32 v29, v39;
	v27 =	vadd.s32 $0x7FFF, v36;
	v26 =	vadd.s32 $0x7FFF, v26  }
0x1ed: {  	v28 =	vadd.s32 $0x7FFF, v28;
	v27 =	vand.u32 $0xFFFF0000, v27;
	v26 =	vand.u32 $0xFFFF0000, v26  }
0x1ee: {  	v25 =	vadd.s32 $0x7FFF, v25;
	v27 =	vmul.f32 v27, v19;
	v26 =	vmul.f32 v26, v18  }
0x1ef: {  	v24 =	vand.u32 $0xFFFF0000, v24;
	v29 =	vadd.s32 $0x7FFF, v29;
	v25 =	vand.u32 $0xFFFF0000, v25  }
0x1f0: {  	v40 =	vadd.f32 v27, v26;
	v26 =	vand.u32 $0x1, v41;
	v27 =	vand.u32 $0x1, v42  }
0x1f1: {  	v24 =	vmul.f32 v24, v16;
	v26 =	vadd.s32 v26, v63;
	v27 =	vadd.s32 v27, v37  }
0x1f2: {  	v25 =	vmul.f32 v25, v17;
	v26 =	vadd.s32 $0x7FFF, v26;
	v27 =	vadd.s32 $0x7FFF, v27  }
0x1f3: {  	v47 =	vand.u32 $0xFFFF0000, v29;
	v26 =	vand.u32 $0xFFFF0000, v26;
	v27 =	vand.u32 $0xFFFF0000, v27  }
0x1f4: {  	v24 =	vadd.f32 v25, v24;
	v26 =	vmul.f32 v26, v20;
	v27 =	vmul.f32 v27, v21  }
0x1f5: {  	v46 =	vand.u32 $0xFFFF0000, v28;
	v48 =	vmul.f32 v47, v23  }
0x1f6: {  	v25 =	vmul.f32 v46, v22;
	v24 =	vadd.f32 v40, v24;
	v26 =	vadd.f32 v27, v26;
	_ =	sdelay $0x1  }
0x1f7: {  	v25 =	vadd.f32 v48, v25;
	v24 =	vadd.f32 v26, v24;
	_ =	sdelay $0x1  }
0x1f8: {  	v24 =	vadd.f32 v25, v24;
	_ =	sdelay $0x1  }
0x1f9: {  	[tilespmem:$0x8900] =	vst v24  }
0x1fa: {  	v24 =	vld.idx.msk [tilespmem:v0+s13+$0x0], $0xffff  }
0x1fb: {  	v49 =	vld.idx.msk [tilespmem:v1+s13+$0x0], $0xffff;
	_ =	sdelay $0x1  }
0x1fc: {  	v50 =	vld.idx.msk [tilespmem:v2+s13+$0x0], $0xffff;
	_ =	sdelay $0x1  }
0x1fd: {  	v51 =	vld.idx.msk [tilespmem:v3+s13+$0x0], $0xffff  }
0x1fe: {  	v24 =	vadd.f32 v49, v24  }
0x1ff: {  	v52 =	vld.idx.msk [tilespmem:v4+s13+$0x0], $0xffff  }
0x200: {  	v24 =	vadd.f32 v50, v24  }
0x201: {  	v53 =	vld.idx.msk [tilespmem:v5+s13+$0x0], $0xffff  }
0x202: {  	v24 =	vadd.f32 v51, v24  }
0x203: {  	v54 =	vld.idx.msk [tilespmem:v6+s13+$0x0], $0xffff  }
0x204: {  	v24 =	vadd.f32 v52, v24  }
0x205: {  	v55 =	vld.idx.msk [tilespmem:v7+s13+$0x0], $0xffff  }
0x206: {  	v24 =	vadd.f32 v53, v24  }
0x207: {  	v56 =	vld.idx.msk [tilespmem:v8+s13+$0x0], $0xffff  }
0x208: {  	v24 =	vadd.f32 v54, v24  }
0x209: {  	v57 =	vld.idx.msk [tilespmem:v9+s13+$0x0], $0xffff  }
0x20a: {  	v24 =	vadd.f32 v55, v24  }
0x20b: {  	v58 =	vld.idx.msk [tilespmem:v10+s13+$0x0], $0xffff  }
0x20c: {  	v24 =	vadd.f32 v56, v24  }
0x20d: {  	v59 =	vld.idx.msk [tilespmem:v11+s13+$0x0], $0xffff  }
0x20e: {  	v24 =	vadd.f32 v57, v24  }
0x20f: {  	v60 =	vld.idx.msk [tilespmem:v12+s13+$0x0], $0xffff  }
0x210: {  	v24 =	vadd.f32 v58, v24  }
0x211: {  	v61 =	vld.idx.msk [tilespmem:v13+s13+$0x0], $0xffff  }
0x212: {  	v24 =	vadd.f32 v59, v24  }
0x213: {  	v62 =	vld.idx.msk [tilespmem:v14+s13+$0x0], $0xffff  }
0x214: {  	v24 =	vadd.f32 v60, v24  }
0x215: {  	v63 =	vld.idx.msk [tilespmem:v15+s13+$0x0], $0xffff  }
0x216: {  	v24 =	vadd.f32 v61, v24  }
0x217: {  	p1 =	sne.s32 s18, $0x3C0  }
.Ltmp0:
0x218: {  	v24 =	vadd.f32 v62, v24;
	(pc) =	sbr.rel @p1 .LBB2_3-.Ltmp0, $4  }
0x219: {  	_ = 	snop  }
0x21a: {  	v24 =	vadd.f32 v63, v24  }
0x21b: {  	s20 =	sshra.s32 s18, $0x2  }
0x21c: {  	s18 =	sadd.s32 $0x40, s18;
	s19 =	sadd.s32 $0x800, s19;
	[tilespmem:s20+$0x8080] =	vst v24  }
0x21d: {  	s17 =	sor.u32 s8, s17  }
0x21e: {  	s17 =	sshrl.u32 s17, $0x3  }
.Ltmp1:
0x21f: {  	s17 =	sadd.s32 s4, s17;
	(pc) =	sbr.rel @p0 .LBB2_2-.Ltmp1, $4  }
0x220: {  	[hbm4b:s17+s14] =	stream.strided.scatter [tilespmem:s16], [sflag:$0x2], $0x100, s15, s14, $0x38;
	[tilespmem:$0x8980] =	vst v63  }
0x221: {  	_ =	swait.ge [sflag:s11], $0x100  }
0x222: {  	[sflag:s11] =	ssyncset.done $0x0  }
0x223: {  	p1 =	por $0x0, $0x0;
	s17 =	simm.s32 $0x1;
	[sflag:s11] =	ssyncadd.s32 $0xFFFFFF00  }
0x224: {  	s1 =	sadd.s32 $0x1, s1  }
0x225: {  	p0 =	sne.s32 s1, s9  }
.Ltmp2:
0x226: {  	_ = 	snop;
	(pc) =	sbr.rel @p0 .LBB2_1-.Ltmp2, $1  }
0x227: {  	_ =	sdelay $0x3  }
0x228: {  	_ =	sfence.sel $0x180000  }
0x229: {  	[bflag:$0x0] =	sbarrier.arrive $0xFFFF  }
0x22a: {  	p0 =	sne.s32 s2, $0x0;
	_ =	strace $0x90000047  }
0x22b: {  	s0 =	sadd.s32 @!p0 $0x100000, s0;
	[bflag:$0x2] =	sbarrier.arrive $0xFFFF  }
0x22c: {  	[sflag:s0] =	ssyncadd.tile.s32 @!p0 $0x1;
	_ =	shalt  }
.Lfunc_end2:
_tile_overlayer_lowered:
.L_overlay_start_2:
0x22d: {  	(tag) =	ssettag $0x2  }
0x22e: {  	s0 =	rddreg [dreg:$0x0];
	s2 =	stileid.u32  }
0x22f: {  	s1 =	rddreg [dreg:$0x1];
	p0 =	sne.s32 s2, $0x0  }
0x230: {  	s3 =	rddreg [dreg:$0x2];
	[bflag:$0x3] =	sbarrier.arrive $0xFFFF;
	s2 =	simm.s32 @!p0 $0x1C02  }
0x231: {  	[timem:s3], [sflag:s2] =	dma.local @!p0 [hbm:s0], s1  }
0x232: {  	s0 =	simm.s32 @!p0 $0x2  }
0x233: {  	_ =	swait.ge @!p0 [sflag:s0], s1  }
0x234: {  	s1 =	ssub.s32 @!p0 $0x0, s1;
	[sflag:s0] =	ssyncset.done @!p0 $0x0  }
0x235: {  	[sflag:s0] =	ssyncadd.s32 @!p0 s1  }
0x236: {  	[bflag:$0x3] =	sbarrier.arrive $0xFFFF  }
0x237: {  	_ =	shalt  }

</sc_bundles>
